<compile_context>
chip_gen: v7x
topology: tpu7x:2x2x1
jax: 0.10.2.dev20260603
libtpu: 0.0.44.dev20260713+nightly
codegen_flags: <defaults>
</compile_context>

<pallas_src>
import functools

import jax
import jax.numpy as jnp
from jax import lax
from jax.experimental import pallas as pl
from jax.experimental.pallas import tpu as pltpu
from jax.experimental.pallas import tpu_sc as plsc

B, S = 4096, 200
D = 64
V = 1000000
NFULL = V // 128
VTAIL = V - NFULL * 128

_INFO = plsc.get_sparse_core_info()
_NC, _NS = _INFO.num_cores, _INFO.num_subcores
_NW = _NC * _NS

_MESH = plsc.VectorSubcoreMesh(core_axis_name="c", subcore_axis_name="s")
_TILED = pltpu.CompilerParams(use_tc_tiling_on_sc=True,
                              needs_layout_passes=False)


def _iotas():
    base = jnp.arange(16, dtype=jnp.int32)
    return [base + 16 * k for k in range(8)]


@functools.partial(
    pl.kernel,
    mesh=_MESH,
    out_type=jax.ShapeDtypeStruct((V, 128), jnp.float32),
    scratch_types=[
        pltpu.VMEM((64, 128), jnp.float32),
        pltpu.VMEM((64, 128), jnp.float32),
        pltpu.VMEM((128, 128), jnp.float32),
        pltpu.VMEM((128, 128), jnp.float32),
        pltpu.VMEM((64, 64), jnp.float32),
        pltpu.VMEM((64, 128), jnp.float32),
        pltpu.SemaphoreType.DMA,
        pltpu.SemaphoreType.DMA,
        pltpu.SemaphoreType.DMA,
        pltpu.SemaphoreType.DMA,
    ],
    compiler_params=_TILED,
)
def _repack(wt_hbm, wd_hbm, s0, s1, d0, d1, s_t, d_t, rs0, rs1, ws0, ws1):
    wid = lax.axis_index("s") * _NC + lax.axis_index("c")
    cnt = jnp.where(wid < 2, 246, 244)
    base = jnp.where(wid < 2, 246 * wid, 492 + 244 * (wid - 2))
    n_it = cnt // 2
    rows = _iotas()[:4]
    zero16 = jnp.zeros((16,), jnp.int32)
    srcs = (s0, s1)
    dsts = (d0, d1)
    rsem = (rs0, rs1)
    wsem = (ws0, ws1)

    def fire_read(i, p):
        pltpu.async_copy(wt_hbm.at[:, pl.ds((base + i) * 128, 128)],
                         srcs[p], rsem[p])

    def wait_read(p):
        pltpu.make_async_copy(wt_hbm.at[:, pl.ds(0, 128)], srcs[p],
                              rsem[p]).wait()

    def fire_write(i, p):
        pltpu.async_copy(dsts[p], wd_hbm.at[pl.ds((base + i) * 128, 128)],
                         wsem[p])

    def wait_write(p):
        pltpu.make_async_copy(dsts[p], wd_hbm.at[pl.ds(0, 128)],
                              wsem[p]).wait()

    def pack(src, dst, nj):
        mask = nj - 1

        @plsc.parallel_loop(0, nj, 1, unroll=4)
        def _(d):
            for k in range(4):
                cvec = rows[k]
                jvec = lax.bitwise_and(d + cvec, mask)
                val = plsc.load_gather(src, [cvec, jvec])
                plsc.store_scatter(dst, [jvec, cvec], val)

    fire_read(0, 0)
    fire_read(1, 1)

    def body(it, carry):
        i = it * 2
        for p in range(2):
            wait_read(p)

            @pl.when(it > 0)
            def _():
                wait_write(p)
            pack(srcs[p], dsts[p], 128)
            fire_write(i + p, p)

            @pl.when(it + 1 < n_it)
            def _():
                fire_read(i + p + 2, p)
        return carry

    lax.fori_loop(0, n_it, body, 0)
    wait_write(0)
    wait_write(1)

    @pl.when(wid == _NW - 1)
    def _():
        pltpu.sync_copy(wt_hbm.at[:, pl.ds(NFULL * 128, VTAIL)], s_t)
        pack(s_t, d_t, VTAIL)
        pltpu.sync_copy(d_t, wd_hbm.at[pl.ds(NFULL * 128, VTAIL)])


@functools.partial(
    pl.kernel,
    mesh=_MESH,
    out_type=jax.ShapeDtypeStruct((S, D, B), jnp.float32),
    scratch_types=[
        pltpu.VMEM((128, S), jnp.int32),
        pltpu.VMEM((128,), jnp.int32),
        pltpu.VMEM((128,), jnp.int32),
        pltpu.VMEM((128, 128), jnp.float32),
        pltpu.VMEM((128, 128), jnp.float32),
        pltpu.VMEM((64, 128), jnp.float32),
        pltpu.VMEM((64, 128), jnp.float32),
        pltpu.SemaphoreType.DMA,
        pltpu.SemaphoreType.DMA,
        pltpu.SemaphoreType.DMA,
        pltpu.SemaphoreType.DMA,
    ],
    compiler_params=_TILED,
)
def _gather(wd_hbm, x_hbm, out_hbm, x_v, vi0, vi1, pr0, pr1, t0, t1,
            gs0, gs1, ss0, ss1):
    wid = lax.axis_index("s") * _NC + lax.axis_index("c")
    bpw = B // _NW
    b0 = wid * bpw
    rows = _iotas()
    zero16 = jnp.zeros((16,), jnp.int32)
    vidx = (vi0, vi1)
    wide = (pr0, pr1)
    tile = (t0, t1)
    gsem = (gs0, gs1)
    ssem = (ss0, ss1)

    pltpu.sync_copy(x_hbm.at[pl.ds(b0, bpw)], x_v)

    def extract_fire(s, p):
        scol = zero16 + s
        for k in range(8):
            r = plsc.load_gather(x_v, [rows[k], scol])
            vidx[p][pl.ds(16 * k, 16)] = r
        pltpu.async_copy(wd_hbm.at[vidx[p]], wide[p], gsem[p])

    def wait_gather(p):
        pltpu.make_async_copy(wd_hbm.at[pl.ds(0, 128)], wide[p],
                              gsem[p]).wait()

    def compact(p):
        wd, tl = wide[p], tile[p]

        @plsc.parallel_loop(0, 128, 1, unroll=4)
        def _(d):
            for k in range(4):
                cvec = rows[k]
                jvec = lax.bitwise_and(d + cvec, 127)
                val = plsc.load_gather(wd, [jvec, cvec])
                plsc.store_scatter(tl, [cvec, jvec], val)

    def fire_store(s, p):
        pltpu.async_copy(tile[p], out_hbm.at[s, :, pl.ds(b0, bpw)], ssem[p])

    def wait_store(p):
        pltpu.make_async_copy(tile[p], out_hbm.at[0, :, pl.ds(0, bpw)],
                              ssem[p]).wait()

    extract_fire(0, 0)
    extract_fire(1, 1)

    def body(it, carry):
        s = it * 2
        for p in range(2):
            wait_gather(p)

            @pl.when(it > 0)
            def _():
                wait_store(p)
            compact(p)
            fire_store(s + p, p)

            @pl.when(it + 1 < S // 2)
            def _():
                extract_fire(s + p + 2, p)
        return carry

    lax.fori_loop(0, S // 2, body, 0)
    wait_store(0)
    wait_store(1)


def kernel(x, weight):
    w_dup = _repack(weight.T)
    out_t = _gather(w_dup, x.astype(jnp.int32))
    return out_t.transpose(2, 0, 1)

# --- scband reference (transcript-rebuilt; emitter-appended) ---
"""Pipeline reference for scband-embedding-76330158784764 (READ-ONLY COPY).

The authoritative reference and input builder live on the scoring server;
editing this copy changes nothing except your own understanding.
"""

import jax, jax.numpy as jnp
import numpy as np

VOCAB = 1000000
NINP = 64
PAD_IDX = 1

def setup_inputs(seed: int = 0) -> dict:
    key = jax.random.key(seed)
    k_idx, k_w = jax.random.split(key)
    x = jax.random.randint(k_idx, (4096, 200), 0, VOCAB, dtype=jnp.int64) if jax.config.jax_enable_x64 else jax.random.randint(k_idx, (4096, 200), 0, VOCAB).astype(jnp.int32)
    weight = jax.random.normal(k_w, (VOCAB, NINP), dtype=jnp.float32)
    # padding_idx row is zero-initialized in nn.Embedding
    weight = weight.at[PAD_IDX].set(0.0)
    return {"x": x, "weight": weight}

def reference(x, weight):
    # nn.Embedding forward: gather rows of the table
    return jnp.take(weight, x, axis=0)

if __name__ == "__main__":
    import jax
    _d = setup_inputs()
    print(jax.jit(kernel)(*tuple(_d.values())))

</pallas_src>

<mosaic_0001>
#map = affine_map<(d0, d1) -> (0, 0)>
module attributes {stable_mosaic.version = 14 : i64} {
  func.func @_repack(%arg0: i32, %arg1: i32, %arg2: memref<64x1000000xf32, #tpu.memory_space<hbm>>, %arg3: memref<1000000x128xf32, #tpu.memory_space<hbm>>, %arg4: memref<64x128xf32, #tpu.memory_space<vmem>>, %arg5: memref<64x128xf32, #tpu.memory_space<vmem>>, %arg6: memref<128x128xf32, #tpu.memory_space<vmem>>, %arg7: memref<128x128xf32, #tpu.memory_space<vmem>>, %arg8: memref<64x64xf32, #tpu.memory_space<vmem>>, %arg9: memref<64x128xf32, #tpu.memory_space<vmem>>, %arg10: memref<!tpu.dma_semaphore, #tpu.memory_space<semaphore_mem>>, %arg11: memref<!tpu.dma_semaphore, #tpu.memory_space<semaphore_mem>>, %arg12: memref<!tpu.dma_semaphore, #tpu.memory_space<semaphore_mem>>, %arg13: memref<!tpu.dma_semaphore, #tpu.memory_space<semaphore_mem>>) attributes {dimension_semantics = [#tpu.dimension_semantics<core_parallel>, #tpu.dimension_semantics<subcore_parallel>], iteration_bounds = array<i64: 2, 16>, scalar_prefetch = 0 : i64, scratch_operands = 10 : i64, tpu.core_type = #tpu.core_type<sc_vector_subcore>, window_params = [{transform_indices = #map}, {transform_indices = #map}]} {
    %mul3A = arith.constant 2 : i32
    %mul3A_0 = arith.muli %arg1, %mul3A : i32
    %add3A = arith.addi %mul3A_0, %arg0 : i32
    %lt3A = arith.constant 2 : i32
    %lt3A_1 = arith.cmpi slt, %add3A, %lt3A : i32
    %jit3A = arith.constant 246 : i32
    %jit3A_2 = arith.constant 244 : i32
    %select_n3A = arith.select %lt3A_1, %jit3A, %jit3A_2 : i32
    %lt3A_3 = arith.constant 2 : i32
    %lt3A_4 = arith.cmpi slt, %add3A, %lt3A_3 : i32
    %mul3A_5 = arith.constant 246 : i32
    %mul3A_6 = arith.muli %mul3A_5, %add3A : i32
    %sub3A = arith.constant 2 : i32
    %sub3A_7 = arith.subi %add3A, %sub3A : i32
    %mul3A_8 = arith.constant 244 : i32
    %mul3A_9 = arith.muli %mul3A_8, %sub3A_7 : i32
    %add3A_10 = arith.constant 492 : i32
    %add3A_11 = arith.addi %add3A_10, %mul3A_9 : i32
    %select_n3A_12 = arith.select %lt3A_4, %mul3A_6, %add3A_11 : i32
    %jit3A_13 = arith.constant 2 : i32
    %div3A = arith.divsi %select_n3A, %jit3A_13 : i32
    %sign3A = arith.constant 0 : i32
    %sign3A_14 = arith.cmpi sgt, %select_n3A, %sign3A : i32
    %sign3A_15 = arith.extui %sign3A_14 : i1 to i32
    %sign3A_16 = arith.constant 0 : i32
    %sign3A_17 = arith.cmpi slt, %select_n3A, %sign3A_16 : i32
    %sign3A_18 = arith.extui %sign3A_17 : i1 to i32
    %sign3A_19 = arith.subi %sign3A_15, %sign3A_18 : i32
    %sign3A_20 = arith.constant 0 : i32
    %sign3A_21 = arith.cmpi sgt, %jit3A_13, %sign3A_20 : i32
    %sign3A_22 = arith.extui %sign3A_21 : i1 to i32
    %sign3A_23 = arith.constant 0 : i32
    %sign3A_24 = arith.cmpi slt, %jit3A_13, %sign3A_23 : i32
    %sign3A_25 = arith.extui %sign3A_24 : i1 to i32
    %sign3A_26 = arith.subi %sign3A_22, %sign3A_25 : i32
    %ne3A = arith.cmpi ne, %sign3A_19, %sign3A_26 : i32
    %rem3A = arith.remsi %select_n3A, %jit3A_13 : i32
    %ne3A_27 = arith.constant 0 : i32
    %ne3A_28 = arith.cmpi ne, %rem3A, %ne3A_27 : i32
    %and3A = arith.andi %ne3A, %ne3A_28 : i1
    %sub3A_29 = arith.constant 1 : i32
    %sub3A_30 = arith.subi %div3A, %sub3A_29 : i32
    %select_n3A_31 = arith.select %and3A, %sub3A_30, %div3A : i32
    %iota3A = tpu.iota {dimensions = array<i32: 0>} : vector<16xi32>
    %add3A_32 = arith.constant 0 : i32
    %add3A_33 = vector.broadcast %add3A_32 : i32 to vector<16xi32>
    %add3A_34 = arith.addi %iota3A, %add3A_33 : vector<16xi32>
    %add3A_35 = arith.constant 16 : i32
    %add3A_36 = vector.broadcast %add3A_35 : i32 to vector<16xi32>
    %add3A_37 = arith.addi %iota3A, %add3A_36 : vector<16xi32>
    %add3A_38 = arith.constant 32 : i32
    %add3A_39 = vector.broadcast %add3A_38 : i32 to vector<16xi32>
    %add3A_40 = arith.addi %iota3A, %add3A_39 : vector<16xi32>
    %add3A_41 = arith.constant 48 : i32
    %add3A_42 = vector.broadcast %add3A_41 : i32 to vector<16xi32>
    %add3A_43 = arith.addi %iota3A, %add3A_42 : vector<16xi32>
    %add3A_44 = arith.constant 64 : i32
    %add3A_45 = vector.broadcast %add3A_44 : i32 to vector<16xi32>
    %add3A_46 = arith.addi %iota3A, %add3A_45 : vector<16xi32>
    %add3A_47 = arith.constant 80 : i32
    %add3A_48 = vector.broadcast %add3A_47 : i32 to vector<16xi32>
    %add3A_49 = arith.addi %iota3A, %add3A_48 : vector<16xi32>
    %add3A_50 = arith.constant 96 : i32
    %add3A_51 = vector.broadcast %add3A_50 : i32 to vector<16xi32>
    %add3A_52 = arith.addi %iota3A, %add3A_51 : vector<16xi32>
    %add3A_53 = arith.constant 112 : i32
    %add3A_54 = vector.broadcast %add3A_53 : i32 to vector<16xi32>
    %add3A_55 = arith.addi %iota3A, %add3A_54 : vector<16xi32>
    %broadcast_in_dim3A = arith.constant 0 : i32
    %broadcast_in_dim3A_56 = vector.broadcast %broadcast_in_dim3A : i32 to vector<16xi32>
    %add3A_57 = arith.constant 0 : i32
    %add3A_58 = arith.addi %select_n3A_12, %add3A_57 : i32
    %mul3A_59 = arith.constant 128 : i32
    %mul3A_60 = arith.muli %add3A_58, %mul3A_59 : i32
    %dma_start3A = arith.constant 0 : i32
    %dma_start3A_61 = tpu.memref_slice %arg2[%dma_start3A, %mul3A_60] : memref<64x1000000xf32, #tpu.memory_space<hbm>> -> memref<64x128xf32, #tpu.memory_space<hbm>>
    %dma_start3A_62 = arith.constant 0 : i32
    %dma_start3A_63 = tpu.memref_slice %arg2[%dma_start3A_62, %mul3A_60] : memref<64x1000000xf32, #tpu.memory_space<hbm>> -> memref<64x128xf32, #tpu.memory_space<hbm>>
    tpu.enqueue_dma source(%dma_start3A_63 : memref<64x128xf32, #tpu.memory_space<hbm>>) target(%arg4 : memref<64x128xf32, #tpu.memory_space<vmem>>) target_semaphore(%arg10 : memref<!tpu.dma_semaphore, #tpu.memory_space<semaphore_mem>>)
    %add3A_64 = arith.constant 1 : i32
    %add3A_65 = arith.addi %select_n3A_12, %add3A_64 : i32
    %mul3A_66 = arith.constant 128 : i32
    %mul3A_67 = arith.muli %add3A_65, %mul3A_66 : i32
    %dma_start3A_68 = arith.constant 0 : i32
    %dma_start3A_69 = tpu.memref_slice %arg2[%dma_start3A_68, %mul3A_67] : memref<64x1000000xf32, #tpu.memory_space<hbm>> -> memref<64x128xf32, #tpu.memory_space<hbm>>
    %dma_start3A_70 = arith.constant 0 : i32
    %dma_start3A_71 = tpu.memref_slice %arg2[%dma_start3A_70, %mul3A_67] : memref<64x1000000xf32, #tpu.memory_space<hbm>> -> memref<64x128xf32, #tpu.memory_space<hbm>>
    tpu.enqueue_dma source(%dma_start3A_71 : memref<64x128xf32, #tpu.memory_space<hbm>>) target(%arg5 : memref<64x128xf32, #tpu.memory_space<vmem>>) target_semaphore(%arg11 : memref<!tpu.dma_semaphore, #tpu.memory_space<semaphore_mem>>)
    %while3A = arith.constant 0 : i32
    %while3A_72 = arith.constant 0 : i32
    %while3A_73 = arith.subi %select_n3A_31, %while3A_72 : i32
    %while3A_74 = arith.addi %while3A_72, %while3A_73 : i32
    %while3A_75 = arith.constant 1 : i32
    %while3A_76 = arith.divsi %while3A_73, %while3A_75 : i32
    %while3A_77 = arith.muli %while3A_76, %while3A_75 : i32
    %while3A_78 = arith.addi %while3A_72, %while3A_77 : i32
    %while3A_79 = arith.constant 1 : i32
    scf.for %while3A_94 = %while3A_72 to %while3A_78 step %while3A_79  : i32 {
      %mul3A_95 = arith.constant 2 : i32
      %mul3A_96 = arith.muli %while3A_94, %mul3A_95 : i32
      %dma_wait3A_97 = arith.constant 0 : i32
      %dma_wait3A_98 = arith.constant 0 : i32
      %dma_wait3A_99 = tpu.memref_slice %arg2[%dma_wait3A_97, %dma_wait3A_98] : memref<64x1000000xf32, #tpu.memory_space<hbm>> -> memref<64x128xf32, #tpu.memory_space<hbm>>
      %dma_wait3A_100 = arith.constant 0 : i32
      %dma_wait3A_101 = arith.constant 0 : i32
      %dma_wait3A_102 = tpu.memref_slice %arg2[%dma_wait3A_100, %dma_wait3A_101] : memref<64x1000000xf32, #tpu.memory_space<hbm>> -> memref<64x128xf32, #tpu.memory_space<hbm>>
      tpu.wait_dma2 semaphore(%arg10 : memref<!tpu.dma_semaphore, #tpu.memory_space<semaphore_mem>>) src(%dma_wait3A_102 : memref<64x128xf32, #tpu.memory_space<hbm>>) dst(%arg4 : memref<64x128xf32, #tpu.memory_space<vmem>>)
      %gt3A = arith.constant 0 : i32
      %gt3A_103 = arith.cmpi sgt, %while3A_94, %gt3A : i32
      %convert_element_type3A_104 = arith.extui %gt3A_103 : i1 to i32
      %cond3A_105 = arith.constant 0 : i32
      %cond3A_106 = arith.cmpi ne, %convert_element_type3A_104, %cond3A_105 : i32
      scf.if %cond3A_106 {
        %dma_wait3A_153 = arith.constant 0 : i32
        %dma_wait3A_154 = arith.constant 0 : i32
        %dma_wait3A_155 = tpu.memref_slice %arg3[%dma_wait3A_153, %dma_wait3A_154] : memref<1000000x128xf32, #tpu.memory_space<hbm>> -> memref<128x128xf32, #tpu.memory_space<hbm>>
        %dma_wait3A_156 = arith.constant 0 : i32
        %dma_wait3A_157 = arith.constant 0 : i32
        %dma_wait3A_158 = tpu.memref_slice %arg3[%dma_wait3A_156, %dma_wait3A_157] : memref<1000000x128xf32, #tpu.memory_space<hbm>> -> memref<128x128xf32, #tpu.memory_space<hbm>>
        tpu.wait_dma2 semaphore(%arg12 : memref<!tpu.dma_semaphore, #tpu.memory_space<semaphore_mem>>) src(%arg6 : memref<128x128xf32, #tpu.memory_space<vmem>>) dst(%dma_wait3A_158 : memref<128x128xf32, #tpu.memory_space<hbm>>)
      } else {
      }
      %parallel_loop3A = arith.constant 0 : i32
      %parallel_loop3A_107 = arith.constant 128 : i32
      %parallel_loop3A_108 = arith.constant 1 : i32
      scf.for %parallel_loop3A_153 = %parallel_loop3A to %parallel_loop3A_107 step %parallel_loop3A_108  : i32 {
        %parallel_loop3A_154 = vector.broadcast %parallel_loop3A_153 : i32 to vector<16xi32>
        %parallel_loop3A_155 = arith.addi %parallel_loop3A_154, %add3A_34 : vector<16xi32>
        %parallel_loop3A_156 = arith.constant 127 : i32
        %parallel_loop3A_157 = vector.broadcast %parallel_loop3A_156 : i32 to vector<16xi32>
        %parallel_loop3A_158 = arith.andi %parallel_loop3A_155, %parallel_loop3A_157 : vector<16xi32>
        %parallel_loop3A_159 = tpu.vector_load_idx %arg4[%add3A_34, %parallel_loop3A_158] : memref<64x128xf32, #tpu.memory_space<vmem>>[vector<16xi32>, vector<16xi32>], vector<16xf32>,
        tpu.vector_store_idx %arg6[%parallel_loop3A_158, %add3A_34], %parallel_loop3A_159 : memref<128x128xf32, #tpu.memory_space<vmem>>[vector<16xi32>, vector<16xi32>], vector<16xf32>,
        %parallel_loop3A_160 = vector.broadcast %parallel_loop3A_153 : i32 to vector<16xi32>
        %parallel_loop3A_161 = arith.addi %parallel_loop3A_160, %add3A_37 : vector<16xi32>
        %parallel_loop3A_162 = arith.constant 127 : i32
        %parallel_loop3A_163 = vector.broadcast %parallel_loop3A_162 : i32 to vector<16xi32>
        %parallel_loop3A_164 = arith.andi %parallel_loop3A_161, %parallel_loop3A_163 : vector<16xi32>
        %parallel_loop3A_165 = tpu.vector_load_idx %arg4[%add3A_37, %parallel_loop3A_164] : memref<64x128xf32, #tpu.memory_space<vmem>>[vector<16xi32>, vector<16xi32>], vector<16xf32>,
        tpu.vector_store_idx %arg6[%parallel_loop3A_164, %add3A_37], %parallel_loop3A_165 : memref<128x128xf32, #tpu.memory_space<vmem>>[vector<16xi32>, vector<16xi32>], vector<16xf32>,
        %parallel_loop3A_166 = vector.broadcast %parallel_loop3A_153 : i32 to vector<16xi32>
        %parallel_loop3A_167 = arith.addi %parallel_loop3A_166, %add3A_40 : vector<16xi32>
        %parallel_loop3A_168 = arith.constant 127 : i32
        %parallel_loop3A_169 = vector.broadcast %parallel_loop3A_168 : i32 to vector<16xi32>
        %parallel_loop3A_170 = arith.andi %parallel_loop3A_167, %parallel_loop3A_169 : vector<16xi32>
        %parallel_loop3A_171 = tpu.vector_load_idx %arg4[%add3A_40, %parallel_loop3A_170] : memref<64x128xf32, #tpu.memory_space<vmem>>[vector<16xi32>, vector<16xi32>], vector<16xf32>,
        tpu.vector_store_idx %arg6[%parallel_loop3A_170, %add3A_40], %parallel_loop3A_171 : memref<128x128xf32, #tpu.memory_space<vmem>>[vector<16xi32>, vector<16xi32>], vector<16xf32>,
        %parallel_loop3A_172 = vector.broadcast %parallel_loop3A_153 : i32 to vector<16xi32>
        %parallel_loop3A_173 = arith.addi %parallel_loop3A_172, %add3A_43 : vector<16xi32>
        %parallel_loop3A_174 = arith.constant 127 : i32
        %parallel_loop3A_175 = vector.broadcast %parallel_loop3A_174 : i32 to vector<16xi32>
        %parallel_loop3A_176 = arith.andi %parallel_loop3A_173, %parallel_loop3A_175 : vector<16xi32>
        %parallel_loop3A_177 = tpu.vector_load_idx %arg4[%add3A_43, %parallel_loop3A_176] : memref<64x128xf32, #tpu.memory_space<vmem>>[vector<16xi32>, vector<16xi32>], vector<16xf32>,
        tpu.vector_store_idx %arg6[%parallel_loop3A_176, %add3A_43], %parallel_loop3A_177 : memref<128x128xf32, #tpu.memory_space<vmem>>[vector<16xi32>, vector<16xi32>], vector<16xf32>,
      } {sc.loop_unroll_factor = 4 : i64, sc.parallel_access}
      %add3A_109 = arith.constant 0 : i32
      %add3A_110 = arith.addi %mul3A_96, %add3A_109 : i32
      %add3A_111 = arith.addi %select_n3A_12, %add3A_110 : i32
      %mul3A_112 = arith.constant 128 : i32
      %mul3A_113 = arith.muli %add3A_111, %mul3A_112 : i32
      %dma_start3A_114 = arith.constant 0 : i32
      %dma_start3A_115 = tpu.memref_slice %arg3[%mul3A_113, %dma_start3A_114] : memref<1000000x128xf32, #tpu.memory_space<hbm>> -> memref<128x128xf32, #tpu.memory_space<hbm>>
      %dma_start3A_116 = arith.constant 0 : i32
      %dma_start3A_117 = tpu.memref_slice %arg3[%mul3A_113, %dma_start3A_116] : memref<1000000x128xf32, #tpu.memory_space<hbm>> -> memref<128x128xf32, #tpu.memory_space<hbm>>
      tpu.enqueue_dma source(%arg6 : memref<128x128xf32, #tpu.memory_space<vmem>>) target(%dma_start3A_117 : memref<128x128xf32, #tpu.memory_space<hbm>>) target_semaphore(%arg12 : memref<!tpu.dma_semaphore, #tpu.memory_space<semaphore_mem>>)
      %add3A_118 = arith.constant 1 : i32
      %add3A_119 = arith.addi %while3A_94, %add3A_118 : i32
      %lt3A_120 = arith.cmpi slt, %add3A_119, %select_n3A_31 : i32
      %convert_element_type3A_121 = arith.extui %lt3A_120 : i1 to i32
      %cond3A_122 = arith.constant 0 : i32
      %cond3A_123 = arith.cmpi ne, %convert_element_type3A_121, %cond3A_122 : i32
      scf.if %cond3A_123 {
        %add3A_153 = arith.constant 0 : i32
        %add3A_154 = arith.addi %mul3A_96, %add3A_153 : i32
        %add3A_155 = arith.constant 2 : i32
        %add3A_156 = arith.addi %add3A_154, %add3A_155 : i32
        %add3A_157 = arith.addi %select_n3A_12, %add3A_156 : i32
        %mul3A_158 = arith.constant 128 : i32
        %mul3A_159 = arith.muli %add3A_157, %mul3A_158 : i32
        %dma_start3A_160 = arith.constant 0 : i32
        %dma_start3A_161 = tpu.memref_slice %arg2[%dma_start3A_160, %mul3A_159] : memref<64x1000000xf32, #tpu.memory_space<hbm>> -> memref<64x128xf32, #tpu.memory_space<hbm>>
        %dma_start3A_162 = arith.constant 0 : i32
        %dma_start3A_163 = tpu.memref_slice %arg2[%dma_start3A_162, %mul3A_159] : memref<64x1000000xf32, #tpu.memory_space<hbm>> -> memref<64x128xf32, #tpu.memory_space<hbm>>
        tpu.enqueue_dma source(%dma_start3A_163 : memref<64x128xf32, #tpu.memory_space<hbm>>) target(%arg4 : memref<64x128xf32, #tpu.memory_space<vmem>>) target_semaphore(%arg10 : memref<!tpu.dma_semaphore, #tpu.memory_space<semaphore_mem>>)
      } else {
      }
      %dma_wait3A_124 = arith.constant 0 : i32
      %dma_wait3A_125 = arith.constant 0 : i32
      %dma_wait3A_126 = tpu.memref_slice %arg2[%dma_wait3A_124, %dma_wait3A_125] : memref<64x1000000xf32, #tpu.memory_space<hbm>> -> memref<64x128xf32, #tpu.memory_space<hbm>>
      %dma_wait3A_127 = arith.constant 0 : i32
      %dma_wait3A_128 = arith.constant 0 : i32
      %dma_wait3A_129 = tpu.memref_slice %arg2[%dma_wait3A_127, %dma_wait3A_128] : memref<64x1000000xf32, #tpu.memory_space<hbm>> -> memref<64x128xf32, #tpu.memory_space<hbm>>
      tpu.wait_dma2 semaphore(%arg11 : memref<!tpu.dma_semaphore, #tpu.memory_space<semaphore_mem>>) src(%dma_wait3A_129 : memref<64x128xf32, #tpu.memory_space<hbm>>) dst(%arg5 : memref<64x128xf32, #tpu.memory_space<vmem>>)
      %gt3A_130 = arith.constant 0 : i32
      %gt3A_131 = arith.cmpi sgt, %while3A_94, %gt3A_130 : i32
      %convert_element_type3A_132 = arith.extui %gt3A_131 : i1 to i32
      %cond3A_133 = arith.constant 0 : i32
      %cond3A_134 = arith.cmpi ne, %convert_element_type3A_132, %cond3A_133 : i32
      scf.if %cond3A_134 {
        %dma_wait3A_153 = arith.constant 0 : i32
        %dma_wait3A_154 = arith.constant 0 : i32
        %dma_wait3A_155 = tpu.memref_slice %arg3[%dma_wait3A_153, %dma_wait3A_154] : memref<1000000x128xf32, #tpu.memory_space<hbm>> -> memref<128x128xf32, #tpu.memory_space<hbm>>
        %dma_wait3A_156 = arith.constant 0 : i32
        %dma_wait3A_157 = arith.constant 0 : i32
        %dma_wait3A_158 = tpu.memref_slice %arg3[%dma_wait3A_156, %dma_wait3A_157] : memref<1000000x128xf32, #tpu.memory_space<hbm>> -> memref<128x128xf32, #tpu.memory_space<hbm>>
        tpu.wait_dma2 semaphore(%arg13 : memref<!tpu.dma_semaphore, #tpu.memory_space<semaphore_mem>>) src(%arg7 : memref<128x128xf32, #tpu.memory_space<vmem>>) dst(%dma_wait3A_158 : memref<128x128xf32, #tpu.memory_space<hbm>>)
      } else {
      }
      %parallel_loop3A_135 = arith.constant 0 : i32
      %parallel_loop3A_136 = arith.constant 128 : i32
      %parallel_loop3A_137 = arith.constant 1 : i32
      scf.for %parallel_loop3A_153 = %parallel_loop3A_135 to %parallel_loop3A_136 step %parallel_loop3A_137  : i32 {
        %parallel_loop3A_154 = vector.broadcast %parallel_loop3A_153 : i32 to vector<16xi32>
        %parallel_loop3A_155 = arith.addi %parallel_loop3A_154, %add3A_34 : vector<16xi32>
        %parallel_loop3A_156 = arith.constant 127 : i32
        %parallel_loop3A_157 = vector.broadcast %parallel_loop3A_156 : i32 to vector<16xi32>
        %parallel_loop3A_158 = arith.andi %parallel_loop3A_155, %parallel_loop3A_157 : vector<16xi32>
        %parallel_loop3A_159 = tpu.vector_load_idx %arg5[%add3A_34, %parallel_loop3A_158] : memref<64x128xf32, #tpu.memory_space<vmem>>[vector<16xi32>, vector<16xi32>], vector<16xf32>,
        tpu.vector_store_idx %arg7[%parallel_loop3A_158, %add3A_34], %parallel_loop3A_159 : memref<128x128xf32, #tpu.memory_space<vmem>>[vector<16xi32>, vector<16xi32>], vector<16xf32>,
        %parallel_loop3A_160 = vector.broadcast %parallel_loop3A_153 : i32 to vector<16xi32>
        %parallel_loop3A_161 = arith.addi %parallel_loop3A_160, %add3A_37 : vector<16xi32>
        %parallel_loop3A_162 = arith.constant 127 : i32
        %parallel_loop3A_163 = vector.broadcast %parallel_loop3A_162 : i32 to vector<16xi32>
        %parallel_loop3A_164 = arith.andi %parallel_loop3A_161, %parallel_loop3A_163 : vector<16xi32>
        %parallel_loop3A_165 = tpu.vector_load_idx %arg5[%add3A_37, %parallel_loop3A_164] : memref<64x128xf32, #tpu.memory_space<vmem>>[vector<16xi32>, vector<16xi32>], vector<16xf32>,
        tpu.vector_store_idx %arg7[%parallel_loop3A_164, %add3A_37], %parallel_loop3A_165 : memref<128x128xf32, #tpu.memory_space<vmem>>[vector<16xi32>, vector<16xi32>], vector<16xf32>,
        %parallel_loop3A_166 = vector.broadcast %parallel_loop3A_153 : i32 to vector<16xi32>
        %parallel_loop3A_167 = arith.addi %parallel_loop3A_166, %add3A_40 : vector<16xi32>
        %parallel_loop3A_168 = arith.constant 127 : i32
        %parallel_loop3A_169 = vector.broadcast %parallel_loop3A_168 : i32 to vector<16xi32>
        %parallel_loop3A_170 = arith.andi %parallel_loop3A_167, %parallel_loop3A_169 : vector<16xi32>
        %parallel_loop3A_171 = tpu.vector_load_idx %arg5[%add3A_40, %parallel_loop3A_170] : memref<64x128xf32, #tpu.memory_space<vmem>>[vector<16xi32>, vector<16xi32>], vector<16xf32>,
        tpu.vector_store_idx %arg7[%parallel_loop3A_170, %add3A_40], %parallel_loop3A_171 : memref<128x128xf32, #tpu.memory_space<vmem>>[vector<16xi32>, vector<16xi32>], vector<16xf32>,
        %parallel_loop3A_172 = vector.broadcast %parallel_loop3A_153 : i32 to vector<16xi32>
        %parallel_loop3A_173 = arith.addi %parallel_loop3A_172, %add3A_43 : vector<16xi32>
        %parallel_loop3A_174 = arith.constant 127 : i32
        %parallel_loop3A_175 = vector.broadcast %parallel_loop3A_174 : i32 to vector<16xi32>
        %parallel_loop3A_176 = arith.andi %parallel_loop3A_173, %parallel_loop3A_175 : vector<16xi32>
        %parallel_loop3A_177 = tpu.vector_load_idx %arg5[%add3A_43, %parallel_loop3A_176] : memref<64x128xf32, #tpu.memory_space<vmem>>[vector<16xi32>, vector<16xi32>], vector<16xf32>,
        tpu.vector_store_idx %arg7[%parallel_loop3A_176, %add3A_43], %parallel_loop3A_177 : memref<128x128xf32, #tpu.memory_space<vmem>>[vector<16xi32>, vector<16xi32>], vector<16xf32>,
      } {sc.loop_unroll_factor = 4 : i64, sc.parallel_access}
      %add3A_138 = arith.constant 1 : i32
      %add3A_139 = arith.addi %mul3A_96, %add3A_138 : i32
      %add3A_140 = arith.addi %select_n3A_12, %add3A_139 : i32
      %mul3A_141 = arith.constant 128 : i32
      %mul3A_142 = arith.muli %add3A_140, %mul3A_141 : i32
      %dma_start3A_143 = arith.constant 0 : i32
      %dma_start3A_144 = tpu.memref_slice %arg3[%mul3A_142, %dma_start3A_143] : memref<1000000x128xf32, #tpu.memory_space<hbm>> -> memref<128x128xf32, #tpu.memory_space<hbm>>
      %dma_start3A_145 = arith.constant 0 : i32
      %dma_start3A_146 = tpu.memref_slice %arg3[%mul3A_142, %dma_start3A_145] : memref<1000000x128xf32, #tpu.memory_space<hbm>> -> memref<128x128xf32, #tpu.memory_space<hbm>>
      tpu.enqueue_dma source(%arg7 : memref<128x128xf32, #tpu.memory_space<vmem>>) target(%dma_start3A_146 : memref<128x128xf32, #tpu.memory_space<hbm>>) target_semaphore(%arg13 : memref<!tpu.dma_semaphore, #tpu.memory_space<semaphore_mem>>)
      %add3A_147 = arith.constant 1 : i32
      %add3A_148 = arith.addi %while3A_94, %add3A_147 : i32
      %lt3A_149 = arith.cmpi slt, %add3A_148, %select_n3A_31 : i32
      %convert_element_type3A_150 = arith.extui %lt3A_149 : i1 to i32
      %cond3A_151 = arith.constant 0 : i32
      %cond3A_152 = arith.cmpi ne, %convert_element_type3A_150, %cond3A_151 : i32
      scf.if %cond3A_152 {
        %add3A_153 = arith.constant 1 : i32
        %add3A_154 = arith.addi %mul3A_96, %add3A_153 : i32
        %add3A_155 = arith.constant 2 : i32
        %add3A_156 = arith.addi %add3A_154, %add3A_155 : i32
        %add3A_157 = arith.addi %select_n3A_12, %add3A_156 : i32
        %mul3A_158 = arith.constant 128 : i32
        %mul3A_159 = arith.muli %add3A_157, %mul3A_158 : i32
        %dma_start3A_160 = arith.constant 0 : i32
        %dma_start3A_161 = tpu.memref_slice %arg2[%dma_start3A_160, %mul3A_159] : memref<64x1000000xf32, #tpu.memory_space<hbm>> -> memref<64x128xf32, #tpu.memory_space<hbm>>
        %dma_start3A_162 = arith.constant 0 : i32
        %dma_start3A_163 = tpu.memref_slice %arg2[%dma_start3A_162, %mul3A_159] : memref<64x1000000xf32, #tpu.memory_space<hbm>> -> memref<64x128xf32, #tpu.memory_space<hbm>>
        tpu.enqueue_dma source(%dma_start3A_163 : memref<64x128xf32, #tpu.memory_space<hbm>>) target(%arg5 : memref<64x128xf32, #tpu.memory_space<vmem>>) target_semaphore(%arg11 : memref<!tpu.dma_semaphore, #tpu.memory_space<semaphore_mem>>)
      } else {
      }
    }
    %while3A_80 = arith.constant 1 : i32
    scf.for %while3A_94 = %while3A_78 to %while3A_74 step %while3A_80  : i32 {
      %mul3A_95 = arith.constant 2 : i32
      %mul3A_96 = arith.muli %while3A_94, %mul3A_95 : i32
      %dma_wait3A_97 = arith.constant 0 : i32
      %dma_wait3A_98 = arith.constant 0 : i32
      %dma_wait3A_99 = tpu.memref_slice %arg2[%dma_wait3A_97, %dma_wait3A_98] : memref<64x1000000xf32, #tpu.memory_space<hbm>> -> memref<64x128xf32, #tpu.memory_space<hbm>>
      %dma_wait3A_100 = arith.constant 0 : i32
      %dma_wait3A_101 = arith.constant 0 : i32
      %dma_wait3A_102 = tpu.memref_slice %arg2[%dma_wait3A_100, %dma_wait3A_101] : memref<64x1000000xf32, #tpu.memory_space<hbm>> -> memref<64x128xf32, #tpu.memory_space<hbm>>
      tpu.wait_dma2 semaphore(%arg10 : memref<!tpu.dma_semaphore, #tpu.memory_space<semaphore_mem>>) src(%dma_wait3A_102 : memref<64x128xf32, #tpu.memory_space<hbm>>) dst(%arg4 : memref<64x128xf32, #tpu.memory_space<vmem>>)
      %gt3A = arith.constant 0 : i32
      %gt3A_103 = arith.cmpi sgt, %while3A_94, %gt3A : i32
      %convert_element_type3A_104 = arith.extui %gt3A_103 : i1 to i32
      %cond3A_105 = arith.constant 0 : i32
      %cond3A_106 = arith.cmpi ne, %convert_element_type3A_104, %cond3A_105 : i32
      scf.if %cond3A_106 {
        %dma_wait3A_153 = arith.constant 0 : i32
        %dma_wait3A_154 = arith.constant 0 : i32
        %dma_wait3A_155 = tpu.memref_slice %arg3[%dma_wait3A_153, %dma_wait3A_154] : memref<1000000x128xf32, #tpu.memory_space<hbm>> -> memref<128x128xf32, #tpu.memory_space<hbm>>
        %dma_wait3A_156 = arith.constant 0 : i32
        %dma_wait3A_157 = arith.constant 0 : i32
        %dma_wait3A_158 = tpu.memref_slice %arg3[%dma_wait3A_156, %dma_wait3A_157] : memref<1000000x128xf32, #tpu.memory_space<hbm>> -> memref<128x128xf32, #tpu.memory_space<hbm>>
        tpu.wait_dma2 semaphore(%arg12 : memref<!tpu.dma_semaphore, #tpu.memory_space<semaphore_mem>>) src(%arg6 : memref<128x128xf32, #tpu.memory_space<vmem>>) dst(%dma_wait3A_158 : memref<128x128xf32, #tpu.memory_space<hbm>>)
      } else {
      }
      %parallel_loop3A = arith.constant 0 : i32
      %parallel_loop3A_107 = arith.constant 128 : i32
      %parallel_loop3A_108 = arith.constant 1 : i32
      scf.for %parallel_loop3A_153 = %parallel_loop3A to %parallel_loop3A_107 step %parallel_loop3A_108  : i32 {
        %parallel_loop3A_154 = vector.broadcast %parallel_loop3A_153 : i32 to vector<16xi32>
        %parallel_loop3A_155 = arith.addi %parallel_loop3A_154, %add3A_34 : vector<16xi32>
        %parallel_loop3A_156 = arith.constant 127 : i32
        %parallel_loop3A_157 = vector.broadcast %parallel_loop3A_156 : i32 to vector<16xi32>
        %parallel_loop3A_158 = arith.andi %parallel_loop3A_155, %parallel_loop3A_157 : vector<16xi32>
        %parallel_loop3A_159 = tpu.vector_load_idx %arg4[%add3A_34, %parallel_loop3A_158] : memref<64x128xf32, #tpu.memory_space<vmem>>[vector<16xi32>, vector<16xi32>], vector<16xf32>,
        tpu.vector_store_idx %arg6[%parallel_loop3A_158, %add3A_34], %parallel_loop3A_159 : memref<128x128xf32, #tpu.memory_space<vmem>>[vector<16xi32>, vector<16xi32>], vector<16xf32>,
        %parallel_loop3A_160 = vector.broadcast %parallel_loop3A_153 : i32 to vector<16xi32>
        %parallel_loop3A_161 = arith.addi %parallel_loop3A_160, %add3A_37 : vector<16xi32>
        %parallel_loop3A_162 = arith.constant 127 : i32
        %parallel_loop3A_163 = vector.broadcast %parallel_loop3A_162 : i32 to vector<16xi32>
        %parallel_loop3A_164 = arith.andi %parallel_loop3A_161, %parallel_loop3A_163 : vector<16xi32>
        %parallel_loop3A_165 = tpu.vector_load_idx %arg4[%add3A_37, %parallel_loop3A_164] : memref<64x128xf32, #tpu.memory_space<vmem>>[vector<16xi32>, vector<16xi32>], vector<16xf32>,
        tpu.vector_store_idx %arg6[%parallel_loop3A_164, %add3A_37], %parallel_loop3A_165 : memref<128x128xf32, #tpu.memory_space<vmem>>[vector<16xi32>, vector<16xi32>], vector<16xf32>,
        %parallel_loop3A_166 = vector.broadcast %parallel_loop3A_153 : i32 to vector<16xi32>
        %parallel_loop3A_167 = arith.addi %parallel_loop3A_166, %add3A_40 : vector<16xi32>
        %parallel_loop3A_168 = arith.constant 127 : i32
        %parallel_loop3A_169 = vector.broadcast %parallel_loop3A_168 : i32 to vector<16xi32>
        %parallel_loop3A_170 = arith.andi %parallel_loop3A_167, %parallel_loop3A_169 : vector<16xi32>
        %parallel_loop3A_171 = tpu.vector_load_idx %arg4[%add3A_40, %parallel_loop3A_170] : memref<64x128xf32, #tpu.memory_space<vmem>>[vector<16xi32>, vector<16xi32>], vector<16xf32>,
        tpu.vector_store_idx %arg6[%parallel_loop3A_170, %add3A_40], %parallel_loop3A_171 : memref<128x128xf32, #tpu.memory_space<vmem>>[vector<16xi32>, vector<16xi32>], vector<16xf32>,
        %parallel_loop3A_172 = vector.broadcast %parallel_loop3A_153 : i32 to vector<16xi32>
        %parallel_loop3A_173 = arith.addi %parallel_loop3A_172, %add3A_43 : vector<16xi32>
        %parallel_loop3A_174 = arith.constant 127 : i32
        %parallel_loop3A_175 = vector.broadcast %parallel_loop3A_174 : i32 to vector<16xi32>
        %parallel_loop3A_176 = arith.andi %parallel_loop3A_173, %parallel_loop3A_175 : vector<16xi32>
        %parallel_loop3A_177 = tpu.vector_load_idx %arg4[%add3A_43, %parallel_loop3A_176] : memref<64x128xf32, #tpu.memory_space<vmem>>[vector<16xi32>, vector<16xi32>], vector<16xf32>,
        tpu.vector_store_idx %arg6[%parallel_loop3A_176, %add3A_43], %parallel_loop3A_177 : memref<128x128xf32, #tpu.memory_space<vmem>>[vector<16xi32>, vector<16xi32>], vector<16xf32>,
      } {sc.loop_unroll_factor = 4 : i64, sc.parallel_access}
      %add3A_109 = arith.constant 0 : i32
      %add3A_110 = arith.addi %mul3A_96, %add3A_109 : i32
      %add3A_111 = arith.addi %select_n3A_12, %add3A_110 : i32
      %mul3A_112 = arith.constant 128 : i32
      %mul3A_113 = arith.muli %add3A_111, %mul3A_112 : i32
      %dma_start3A_114 = arith.constant 0 : i32
      %dma_start3A_115 = tpu.memref_slice %arg3[%mul3A_113, %dma_start3A_114] : memref<1000000x128xf32, #tpu.memory_space<hbm>> -> memref<128x128xf32, #tpu.memory_space<hbm>>
      %dma_start3A_116 = arith.constant 0 : i32
      %dma_start3A_117 = tpu.memref_slice %arg3[%mul3A_113, %dma_start3A_116] : memref<1000000x128xf32, #tpu.memory_space<hbm>> -> memref<128x128xf32, #tpu.memory_space<hbm>>
      tpu.enqueue_dma source(%arg6 : memref<128x128xf32, #tpu.memory_space<vmem>>) target(%dma_start3A_117 : memref<128x128xf32, #tpu.memory_space<hbm>>) target_semaphore(%arg12 : memref<!tpu.dma_semaphore, #tpu.memory_space<semaphore_mem>>)
      %add3A_118 = arith.constant 1 : i32
      %add3A_119 = arith.addi %while3A_94, %add3A_118 : i32
      %lt3A_120 = arith.cmpi slt, %add3A_119, %select_n3A_31 : i32
      %convert_element_type3A_121 = arith.extui %lt3A_120 : i1 to i32
      %cond3A_122 = arith.constant 0 : i32
      %cond3A_123 = arith.cmpi ne, %convert_element_type3A_121, %cond3A_122 : i32
      scf.if %cond3A_123 {
        %add3A_153 = arith.constant 0 : i32
        %add3A_154 = arith.addi %mul3A_96, %add3A_153 : i32
        %add3A_155 = arith.constant 2 : i32
        %add3A_156 = arith.addi %add3A_154, %add3A_155 : i32
        %add3A_157 = arith.addi %select_n3A_12, %add3A_156 : i32
        %mul3A_158 = arith.constant 128 : i32
        %mul3A_159 = arith.muli %add3A_157, %mul3A_158 : i32
        %dma_start3A_160 = arith.constant 0 : i32
        %dma_start3A_161 = tpu.memref_slice %arg2[%dma_start3A_160, %mul3A_159] : memref<64x1000000xf32, #tpu.memory_space<hbm>> -> memref<64x128xf32, #tpu.memory_space<hbm>>
        %dma_start3A_162 = arith.constant 0 : i32
        %dma_start3A_163 = tpu.memref_slice %arg2[%dma_start3A_162, %mul3A_159] : memref<64x1000000xf32, #tpu.memory_space<hbm>> -> memref<64x128xf32, #tpu.memory_space<hbm>>
        tpu.enqueue_dma source(%dma_start3A_163 : memref<64x128xf32, #tpu.memory_space<hbm>>) target(%arg4 : memref<64x128xf32, #tpu.memory_space<vmem>>) target_semaphore(%arg10 : memref<!tpu.dma_semaphore, #tpu.memory_space<semaphore_mem>>)
      } else {
      }
      %dma_wait3A_124 = arith.constant 0 : i32
      %dma_wait3A_125 = arith.constant 0 : i32
      %dma_wait3A_126 = tpu.memref_slice %arg2[%dma_wait3A_124, %dma_wait3A_125] : memref<64x1000000xf32, #tpu.memory_space<hbm>> -> memref<64x128xf32, #tpu.memory_space<hbm>>
      %dma_wait3A_127 = arith.constant 0 : i32
      %dma_wait3A_128 = arith.constant 0 : i32
      %dma_wait3A_129 = tpu.memref_slice %arg2[%dma_wait3A_127, %dma_wait3A_128] : memref<64x1000000xf32, #tpu.memory_space<hbm>> -> memref<64x128xf32, #tpu.memory_space<hbm>>
      tpu.wait_dma2 semaphore(%arg11 : memref<!tpu.dma_semaphore, #tpu.memory_space<semaphore_mem>>) src(%dma_wait3A_129 : memref<64x128xf32, #tpu.memory_space<hbm>>) dst(%arg5 : memref<64x128xf32, #tpu.memory_space<vmem>>)
      %gt3A_130 = arith.constant 0 : i32
      %gt3A_131 = arith.cmpi sgt, %while3A_94, %gt3A_130 : i32
      %convert_element_type3A_132 = arith.extui %gt3A_131 : i1 to i32
      %cond3A_133 = arith.constant 0 : i32
      %cond3A_134 = arith.cmpi ne, %convert_element_type3A_132, %cond3A_133 : i32
      scf.if %cond3A_134 {
        %dma_wait3A_153 = arith.constant 0 : i32
        %dma_wait3A_154 = arith.constant 0 : i32
        %dma_wait3A_155 = tpu.memref_slice %arg3[%dma_wait3A_153, %dma_wait3A_154] : memref<1000000x128xf32, #tpu.memory_space<hbm>> -> memref<128x128xf32, #tpu.memory_space<hbm>>
        %dma_wait3A_156 = arith.constant 0 : i32
        %dma_wait3A_157 = arith.constant 0 : i32
        %dma_wait3A_158 = tpu.memref_slice %arg3[%dma_wait3A_156, %dma_wait3A_157] : memref<1000000x128xf32, #tpu.memory_space<hbm>> -> memref<128x128xf32, #tpu.memory_space<hbm>>
        tpu.wait_dma2 semaphore(%arg13 : memref<!tpu.dma_semaphore, #tpu.memory_space<semaphore_mem>>) src(%arg7 : memref<128x128xf32, #tpu.memory_space<vmem>>) dst(%dma_wait3A_158 : memref<128x128xf32, #tpu.memory_space<hbm>>)
      } else {
      }
      %parallel_loop3A_135 = arith.constant 0 : i32
      %parallel_loop3A_136 = arith.constant 128 : i32
      %parallel_loop3A_137 = arith.constant 1 : i32
      scf.for %parallel_loop3A_153 = %parallel_loop3A_135 to %parallel_loop3A_136 step %parallel_loop3A_137  : i32 {
        %parallel_loop3A_154 = vector.broadcast %parallel_loop3A_153 : i32 to vector<16xi32>
        %parallel_loop3A_155 = arith.addi %parallel_loop3A_154, %add3A_34 : vector<16xi32>
        %parallel_loop3A_156 = arith.constant 127 : i32
        %parallel_loop3A_157 = vector.broadcast %parallel_loop3A_156 : i32 to vector<16xi32>
        %parallel_loop3A_158 = arith.andi %parallel_loop3A_155, %parallel_loop3A_157 : vector<16xi32>
        %parallel_loop3A_159 = tpu.vector_load_idx %arg5[%add3A_34, %parallel_loop3A_158] : memref<64x128xf32, #tpu.memory_space<vmem>>[vector<16xi32>, vector<16xi32>], vector<16xf32>,
        tpu.vector_store_idx %arg7[%parallel_loop3A_158, %add3A_34], %parallel_loop3A_159 : memref<128x128xf32, #tpu.memory_space<vmem>>[vector<16xi32>, vector<16xi32>], vector<16xf32>,
        %parallel_loop3A_160 = vector.broadcast %parallel_loop3A_153 : i32 to vector<16xi32>
        %parallel_loop3A_161 = arith.addi %parallel_loop3A_160, %add3A_37 : vector<16xi32>
        %parallel_loop3A_162 = arith.constant 127 : i32
        %parallel_loop3A_163 = vector.broadcast %parallel_loop3A_162 : i32 to vector<16xi32>
        %parallel_loop3A_164 = arith.andi %parallel_loop3A_161, %parallel_loop3A_163 : vector<16xi32>
        %parallel_loop3A_165 = tpu.vector_load_idx %arg5[%add3A_37, %parallel_loop3A_164] : memref<64x128xf32, #tpu.memory_space<vmem>>[vector<16xi32>, vector<16xi32>], vector<16xf32>,
        tpu.vector_store_idx %arg7[%parallel_loop3A_164, %add3A_37], %parallel_loop3A_165 : memref<128x128xf32, #tpu.memory_space<vmem>>[vector<16xi32>, vector<16xi32>], vector<16xf32>,
        %parallel_loop3A_166 = vector.broadcast %parallel_loop3A_153 : i32 to vector<16xi32>
        %parallel_loop3A_167 = arith.addi %parallel_loop3A_166, %add3A_40 : vector<16xi32>
        %parallel_loop3A_168 = arith.constant 127 : i32
        %parallel_loop3A_169 = vector.broadcast %parallel_loop3A_168 : i32 to vector<16xi32>
        %parallel_loop3A_170 = arith.andi %parallel_loop3A_167, %parallel_loop3A_169 : vector<16xi32>
        %parallel_loop3A_171 = tpu.vector_load_idx %arg5[%add3A_40, %parallel_loop3A_170] : memref<64x128xf32, #tpu.memory_space<vmem>>[vector<16xi32>, vector<16xi32>], vector<16xf32>,
        tpu.vector_store_idx %arg7[%parallel_loop3A_170, %add3A_40], %parallel_loop3A_171 : memref<128x128xf32, #tpu.memory_space<vmem>>[vector<16xi32>, vector<16xi32>], vector<16xf32>,
        %parallel_loop3A_172 = vector.broadcast %parallel_loop3A_153 : i32 to vector<16xi32>
        %parallel_loop3A_173 = arith.addi %parallel_loop3A_172, %add3A_43 : vector<16xi32>
        %parallel_loop3A_174 = arith.constant 127 : i32
        %parallel_loop3A_175 = vector.broadcast %parallel_loop3A_174 : i32 to vector<16xi32>
        %parallel_loop3A_176 = arith.andi %parallel_loop3A_173, %parallel_loop3A_175 : vector<16xi32>
        %parallel_loop3A_177 = tpu.vector_load_idx %arg5[%add3A_43, %parallel_loop3A_176] : memref<64x128xf32, #tpu.memory_space<vmem>>[vector<16xi32>, vector<16xi32>], vector<16xf32>,
        tpu.vector_store_idx %arg7[%parallel_loop3A_176, %add3A_43], %parallel_loop3A_177 : memref<128x128xf32, #tpu.memory_space<vmem>>[vector<16xi32>, vector<16xi32>], vector<16xf32>,
      } {sc.loop_unroll_factor = 4 : i64, sc.parallel_access}
      %add3A_138 = arith.constant 1 : i32
      %add3A_139 = arith.addi %mul3A_96, %add3A_138 : i32
      %add3A_140 = arith.addi %select_n3A_12, %add3A_139 : i32
      %mul3A_141 = arith.constant 128 : i32
      %mul3A_142 = arith.muli %add3A_140, %mul3A_141 : i32
      %dma_start3A_143 = arith.constant 0 : i32
      %dma_start3A_144 = tpu.memref_slice %arg3[%mul3A_142, %dma_start3A_143] : memref<1000000x128xf32, #tpu.memory_space<hbm>> -> memref<128x128xf32, #tpu.memory_space<hbm>>
      %dma_start3A_145 = arith.constant 0 : i32
      %dma_start3A_146 = tpu.memref_slice %arg3[%mul3A_142, %dma_start3A_145] : memref<1000000x128xf32, #tpu.memory_space<hbm>> -> memref<128x128xf32, #tpu.memory_space<hbm>>
      tpu.enqueue_dma source(%arg7 : memref<128x128xf32, #tpu.memory_space<vmem>>) target(%dma_start3A_146 : memref<128x128xf32, #tpu.memory_space<hbm>>) target_semaphore(%arg13 : memref<!tpu.dma_semaphore, #tpu.memory_space<semaphore_mem>>)
      %add3A_147 = arith.constant 1 : i32
      %add3A_148 = arith.addi %while3A_94, %add3A_147 : i32
      %lt3A_149 = arith.cmpi slt, %add3A_148, %select_n3A_31 : i32
      %convert_element_type3A_150 = arith.extui %lt3A_149 : i1 to i32
      %cond3A_151 = arith.constant 0 : i32
      %cond3A_152 = arith.cmpi ne, %convert_element_type3A_150, %cond3A_151 : i32
      scf.if %cond3A_152 {
        %add3A_153 = arith.constant 1 : i32
        %add3A_154 = arith.addi %mul3A_96, %add3A_153 : i32
        %add3A_155 = arith.constant 2 : i32
        %add3A_156 = arith.addi %add3A_154, %add3A_155 : i32
        %add3A_157 = arith.addi %select_n3A_12, %add3A_156 : i32
        %mul3A_158 = arith.constant 128 : i32
        %mul3A_159 = arith.muli %add3A_157, %mul3A_158 : i32
        %dma_start3A_160 = arith.constant 0 : i32
        %dma_start3A_161 = tpu.memref_slice %arg2[%dma_start3A_160, %mul3A_159] : memref<64x1000000xf32, #tpu.memory_space<hbm>> -> memref<64x128xf32, #tpu.memory_space<hbm>>
        %dma_start3A_162 = arith.constant 0 : i32
        %dma_start3A_163 = tpu.memref_slice %arg2[%dma_start3A_162, %mul3A_159] : memref<64x1000000xf32, #tpu.memory_space<hbm>> -> memref<64x128xf32, #tpu.memory_space<hbm>>
        tpu.enqueue_dma source(%dma_start3A_163 : memref<64x128xf32, #tpu.memory_space<hbm>>) target(%arg5 : memref<64x128xf32, #tpu.memory_space<vmem>>) target_semaphore(%arg11 : memref<!tpu.dma_semaphore, #tpu.memory_space<semaphore_mem>>)
      } else {
      }
    }
    %dma_wait3A = arith.constant 0 : i32
    %dma_wait3A_81 = arith.constant 0 : i32
    %dma_wait3A_82 = tpu.memref_slice %arg3[%dma_wait3A, %dma_wait3A_81] : memref<1000000x128xf32, #tpu.memory_space<hbm>> -> memref<128x128xf32, #tpu.memory_space<hbm>>
    %dma_wait3A_83 = arith.constant 0 : i32
    %dma_wait3A_84 = arith.constant 0 : i32
    %dma_wait3A_85 = tpu.memref_slice %arg3[%dma_wait3A_83, %dma_wait3A_84] : memref<1000000x128xf32, #tpu.memory_space<hbm>> -> memref<128x128xf32, #tpu.memory_space<hbm>>
    tpu.wait_dma2 semaphore(%arg12 : memref<!tpu.dma_semaphore, #tpu.memory_space<semaphore_mem>>) src(%arg6 : memref<128x128xf32, #tpu.memory_space<vmem>>) dst(%dma_wait3A_85 : memref<128x128xf32, #tpu.memory_space<hbm>>)
    %dma_wait3A_86 = arith.constant 0 : i32
    %dma_wait3A_87 = arith.constant 0 : i32
    %dma_wait3A_88 = tpu.memref_slice %arg3[%dma_wait3A_86, %dma_wait3A_87] : memref<1000000x128xf32, #tpu.memory_space<hbm>> -> memref<128x128xf32, #tpu.memory_space<hbm>>
    %dma_wait3A_89 = arith.constant 0 : i32
    %dma_wait3A_90 = arith.constant 0 : i32
    %dma_wait3A_91 = tpu.memref_slice %arg3[%dma_wait3A_89, %dma_wait3A_90] : memref<1000000x128xf32, #tpu.memory_space<hbm>> -> memref<128x128xf32, #tpu.memory_space<hbm>>
    tpu.wait_dma2 semaphore(%arg13 : memref<!tpu.dma_semaphore, #tpu.memory_space<semaphore_mem>>) src(%arg7 : memref<128x128xf32, #tpu.memory_space<vmem>>) dst(%dma_wait3A_91 : memref<128x128xf32, #tpu.memory_space<hbm>>)
    %eq3A = arith.constant 31 : i32
    %eq3A_92 = arith.cmpi eq, %add3A, %eq3A : i32
    %convert_element_type3A = arith.extui %eq3A_92 : i1 to i32
    %cond3A = arith.constant 0 : i32
    %cond3A_93 = arith.cmpi ne, %convert_element_type3A, %cond3A : i32
    scf.if %cond3A_93 {
      "tpu.region"() ({
        %run_scoped3A = tpu.sem_alloc : memref<!tpu.dma_semaphore, #tpu.memory_space<semaphore_mem>>
        %dma_start3A_96 = arith.constant 0 : i32
        %dma_start3A_97 = arith.constant 999936 : i32
        %dma_start3A_98 = tpu.memref_slice %arg2[%dma_start3A_96, %dma_start3A_97] : memref<64x1000000xf32, #tpu.memory_space<hbm>> -> memref<64x64xf32, #tpu.memory_space<hbm>>
        %dma_start3A_99 = arith.constant 0 : i32
        %dma_start3A_100 = arith.constant 999936 : i32
        %dma_start3A_101 = tpu.memref_slice %arg2[%dma_start3A_99, %dma_start3A_100] : memref<64x1000000xf32, #tpu.memory_space<hbm>> -> memref<64x64xf32, #tpu.memory_space<hbm>>
        tpu.enqueue_dma source(%dma_start3A_101 : memref<64x64xf32, #tpu.memory_space<hbm>>) target(%arg8 : memref<64x64xf32, #tpu.memory_space<vmem>>) target_semaphore(%run_scoped3A : memref<!tpu.dma_semaphore, #tpu.memory_space<semaphore_mem>>)
        %dma_wait3A_102 = arith.constant 0 : i32
        %dma_wait3A_103 = arith.constant 999936 : i32
        %dma_wait3A_104 = tpu.memref_slice %arg2[%dma_wait3A_102, %dma_wait3A_103] : memref<64x1000000xf32, #tpu.memory_space<hbm>> -> memref<64x64xf32, #tpu.memory_space<hbm>>
        %dma_wait3A_105 = arith.constant 0 : i32
        %dma_wait3A_106 = arith.constant 999936 : i32
        %dma_wait3A_107 = tpu.memref_slice %arg2[%dma_wait3A_105, %dma_wait3A_106] : memref<64x1000000xf32, #tpu.memory_space<hbm>> -> memref<64x64xf32, #tpu.memory_space<hbm>>
        tpu.wait_dma2 semaphore(%run_scoped3A : memref<!tpu.dma_semaphore, #tpu.memory_space<semaphore_mem>>) src(%dma_wait3A_107 : memref<64x64xf32, #tpu.memory_space<hbm>>) dst(%arg8 : memref<64x64xf32, #tpu.memory_space<vmem>>)
        tpu.yield
      }) : () -> ()
      %parallel_loop3A = arith.constant 0 : i32
      %parallel_loop3A_94 = arith.constant 64 : i32
      %parallel_loop3A_95 = arith.constant 1 : i32
      scf.for %parallel_loop3A_96 = %parallel_loop3A to %parallel_loop3A_94 step %parallel_loop3A_95  : i32 {
        %parallel_loop3A_97 = vector.broadcast %parallel_loop3A_96 : i32 to vector<16xi32>
        %parallel_loop3A_98 = arith.addi %parallel_loop3A_97, %add3A_34 : vector<16xi32>
        %parallel_loop3A_99 = arith.constant 63 : i32
        %parallel_loop3A_100 = vector.broadcast %parallel_loop3A_99 : i32 to vector<16xi32>
        %parallel_loop3A_101 = arith.andi %parallel_loop3A_98, %parallel_loop3A_100 : vector<16xi32>
        %parallel_loop3A_102 = tpu.vector_load_idx %arg8[%add3A_34, %parallel_loop3A_101] : memref<64x64xf32, #tpu.memory_space<vmem>>[vector<16xi32>, vector<16xi32>], vector<16xf32>,
        tpu.vector_store_idx %arg9[%parallel_loop3A_101, %add3A_34], %parallel_loop3A_102 : memref<64x128xf32, #tpu.memory_space<vmem>>[vector<16xi32>, vector<16xi32>], vector<16xf32>,
        %parallel_loop3A_103 = vector.broadcast %parallel_loop3A_96 : i32 to vector<16xi32>
        %parallel_loop3A_104 = arith.addi %parallel_loop3A_103, %add3A_37 : vector<16xi32>
        %parallel_loop3A_105 = arith.constant 63 : i32
        %parallel_loop3A_106 = vector.broadcast %parallel_loop3A_105 : i32 to vector<16xi32>
        %parallel_loop3A_107 = arith.andi %parallel_loop3A_104, %parallel_loop3A_106 : vector<16xi32>
        %parallel_loop3A_108 = tpu.vector_load_idx %arg8[%add3A_37, %parallel_loop3A_107] : memref<64x64xf32, #tpu.memory_space<vmem>>[vector<16xi32>, vector<16xi32>], vector<16xf32>,
        tpu.vector_store_idx %arg9[%parallel_loop3A_107, %add3A_37], %parallel_loop3A_108 : memref<64x128xf32, #tpu.memory_space<vmem>>[vector<16xi32>, vector<16xi32>], vector<16xf32>,
        %parallel_loop3A_109 = vector.broadcast %parallel_loop3A_96 : i32 to vector<16xi32>
        %parallel_loop3A_110 = arith.addi %parallel_loop3A_109, %add3A_40 : vector<16xi32>
        %parallel_loop3A_111 = arith.constant 63 : i32
        %parallel_loop3A_112 = vector.broadcast %parallel_loop3A_111 : i32 to vector<16xi32>
        %parallel_loop3A_113 = arith.andi %parallel_loop3A_110, %parallel_loop3A_112 : vector<16xi32>
        %parallel_loop3A_114 = tpu.vector_load_idx %arg8[%add3A_40, %parallel_loop3A_113] : memref<64x64xf32, #tpu.memory_space<vmem>>[vector<16xi32>, vector<16xi32>], vector<16xf32>,
        tpu.vector_store_idx %arg9[%parallel_loop3A_113, %add3A_40], %parallel_loop3A_114 : memref<64x128xf32, #tpu.memory_space<vmem>>[vector<16xi32>, vector<16xi32>], vector<16xf32>,
        %parallel_loop3A_115 = vector.broadcast %parallel_loop3A_96 : i32 to vector<16xi32>
        %parallel_loop3A_116 = arith.addi %parallel_loop3A_115, %add3A_43 : vector<16xi32>
        %parallel_loop3A_117 = arith.constant 63 : i32
        %parallel_loop3A_118 = vector.broadcast %parallel_loop3A_117 : i32 to vector<16xi32>
        %parallel_loop3A_119 = arith.andi %parallel_loop3A_116, %parallel_loop3A_118 : vector<16xi32>
        %parallel_loop3A_120 = tpu.vector_load_idx %arg8[%add3A_43, %parallel_loop3A_119] : memref<64x64xf32, #tpu.memory_space<vmem>>[vector<16xi32>, vector<16xi32>], vector<16xf32>,
        tpu.vector_store_idx %arg9[%parallel_loop3A_119, %add3A_43], %parallel_loop3A_120 : memref<64x128xf32, #tpu.memory_space<vmem>>[vector<16xi32>, vector<16xi32>], vector<16xf32>,
      } {sc.loop_unroll_factor = 4 : i64, sc.parallel_access}
      "tpu.region"() ({
        %run_scoped3A = tpu.sem_alloc : memref<!tpu.dma_semaphore, #tpu.memory_space<semaphore_mem>>
        %dma_start3A_96 = arith.constant 999936 : i32
        %dma_start3A_97 = arith.constant 0 : i32
        %dma_start3A_98 = tpu.memref_slice %arg3[%dma_start3A_96, %dma_start3A_97] : memref<1000000x128xf32, #tpu.memory_space<hbm>> -> memref<64x128xf32, #tpu.memory_space<hbm>>
        %dma_start3A_99 = arith.constant 999936 : i32
        %dma_start3A_100 = arith.constant 0 : i32
        %dma_start3A_101 = tpu.memref_slice %arg3[%dma_start3A_99, %dma_start3A_100] : memref<1000000x128xf32, #tpu.memory_space<hbm>> -> memref<64x128xf32, #tpu.memory_space<hbm>>
        tpu.enqueue_dma source(%arg9 : memref<64x128xf32, #tpu.memory_space<vmem>>) target(%dma_start3A_101 : memref<64x128xf32, #tpu.memory_space<hbm>>) target_semaphore(%run_scoped3A : memref<!tpu.dma_semaphore, #tpu.memory_space<semaphore_mem>>)
        %dma_wait3A_102 = arith.constant 999936 : i32
        %dma_wait3A_103 = arith.constant 0 : i32
        %dma_wait3A_104 = tpu.memref_slice %arg3[%dma_wait3A_102, %dma_wait3A_103] : memref<1000000x128xf32, #tpu.memory_space<hbm>> -> memref<64x128xf32, #tpu.memory_space<hbm>>
        %dma_wait3A_105 = arith.constant 999936 : i32
        %dma_wait3A_106 = arith.constant 0 : i32
        %dma_wait3A_107 = tpu.memref_slice %arg3[%dma_wait3A_105, %dma_wait3A_106] : memref<1000000x128xf32, #tpu.memory_space<hbm>> -> memref<64x128xf32, #tpu.memory_space<hbm>>
        tpu.wait_dma2 semaphore(%run_scoped3A : memref<!tpu.dma_semaphore, #tpu.memory_space<semaphore_mem>>) src(%arg9 : memref<64x128xf32, #tpu.memory_space<vmem>>) dst(%dma_wait3A_107 : memref<64x128xf32, #tpu.memory_space<hbm>>)
        tpu.yield
      }) : () -> ()
    } else {
    }
    return
  }
}

#map = affine_map<(d0, d1) -> (0, 0)>
#map1 = affine_map<(d0, d1) -> (0, 0, 0)>
module attributes {stable_mosaic.version = 14 : i64} {
  func.func @_gather(%arg0: i32, %arg1: i32, %arg2: memref<1000000x128xf32, #tpu.memory_space<hbm>>, %arg3: memref<4096x200xi32, #tpu.memory_space<hbm>>, %arg4: memref<200x64x4096xf32, #tpu.memory_space<hbm>>, %arg5: memref<128x200xi32, #tpu.memory_space<vmem>>, %arg6: memref<128xi32, #tpu.memory_space<vmem>>, %arg7: memref<128xi32, #tpu.memory_space<vmem>>, %arg8: memref<128x128xf32, #tpu.memory_space<vmem>>, %arg9: memref<128x128xf32, #tpu.memory_space<vmem>>, %arg10: memref<64x128xf32, #tpu.memory_space<vmem>>, %arg11: memref<64x128xf32, #tpu.memory_space<vmem>>, %arg12: memref<!tpu.dma_semaphore, #tpu.memory_space<semaphore_mem>>, %arg13: memref<!tpu.dma_semaphore, #tpu.memory_space<semaphore_mem>>, %arg14: memref<!tpu.dma_semaphore, #tpu.memory_space<semaphore_mem>>, %arg15: memref<!tpu.dma_semaphore, #tpu.memory_space<semaphore_mem>>) attributes {dimension_semantics = [#tpu.dimension_semantics<core_parallel>, #tpu.dimension_semantics<subcore_parallel>], iteration_bounds = array<i64: 2, 16>, scalar_prefetch = 0 : i64, scratch_operands = 11 : i64, tpu.core_type = #tpu.core_type<sc_vector_subcore>, window_params = [{transform_indices = #map}, {transform_indices = #map}, {transform_indices = #map1}]} {
    %mul3A = arith.constant 2 : i32
    %mul3A_0 = arith.muli %arg1, %mul3A : i32
    %add3A = arith.addi %mul3A_0, %arg0 : i32
    %mul3A_1 = arith.constant 128 : i32
    %mul3A_2 = arith.muli %add3A, %mul3A_1 : i32
    %iota3A = tpu.iota {dimensions = array<i32: 0>} : vector<16xi32>
    %add3A_3 = arith.constant 0 : i32
    %add3A_4 = vector.broadcast %add3A_3 : i32 to vector<16xi32>
    %add3A_5 = arith.addi %iota3A, %add3A_4 : vector<16xi32>
    %add3A_6 = arith.constant 16 : i32
    %add3A_7 = vector.broadcast %add3A_6 : i32 to vector<16xi32>
    %add3A_8 = arith.addi %iota3A, %add3A_7 : vector<16xi32>
    %add3A_9 = arith.constant 32 : i32
    %add3A_10 = vector.broadcast %add3A_9 : i32 to vector<16xi32>
    %add3A_11 = arith.addi %iota3A, %add3A_10 : vector<16xi32>
    %add3A_12 = arith.constant 48 : i32
    %add3A_13 = vector.broadcast %add3A_12 : i32 to vector<16xi32>
    %add3A_14 = arith.addi %iota3A, %add3A_13 : vector<16xi32>
    %add3A_15 = arith.constant 64 : i32
    %add3A_16 = vector.broadcast %add3A_15 : i32 to vector<16xi32>
    %add3A_17 = arith.addi %iota3A, %add3A_16 : vector<16xi32>
    %add3A_18 = arith.constant 80 : i32
    %add3A_19 = vector.broadcast %add3A_18 : i32 to vector<16xi32>
    %add3A_20 = arith.addi %iota3A, %add3A_19 : vector<16xi32>
    %add3A_21 = arith.constant 96 : i32
    %add3A_22 = vector.broadcast %add3A_21 : i32 to vector<16xi32>
    %add3A_23 = arith.addi %iota3A, %add3A_22 : vector<16xi32>
    %add3A_24 = arith.constant 112 : i32
    %add3A_25 = vector.broadcast %add3A_24 : i32 to vector<16xi32>
    %add3A_26 = arith.addi %iota3A, %add3A_25 : vector<16xi32>
    %broadcast_in_dim3A = arith.constant 0 : i32
    %broadcast_in_dim3A_27 = vector.broadcast %broadcast_in_dim3A : i32 to vector<16xi32>
    "tpu.region"() ({
      %run_scoped3A = tpu.sem_alloc : memref<!tpu.dma_semaphore, #tpu.memory_space<semaphore_mem>>
      %dma_start3A_107 = arith.constant 0 : i32
      %dma_start3A_108 = tpu.memref_slice %arg3[%mul3A_2, %dma_start3A_107] : memref<4096x200xi32, #tpu.memory_space<hbm>> -> memref<128x200xi32, #tpu.memory_space<hbm>>
      %dma_start3A_109 = arith.constant 0 : i32
      %dma_start3A_110 = tpu.memref_slice %arg3[%mul3A_2, %dma_start3A_109] : memref<4096x200xi32, #tpu.memory_space<hbm>> -> memref<128x200xi32, #tpu.memory_space<hbm>>
      tpu.enqueue_dma source(%dma_start3A_110 : memref<128x200xi32, #tpu.memory_space<hbm>>) target(%arg5 : memref<128x200xi32, #tpu.memory_space<vmem>>) target_semaphore(%run_scoped3A : memref<!tpu.dma_semaphore, #tpu.memory_space<semaphore_mem>>)
      %dma_wait3A_111 = arith.constant 0 : i32
      %dma_wait3A_112 = tpu.memref_slice %arg3[%mul3A_2, %dma_wait3A_111] : memref<4096x200xi32, #tpu.memory_space<hbm>> -> memref<128x200xi32, #tpu.memory_space<hbm>>
      %dma_wait3A_113 = arith.constant 0 : i32
      %dma_wait3A_114 = tpu.memref_slice %arg3[%mul3A_2, %dma_wait3A_113] : memref<4096x200xi32, #tpu.memory_space<hbm>> -> memref<128x200xi32, #tpu.memory_space<hbm>>
      tpu.wait_dma2 semaphore(%run_scoped3A : memref<!tpu.dma_semaphore, #tpu.memory_space<semaphore_mem>>) src(%dma_wait3A_114 : memref<128x200xi32, #tpu.memory_space<hbm>>) dst(%arg5 : memref<128x200xi32, #tpu.memory_space<vmem>>)
      tpu.yield
    }) : () -> ()
    %add3A_28 = arith.constant 0 : i32
    %add3A_29 = vector.broadcast %add3A_28 : i32 to vector<16xi32>
    %add3A_30 = arith.addi %broadcast_in_dim3A_27, %add3A_29 : vector<16xi32>
    %gather3A = tpu.vector_load_idx %arg5[%add3A_5, %add3A_30] : memref<128x200xi32, #tpu.memory_space<vmem>>[vector<16xi32>, vector<16xi32>], vector<16xi32>,
    %swap3A = arith.constant 0 : index
    %swap3A_31 = tpu.vector_load %arg6[%swap3A] {strides = array<i32>} : memref<128xi32, #tpu.memory_space<vmem>>, vector<16xi32>,
    tpu.vector_store %arg6[%swap3A], %gather3A {strides = array<i32>} : memref<128xi32, #tpu.memory_space<vmem>>, vector<16xi32>,
    %gather3A_32 = tpu.vector_load_idx %arg5[%add3A_8, %add3A_30] : memref<128x200xi32, #tpu.memory_space<vmem>>[vector<16xi32>, vector<16xi32>], vector<16xi32>,
    %swap3A_33 = arith.constant 16 : index
    %swap3A_34 = tpu.vector_load %arg6[%swap3A_33] {strides = array<i32>} : memref<128xi32, #tpu.memory_space<vmem>>, vector<16xi32>,
    tpu.vector_store %arg6[%swap3A_33], %gather3A_32 {strides = array<i32>} : memref<128xi32, #tpu.memory_space<vmem>>, vector<16xi32>,
    %gather3A_35 = tpu.vector_load_idx %arg5[%add3A_11, %add3A_30] : memref<128x200xi32, #tpu.memory_space<vmem>>[vector<16xi32>, vector<16xi32>], vector<16xi32>,
    %swap3A_36 = arith.constant 32 : index
    %swap3A_37 = tpu.vector_load %arg6[%swap3A_36] {strides = array<i32>} : memref<128xi32, #tpu.memory_space<vmem>>, vector<16xi32>,
    tpu.vector_store %arg6[%swap3A_36], %gather3A_35 {strides = array<i32>} : memref<128xi32, #tpu.memory_space<vmem>>, vector<16xi32>,
    %gather3A_38 = tpu.vector_load_idx %arg5[%add3A_14, %add3A_30] : memref<128x200xi32, #tpu.memory_space<vmem>>[vector<16xi32>, vector<16xi32>], vector<16xi32>,
    %swap3A_39 = arith.constant 48 : index
    %swap3A_40 = tpu.vector_load %arg6[%swap3A_39] {strides = array<i32>} : memref<128xi32, #tpu.memory_space<vmem>>, vector<16xi32>,
    tpu.vector_store %arg6[%swap3A_39], %gather3A_38 {strides = array<i32>} : memref<128xi32, #tpu.memory_space<vmem>>, vector<16xi32>,
    %gather3A_41 = tpu.vector_load_idx %arg5[%add3A_17, %add3A_30] : memref<128x200xi32, #tpu.memory_space<vmem>>[vector<16xi32>, vector<16xi32>], vector<16xi32>,
    %swap3A_42 = arith.constant 64 : index
    %swap3A_43 = tpu.vector_load %arg6[%swap3A_42] {strides = array<i32>} : memref<128xi32, #tpu.memory_space<vmem>>, vector<16xi32>,
    tpu.vector_store %arg6[%swap3A_42], %gather3A_41 {strides = array<i32>} : memref<128xi32, #tpu.memory_space<vmem>>, vector<16xi32>,
    %gather3A_44 = tpu.vector_load_idx %arg5[%add3A_20, %add3A_30] : memref<128x200xi32, #tpu.memory_space<vmem>>[vector<16xi32>, vector<16xi32>], vector<16xi32>,
    %swap3A_45 = arith.constant 80 : index
    %swap3A_46 = tpu.vector_load %arg6[%swap3A_45] {strides = array<i32>} : memref<128xi32, #tpu.memory_space<vmem>>, vector<16xi32>,
    tpu.vector_store %arg6[%swap3A_45], %gather3A_44 {strides = array<i32>} : memref<128xi32, #tpu.memory_space<vmem>>, vector<16xi32>,
    %gather3A_47 = tpu.vector_load_idx %arg5[%add3A_23, %add3A_30] : memref<128x200xi32, #tpu.memory_space<vmem>>[vector<16xi32>, vector<16xi32>], vector<16xi32>,
    %swap3A_48 = arith.constant 96 : index
    %swap3A_49 = tpu.vector_load %arg6[%swap3A_48] {strides = array<i32>} : memref<128xi32, #tpu.memory_space<vmem>>, vector<16xi32>,
    tpu.vector_store %arg6[%swap3A_48], %gather3A_47 {strides = array<i32>} : memref<128xi32, #tpu.memory_space<vmem>>, vector<16xi32>,
    %gather3A_50 = tpu.vector_load_idx %arg5[%add3A_26, %add3A_30] : memref<128x200xi32, #tpu.memory_space<vmem>>[vector<16xi32>, vector<16xi32>], vector<16xi32>,
    %swap3A_51 = arith.constant 112 : index
    %swap3A_52 = tpu.vector_load %arg6[%swap3A_51] {strides = array<i32>} : memref<128xi32, #tpu.memory_space<vmem>>, vector<16xi32>,
    tpu.vector_store %arg6[%swap3A_51], %gather3A_50 {strides = array<i32>} : memref<128xi32, #tpu.memory_space<vmem>>, vector<16xi32>,
    %dma_start3A = arith.constant 0 : i32
    %dma_start3A_53 = arith.constant 0 : i32
    %dma_start3A_54 = tpu.memref_slice %arg2[%dma_start3A, %dma_start3A_53] : memref<1000000x128xf32, #tpu.memory_space<hbm>> -> memref<1000000x128xf32, #tpu.memory_space<hbm>>
    tpu.enqueue_indirect_dma source(%dma_start3A_54 : memref<1000000x128xf32, #tpu.memory_space<hbm>>) target(%arg8 : memref<128x128xf32, #tpu.memory_space<vmem>>) offsets(%arg6 : memref<128xi32, #tpu.memory_space<vmem>>) semaphore(%arg12 : memref<!tpu.dma_semaphore, #tpu.memory_space<semaphore_mem>>)
    %add3A_55 = arith.constant 1 : i32
    %add3A_56 = vector.broadcast %add3A_55 : i32 to vector<16xi32>
    %add3A_57 = arith.addi %broadcast_in_dim3A_27, %add3A_56 : vector<16xi32>
    %gather3A_58 = tpu.vector_load_idx %arg5[%add3A_5, %add3A_57] : memref<128x200xi32, #tpu.memory_space<vmem>>[vector<16xi32>, vector<16xi32>], vector<16xi32>,
    %swap3A_59 = arith.constant 0 : index
    %swap3A_60 = tpu.vector_load %arg7[%swap3A_59] {strides = array<i32>} : memref<128xi32, #tpu.memory_space<vmem>>, vector<16xi32>,
    tpu.vector_store %arg7[%swap3A_59], %gather3A_58 {strides = array<i32>} : memref<128xi32, #tpu.memory_space<vmem>>, vector<16xi32>,
    %gather3A_61 = tpu.vector_load_idx %arg5[%add3A_8, %add3A_57] : memref<128x200xi32, #tpu.memory_space<vmem>>[vector<16xi32>, vector<16xi32>], vector<16xi32>,
    %swap3A_62 = arith.constant 16 : index
    %swap3A_63 = tpu.vector_load %arg7[%swap3A_62] {strides = array<i32>} : memref<128xi32, #tpu.memory_space<vmem>>, vector<16xi32>,
    tpu.vector_store %arg7[%swap3A_62], %gather3A_61 {strides = array<i32>} : memref<128xi32, #tpu.memory_space<vmem>>, vector<16xi32>,
    %gather3A_64 = tpu.vector_load_idx %arg5[%add3A_11, %add3A_57] : memref<128x200xi32, #tpu.memory_space<vmem>>[vector<16xi32>, vector<16xi32>], vector<16xi32>,
    %swap3A_65 = arith.constant 32 : index
    %swap3A_66 = tpu.vector_load %arg7[%swap3A_65] {strides = array<i32>} : memref<128xi32, #tpu.memory_space<vmem>>, vector<16xi32>,
    tpu.vector_store %arg7[%swap3A_65], %gather3A_64 {strides = array<i32>} : memref<128xi32, #tpu.memory_space<vmem>>, vector<16xi32>,
    %gather3A_67 = tpu.vector_load_idx %arg5[%add3A_14, %add3A_57] : memref<128x200xi32, #tpu.memory_space<vmem>>[vector<16xi32>, vector<16xi32>], vector<16xi32>,
    %swap3A_68 = arith.constant 48 : index
    %swap3A_69 = tpu.vector_load %arg7[%swap3A_68] {strides = array<i32>} : memref<128xi32, #tpu.memory_space<vmem>>, vector<16xi32>,
    tpu.vector_store %arg7[%swap3A_68], %gather3A_67 {strides = array<i32>} : memref<128xi32, #tpu.memory_space<vmem>>, vector<16xi32>,
    %gather3A_70 = tpu.vector_load_idx %arg5[%add3A_17, %add3A_57] : memref<128x200xi32, #tpu.memory_space<vmem>>[vector<16xi32>, vector<16xi32>], vector<16xi32>,
    %swap3A_71 = arith.constant 64 : index
    %swap3A_72 = tpu.vector_load %arg7[%swap3A_71] {strides = array<i32>} : memref<128xi32, #tpu.memory_space<vmem>>, vector<16xi32>,
    tpu.vector_store %arg7[%swap3A_71], %gather3A_70 {strides = array<i32>} : memref<128xi32, #tpu.memory_space<vmem>>, vector<16xi32>,
    %gather3A_73 = tpu.vector_load_idx %arg5[%add3A_20, %add3A_57] : memref<128x200xi32, #tpu.memory_space<vmem>>[vector<16xi32>, vector<16xi32>], vector<16xi32>,
    %swap3A_74 = arith.constant 80 : index
    %swap3A_75 = tpu.vector_load %arg7[%swap3A_74] {strides = array<i32>} : memref<128xi32, #tpu.memory_space<vmem>>, vector<16xi32>,
    tpu.vector_store %arg7[%swap3A_74], %gather3A_73 {strides = array<i32>} : memref<128xi32, #tpu.memory_space<vmem>>, vector<16xi32>,
    %gather3A_76 = tpu.vector_load_idx %arg5[%add3A_23, %add3A_57] : memref<128x200xi32, #tpu.memory_space<vmem>>[vector<16xi32>, vector<16xi32>], vector<16xi32>,
    %swap3A_77 = arith.constant 96 : index
    %swap3A_78 = tpu.vector_load %arg7[%swap3A_77] {strides = array<i32>} : memref<128xi32, #tpu.memory_space<vmem>>, vector<16xi32>,
    tpu.vector_store %arg7[%swap3A_77], %gather3A_76 {strides = array<i32>} : memref<128xi32, #tpu.memory_space<vmem>>, vector<16xi32>,
    %gather3A_79 = tpu.vector_load_idx %arg5[%add3A_26, %add3A_57] : memref<128x200xi32, #tpu.memory_space<vmem>>[vector<16xi32>, vector<16xi32>], vector<16xi32>,
    %swap3A_80 = arith.constant 112 : index
    %swap3A_81 = tpu.vector_load %arg7[%swap3A_80] {strides = array<i32>} : memref<128xi32, #tpu.memory_space<vmem>>, vector<16xi32>,
    tpu.vector_store %arg7[%swap3A_80], %gather3A_79 {strides = array<i32>} : memref<128xi32, #tpu.memory_space<vmem>>, vector<16xi32>,
    %dma_start3A_82 = arith.constant 0 : i32
    %dma_start3A_83 = arith.constant 0 : i32
    %dma_start3A_84 = tpu.memref_slice %arg2[%dma_start3A_82, %dma_start3A_83] : memref<1000000x128xf32, #tpu.memory_space<hbm>> -> memref<1000000x128xf32, #tpu.memory_space<hbm>>
    tpu.enqueue_indirect_dma source(%dma_start3A_84 : memref<1000000x128xf32, #tpu.memory_space<hbm>>) target(%arg9 : memref<128x128xf32, #tpu.memory_space<vmem>>) offsets(%arg7 : memref<128xi32, #tpu.memory_space<vmem>>) semaphore(%arg13 : memref<!tpu.dma_semaphore, #tpu.memory_space<semaphore_mem>>)
    %scan3A = arith.constant 0 : i32
    %scan3A_85 = arith.constant 0 : i32
    %scan3A_86 = arith.constant 100 : i32
    %scan3A_87 = arith.addi %scan3A_85, %scan3A_86 : i32
    %scan3A_88 = arith.constant 1 : i32
    scf.for %scan3A_107 = %scan3A_85 to %scan3A_87 step %scan3A_88  : i32 {
      %mul3A_108 = arith.constant 2 : i32
      %mul3A_109 = arith.muli %scan3A_107, %mul3A_108 : i32
      %dma_wait3A_110 = arith.constant 0 : i32
      %dma_wait3A_111 = arith.constant 0 : i32
      %dma_wait3A_112 = tpu.memref_slice %arg2[%dma_wait3A_110, %dma_wait3A_111] : memref<1000000x128xf32, #tpu.memory_space<hbm>> -> memref<128x128xf32, #tpu.memory_space<hbm>>
      %dma_wait3A_113 = arith.constant 0 : i32
      %dma_wait3A_114 = arith.constant 0 : i32
      %dma_wait3A_115 = tpu.memref_slice %arg2[%dma_wait3A_113, %dma_wait3A_114] : memref<1000000x128xf32, #tpu.memory_space<hbm>> -> memref<128x128xf32, #tpu.memory_space<hbm>>
      tpu.wait_dma2 semaphore(%arg12 : memref<!tpu.dma_semaphore, #tpu.memory_space<semaphore_mem>>) src(%dma_wait3A_115 : memref<128x128xf32, #tpu.memory_space<hbm>>) dst(%arg8 : memref<128x128xf32, #tpu.memory_space<vmem>>)
      %gt3A = arith.constant 0 : i32
      %gt3A_116 = arith.cmpi sgt, %scan3A_107, %gt3A : i32
      %convert_element_type3A = arith.extui %gt3A_116 : i1 to i32
      %cond3A = arith.constant 0 : i32
      %cond3A_117 = arith.cmpi ne, %convert_element_type3A, %cond3A : i32
      scf.if %cond3A_117 {
        %dma_wait3A_163 = arith.constant 0 : i32
        %dma_wait3A_164 = arith.constant 0 : i32
        %dma_wait3A_165 = arith.constant 0 : i32
        %dma_wait3A_166 = tpu.memref_slice %arg4[%dma_wait3A_163, %dma_wait3A_164, %dma_wait3A_165] : memref<200x64x4096xf32, #tpu.memory_space<hbm>> -> memref<1x64x128xf32, #tpu.memory_space<hbm>>
        %dma_wait3A_167 = tpu.memref_squeeze %dma_wait3A_166 : memref<1x64x128xf32, #tpu.memory_space<hbm>> -> memref<64x128xf32, #tpu.memory_space<hbm>>
        %dma_wait3A_168 = arith.constant 0 : i32
        %dma_wait3A_169 = arith.constant 0 : i32
        %dma_wait3A_170 = tpu.memref_slice %arg4[%dma_wait3A_163, %dma_wait3A_168, %dma_wait3A_169] : memref<200x64x4096xf32, #tpu.memory_space<hbm>> -> memref<1x64x128xf32, #tpu.memory_space<hbm>>
        %dma_wait3A_171 = tpu.memref_squeeze %dma_wait3A_170 : memref<1x64x128xf32, #tpu.memory_space<hbm>> -> memref<64x128xf32, #tpu.memory_space<hbm>>
        tpu.wait_dma2 semaphore(%arg14 : memref<!tpu.dma_semaphore, #tpu.memory_space<semaphore_mem>>) src(%arg10 : memref<64x128xf32, #tpu.memory_space<vmem>>) dst(%dma_wait3A_171 : memref<64x128xf32, #tpu.memory_space<hbm>>)
      } else {
      }
      %parallel_loop3A = arith.constant 0 : i32
      %parallel_loop3A_118 = arith.constant 128 : i32
      %parallel_loop3A_119 = arith.constant 1 : i32
      scf.for %parallel_loop3A_163 = %parallel_loop3A to %parallel_loop3A_118 step %parallel_loop3A_119  : i32 {
        %parallel_loop3A_164 = vector.broadcast %parallel_loop3A_163 : i32 to vector<16xi32>
        %parallel_loop3A_165 = arith.addi %parallel_loop3A_164, %add3A_5 : vector<16xi32>
        %parallel_loop3A_166 = arith.constant 127 : i32
        %parallel_loop3A_167 = vector.broadcast %parallel_loop3A_166 : i32 to vector<16xi32>
        %parallel_loop3A_168 = arith.andi %parallel_loop3A_165, %parallel_loop3A_167 : vector<16xi32>
        %parallel_loop3A_169 = tpu.vector_load_idx %arg8[%parallel_loop3A_168, %add3A_5] : memref<128x128xf32, #tpu.memory_space<vmem>>[vector<16xi32>, vector<16xi32>], vector<16xf32>,
        tpu.vector_store_idx %arg10[%add3A_5, %parallel_loop3A_168], %parallel_loop3A_169 : memref<64x128xf32, #tpu.memory_space<vmem>>[vector<16xi32>, vector<16xi32>], vector<16xf32>,
        %parallel_loop3A_170 = vector.broadcast %parallel_loop3A_163 : i32 to vector<16xi32>
        %parallel_loop3A_171 = arith.addi %parallel_loop3A_170, %add3A_8 : vector<16xi32>
        %parallel_loop3A_172 = arith.constant 127 : i32
        %parallel_loop3A_173 = vector.broadcast %parallel_loop3A_172 : i32 to vector<16xi32>
        %parallel_loop3A_174 = arith.andi %parallel_loop3A_171, %parallel_loop3A_173 : vector<16xi32>
        %parallel_loop3A_175 = tpu.vector_load_idx %arg8[%parallel_loop3A_174, %add3A_8] : memref<128x128xf32, #tpu.memory_space<vmem>>[vector<16xi32>, vector<16xi32>], vector<16xf32>,
        tpu.vector_store_idx %arg10[%add3A_8, %parallel_loop3A_174], %parallel_loop3A_175 : memref<64x128xf32, #tpu.memory_space<vmem>>[vector<16xi32>, vector<16xi32>], vector<16xf32>,
        %parallel_loop3A_176 = vector.broadcast %parallel_loop3A_163 : i32 to vector<16xi32>
        %parallel_loop3A_177 = arith.addi %parallel_loop3A_176, %add3A_11 : vector<16xi32>
        %parallel_loop3A_178 = arith.constant 127 : i32
        %parallel_loop3A_179 = vector.broadcast %parallel_loop3A_178 : i32 to vector<16xi32>
        %parallel_loop3A_180 = arith.andi %parallel_loop3A_177, %parallel_loop3A_179 : vector<16xi32>
        %parallel_loop3A_181 = tpu.vector_load_idx %arg8[%parallel_loop3A_180, %add3A_11] : memref<128x128xf32, #tpu.memory_space<vmem>>[vector<16xi32>, vector<16xi32>], vector<16xf32>,
        tpu.vector_store_idx %arg10[%add3A_11, %parallel_loop3A_180], %parallel_loop3A_181 : memref<64x128xf32, #tpu.memory_space<vmem>>[vector<16xi32>, vector<16xi32>], vector<16xf32>,
        %parallel_loop3A_182 = vector.broadcast %parallel_loop3A_163 : i32 to vector<16xi32>
        %parallel_loop3A_183 = arith.addi %parallel_loop3A_182, %add3A_14 : vector<16xi32>
        %parallel_loop3A_184 = arith.constant 127 : i32
        %parallel_loop3A_185 = vector.broadcast %parallel_loop3A_184 : i32 to vector<16xi32>
        %parallel_loop3A_186 = arith.andi %parallel_loop3A_183, %parallel_loop3A_185 : vector<16xi32>
        %parallel_loop3A_187 = tpu.vector_load_idx %arg8[%parallel_loop3A_186, %add3A_14] : memref<128x128xf32, #tpu.memory_space<vmem>>[vector<16xi32>, vector<16xi32>], vector<16xf32>,
        tpu.vector_store_idx %arg10[%add3A_14, %parallel_loop3A_186], %parallel_loop3A_187 : memref<64x128xf32, #tpu.memory_space<vmem>>[vector<16xi32>, vector<16xi32>], vector<16xf32>,
      } {sc.loop_unroll_factor = 4 : i64, sc.parallel_access}
      %add3A_120 = arith.constant 0 : i32
      %add3A_121 = arith.addi %mul3A_109, %add3A_120 : i32
      %dma_start3A_122 = arith.constant 0 : i32
      %dma_start3A_123 = tpu.memref_slice %arg4[%add3A_121, %dma_start3A_122, %mul3A_2] : memref<200x64x4096xf32, #tpu.memory_space<hbm>> -> memref<1x64x128xf32, #tpu.memory_space<hbm>>
      %dma_start3A_124 = tpu.memref_squeeze %dma_start3A_123 : memref<1x64x128xf32, #tpu.memory_space<hbm>> -> memref<64x128xf32, #tpu.memory_space<hbm>>
      %dma_start3A_125 = arith.constant 0 : i32
      %dma_start3A_126 = tpu.memref_slice %arg4[%add3A_121, %dma_start3A_125, %mul3A_2] : memref<200x64x4096xf32, #tpu.memory_space<hbm>> -> memref<1x64x128xf32, #tpu.memory_space<hbm>>
      %dma_start3A_127 = tpu.memref_squeeze %dma_start3A_126 : memref<1x64x128xf32, #tpu.memory_space<hbm>> -> memref<64x128xf32, #tpu.memory_space<hbm>>
      tpu.enqueue_dma source(%arg10 : memref<64x128xf32, #tpu.memory_space<vmem>>) target(%dma_start3A_127 : memref<64x128xf32, #tpu.memory_space<hbm>>) target_semaphore(%arg14 : memref<!tpu.dma_semaphore, #tpu.memory_space<semaphore_mem>>)
      %add3A_128 = arith.constant 1 : i32
      %add3A_129 = arith.addi %scan3A_107, %add3A_128 : i32
      %lt3A = arith.constant 100 : i32
      %lt3A_130 = arith.cmpi slt, %add3A_129, %lt3A : i32
      %convert_element_type3A_131 = arith.extui %lt3A_130 : i1 to i32
      %cond3A_132 = arith.constant 0 : i32
      %cond3A_133 = arith.cmpi ne, %convert_element_type3A_131, %cond3A_132 : i32
      scf.if %cond3A_133 {
        %add3A_163 = arith.constant 0 : i32
        %add3A_164 = arith.addi %mul3A_109, %add3A_163 : i32
        %add3A_165 = arith.constant 2 : i32
        %add3A_166 = arith.addi %add3A_164, %add3A_165 : i32
        %add3A_167 = vector.broadcast %add3A_166 : i32 to vector<16xi32>
        %add3A_168 = arith.addi %broadcast_in_dim3A_27, %add3A_167 : vector<16xi32>
        %gather3A_169 = tpu.vector_load_idx %arg5[%add3A_5, %add3A_168] : memref<128x200xi32, #tpu.memory_space<vmem>>[vector<16xi32>, vector<16xi32>], vector<16xi32>,
        %swap3A_170 = arith.constant 0 : index
        %swap3A_171 = tpu.vector_load %arg6[%swap3A_170] {strides = array<i32>} : memref<128xi32, #tpu.memory_space<vmem>>, vector<16xi32>,
        tpu.vector_store %arg6[%swap3A_170], %gather3A_169 {strides = array<i32>} : memref<128xi32, #tpu.memory_space<vmem>>, vector<16xi32>,
        %gather3A_172 = tpu.vector_load_idx %arg5[%add3A_8, %add3A_168] : memref<128x200xi32, #tpu.memory_space<vmem>>[vector<16xi32>, vector<16xi32>], vector<16xi32>,
        %swap3A_173 = arith.constant 16 : index
        %swap3A_174 = tpu.vector_load %arg6[%swap3A_173] {strides = array<i32>} : memref<128xi32, #tpu.memory_space<vmem>>, vector<16xi32>,
        tpu.vector_store %arg6[%swap3A_173], %gather3A_172 {strides = array<i32>} : memref<128xi32, #tpu.memory_space<vmem>>, vector<16xi32>,
        %gather3A_175 = tpu.vector_load_idx %arg5[%add3A_11, %add3A_168] : memref<128x200xi32, #tpu.memory_space<vmem>>[vector<16xi32>, vector<16xi32>], vector<16xi32>,
        %swap3A_176 = arith.constant 32 : index
        %swap3A_177 = tpu.vector_load %arg6[%swap3A_176] {strides = array<i32>} : memref<128xi32, #tpu.memory_space<vmem>>, vector<16xi32>,
        tpu.vector_store %arg6[%swap3A_176], %gather3A_175 {strides = array<i32>} : memref<128xi32, #tpu.memory_space<vmem>>, vector<16xi32>,
        %gather3A_178 = tpu.vector_load_idx %arg5[%add3A_14, %add3A_168] : memref<128x200xi32, #tpu.memory_space<vmem>>[vector<16xi32>, vector<16xi32>], vector<16xi32>,
        %swap3A_179 = arith.constant 48 : index
        %swap3A_180 = tpu.vector_load %arg6[%swap3A_179] {strides = array<i32>} : memref<128xi32, #tpu.memory_space<vmem>>, vector<16xi32>,
        tpu.vector_store %arg6[%swap3A_179], %gather3A_178 {strides = array<i32>} : memref<128xi32, #tpu.memory_space<vmem>>, vector<16xi32>,
        %gather3A_181 = tpu.vector_load_idx %arg5[%add3A_17, %add3A_168] : memref<128x200xi32, #tpu.memory_space<vmem>>[vector<16xi32>, vector<16xi32>], vector<16xi32>,
        %swap3A_182 = arith.constant 64 : index
        %swap3A_183 = tpu.vector_load %arg6[%swap3A_182] {strides = array<i32>} : memref<128xi32, #tpu.memory_space<vmem>>, vector<16xi32>,
        tpu.vector_store %arg6[%swap3A_182], %gather3A_181 {strides = array<i32>} : memref<128xi32, #tpu.memory_space<vmem>>, vector<16xi32>,
        %gather3A_184 = tpu.vector_load_idx %arg5[%add3A_20, %add3A_168] : memref<128x200xi32, #tpu.memory_space<vmem>>[vector<16xi32>, vector<16xi32>], vector<16xi32>,
        %swap3A_185 = arith.constant 80 : index
        %swap3A_186 = tpu.vector_load %arg6[%swap3A_185] {strides = array<i32>} : memref<128xi32, #tpu.memory_space<vmem>>, vector<16xi32>,
        tpu.vector_store %arg6[%swap3A_185], %gather3A_184 {strides = array<i32>} : memref<128xi32, #tpu.memory_space<vmem>>, vector<16xi32>,
        %gather3A_187 = tpu.vector_load_idx %arg5[%add3A_23, %add3A_168] : memref<128x200xi32, #tpu.memory_space<vmem>>[vector<16xi32>, vector<16xi32>], vector<16xi32>,
        %swap3A_188 = arith.constant 96 : index
        %swap3A_189 = tpu.vector_load %arg6[%swap3A_188] {strides = array<i32>} : memref<128xi32, #tpu.memory_space<vmem>>, vector<16xi32>,
        tpu.vector_store %arg6[%swap3A_188], %gather3A_187 {strides = array<i32>} : memref<128xi32, #tpu.memory_space<vmem>>, vector<16xi32>,
        %gather3A_190 = tpu.vector_load_idx %arg5[%add3A_26, %add3A_168] : memref<128x200xi32, #tpu.memory_space<vmem>>[vector<16xi32>, vector<16xi32>], vector<16xi32>,
        %swap3A_191 = arith.constant 112 : index
        %swap3A_192 = tpu.vector_load %arg6[%swap3A_191] {strides = array<i32>} : memref<128xi32, #tpu.memory_space<vmem>>, vector<16xi32>,
        tpu.vector_store %arg6[%swap3A_191], %gather3A_190 {strides = array<i32>} : memref<128xi32, #tpu.memory_space<vmem>>, vector<16xi32>,
        %dma_start3A_193 = arith.constant 0 : i32
        %dma_start3A_194 = arith.constant 0 : i32
        %dma_start3A_195 = tpu.memref_slice %arg2[%dma_start3A_193, %dma_start3A_194] : memref<1000000x128xf32, #tpu.memory_space<hbm>> -> memref<1000000x128xf32, #tpu.memory_space<hbm>>
        tpu.enqueue_indirect_dma source(%dma_start3A_195 : memref<1000000x128xf32, #tpu.memory_space<hbm>>) target(%arg8 : memref<128x128xf32, #tpu.memory_space<vmem>>) offsets(%arg6 : memref<128xi32, #tpu.memory_space<vmem>>) semaphore(%arg12 : memref<!tpu.dma_semaphore, #tpu.memory_space<semaphore_mem>>)
      } else {
      }
      %dma_wait3A_134 = arith.constant 0 : i32
      %dma_wait3A_135 = arith.constant 0 : i32
      %dma_wait3A_136 = tpu.memref_slice %arg2[%dma_wait3A_134, %dma_wait3A_135] : memref<1000000x128xf32, #tpu.memory_space<hbm>> -> memref<128x128xf32, #tpu.memory_space<hbm>>
      %dma_wait3A_137 = arith.constant 0 : i32
      %dma_wait3A_138 = arith.constant 0 : i32
      %dma_wait3A_139 = tpu.memref_slice %arg2[%dma_wait3A_137, %dma_wait3A_138] : memref<1000000x128xf32, #tpu.memory_space<hbm>> -> memref<128x128xf32, #tpu.memory_space<hbm>>
      tpu.wait_dma2 semaphore(%arg13 : memref<!tpu.dma_semaphore, #tpu.memory_space<semaphore_mem>>) src(%dma_wait3A_139 : memref<128x128xf32, #tpu.memory_space<hbm>>) dst(%arg9 : memref<128x128xf32, #tpu.memory_space<vmem>>)
      %gt3A_140 = arith.constant 0 : i32
      %gt3A_141 = arith.cmpi sgt, %scan3A_107, %gt3A_140 : i32
      %convert_element_type3A_142 = arith.extui %gt3A_141 : i1 to i32
      %cond3A_143 = arith.constant 0 : i32
      %cond3A_144 = arith.cmpi ne, %convert_element_type3A_142, %cond3A_143 : i32
      scf.if %cond3A_144 {
        %dma_wait3A_163 = arith.constant 0 : i32
        %dma_wait3A_164 = arith.constant 0 : i32
        %dma_wait3A_165 = arith.constant 0 : i32
        %dma_wait3A_166 = tpu.memref_slice %arg4[%dma_wait3A_163, %dma_wait3A_164, %dma_wait3A_165] : memref<200x64x4096xf32, #tpu.memory_space<hbm>> -> memref<1x64x128xf32, #tpu.memory_space<hbm>>
        %dma_wait3A_167 = tpu.memref_squeeze %dma_wait3A_166 : memref<1x64x128xf32, #tpu.memory_space<hbm>> -> memref<64x128xf32, #tpu.memory_space<hbm>>
        %dma_wait3A_168 = arith.constant 0 : i32
        %dma_wait3A_169 = arith.constant 0 : i32
        %dma_wait3A_170 = tpu.memref_slice %arg4[%dma_wait3A_163, %dma_wait3A_168, %dma_wait3A_169] : memref<200x64x4096xf32, #tpu.memory_space<hbm>> -> memref<1x64x128xf32, #tpu.memory_space<hbm>>
        %dma_wait3A_171 = tpu.memref_squeeze %dma_wait3A_170 : memref<1x64x128xf32, #tpu.memory_space<hbm>> -> memref<64x128xf32, #tpu.memory_space<hbm>>
        tpu.wait_dma2 semaphore(%arg15 : memref<!tpu.dma_semaphore, #tpu.memory_space<semaphore_mem>>) src(%arg11 : memref<64x128xf32, #tpu.memory_space<vmem>>) dst(%dma_wait3A_171 : memref<64x128xf32, #tpu.memory_space<hbm>>)
      } else {
      }
      %parallel_loop3A_145 = arith.constant 0 : i32
      %parallel_loop3A_146 = arith.constant 128 : i32
      %parallel_loop3A_147 = arith.constant 1 : i32
      scf.for %parallel_loop3A_163 = %parallel_loop3A_145 to %parallel_loop3A_146 step %parallel_loop3A_147  : i32 {
        %parallel_loop3A_164 = vector.broadcast %parallel_loop3A_163 : i32 to vector<16xi32>
        %parallel_loop3A_165 = arith.addi %parallel_loop3A_164, %add3A_5 : vector<16xi32>
        %parallel_loop3A_166 = arith.constant 127 : i32
        %parallel_loop3A_167 = vector.broadcast %parallel_loop3A_166 : i32 to vector<16xi32>
        %parallel_loop3A_168 = arith.andi %parallel_loop3A_165, %parallel_loop3A_167 : vector<16xi32>
        %parallel_loop3A_169 = tpu.vector_load_idx %arg9[%parallel_loop3A_168, %add3A_5] : memref<128x128xf32, #tpu.memory_space<vmem>>[vector<16xi32>, vector<16xi32>], vector<16xf32>,
        tpu.vector_store_idx %arg11[%add3A_5, %parallel_loop3A_168], %parallel_loop3A_169 : memref<64x128xf32, #tpu.memory_space<vmem>>[vector<16xi32>, vector<16xi32>], vector<16xf32>,
        %parallel_loop3A_170 = vector.broadcast %parallel_loop3A_163 : i32 to vector<16xi32>
        %parallel_loop3A_171 = arith.addi %parallel_loop3A_170, %add3A_8 : vector<16xi32>
        %parallel_loop3A_172 = arith.constant 127 : i32
        %parallel_loop3A_173 = vector.broadcast %parallel_loop3A_172 : i32 to vector<16xi32>
        %parallel_loop3A_174 = arith.andi %parallel_loop3A_171, %parallel_loop3A_173 : vector<16xi32>
        %parallel_loop3A_175 = tpu.vector_load_idx %arg9[%parallel_loop3A_174, %add3A_8] : memref<128x128xf32, #tpu.memory_space<vmem>>[vector<16xi32>, vector<16xi32>], vector<16xf32>,
        tpu.vector_store_idx %arg11[%add3A_8, %parallel_loop3A_174], %parallel_loop3A_175 : memref<64x128xf32, #tpu.memory_space<vmem>>[vector<16xi32>, vector<16xi32>], vector<16xf32>,
        %parallel_loop3A_176 = vector.broadcast %parallel_loop3A_163 : i32 to vector<16xi32>
        %parallel_loop3A_177 = arith.addi %parallel_loop3A_176, %add3A_11 : vector<16xi32>
        %parallel_loop3A_178 = arith.constant 127 : i32
        %parallel_loop3A_179 = vector.broadcast %parallel_loop3A_178 : i32 to vector<16xi32>
        %parallel_loop3A_180 = arith.andi %parallel_loop3A_177, %parallel_loop3A_179 : vector<16xi32>
        %parallel_loop3A_181 = tpu.vector_load_idx %arg9[%parallel_loop3A_180, %add3A_11] : memref<128x128xf32, #tpu.memory_space<vmem>>[vector<16xi32>, vector<16xi32>], vector<16xf32>,
        tpu.vector_store_idx %arg11[%add3A_11, %parallel_loop3A_180], %parallel_loop3A_181 : memref<64x128xf32, #tpu.memory_space<vmem>>[vector<16xi32>, vector<16xi32>], vector<16xf32>,
        %parallel_loop3A_182 = vector.broadcast %parallel_loop3A_163 : i32 to vector<16xi32>
        %parallel_loop3A_183 = arith.addi %parallel_loop3A_182, %add3A_14 : vector<16xi32>
        %parallel_loop3A_184 = arith.constant 127 : i32
        %parallel_loop3A_185 = vector.broadcast %parallel_loop3A_184 : i32 to vector<16xi32>
        %parallel_loop3A_186 = arith.andi %parallel_loop3A_183, %parallel_loop3A_185 : vector<16xi32>
        %parallel_loop3A_187 = tpu.vector_load_idx %arg9[%parallel_loop3A_186, %add3A_14] : memref<128x128xf32, #tpu.memory_space<vmem>>[vector<16xi32>, vector<16xi32>], vector<16xf32>,
        tpu.vector_store_idx %arg11[%add3A_14, %parallel_loop3A_186], %parallel_loop3A_187 : memref<64x128xf32, #tpu.memory_space<vmem>>[vector<16xi32>, vector<16xi32>], vector<16xf32>,
      } {sc.loop_unroll_factor = 4 : i64, sc.parallel_access}
      %add3A_148 = arith.constant 1 : i32
      %add3A_149 = arith.addi %mul3A_109, %add3A_148 : i32
      %dma_start3A_150 = arith.constant 0 : i32
      %dma_start3A_151 = tpu.memref_slice %arg4[%add3A_149, %dma_start3A_150, %mul3A_2] : memref<200x64x4096xf32, #tpu.memory_space<hbm>> -> memref<1x64x128xf32, #tpu.memory_space<hbm>>
      %dma_start3A_152 = tpu.memref_squeeze %dma_start3A_151 : memref<1x64x128xf32, #tpu.memory_space<hbm>> -> memref<64x128xf32, #tpu.memory_space<hbm>>
      %dma_start3A_153 = arith.constant 0 : i32
      %dma_start3A_154 = tpu.memref_slice %arg4[%add3A_149, %dma_start3A_153, %mul3A_2] : memref<200x64x4096xf32, #tpu.memory_space<hbm>> -> memref<1x64x128xf32, #tpu.memory_space<hbm>>
      %dma_start3A_155 = tpu.memref_squeeze %dma_start3A_154 : memref<1x64x128xf32, #tpu.memory_space<hbm>> -> memref<64x128xf32, #tpu.memory_space<hbm>>
      tpu.enqueue_dma source(%arg11 : memref<64x128xf32, #tpu.memory_space<vmem>>) target(%dma_start3A_155 : memref<64x128xf32, #tpu.memory_space<hbm>>) target_semaphore(%arg15 : memref<!tpu.dma_semaphore, #tpu.memory_space<semaphore_mem>>)
      %add3A_156 = arith.constant 1 : i32
      %add3A_157 = arith.addi %scan3A_107, %add3A_156 : i32
      %lt3A_158 = arith.constant 100 : i32
      %lt3A_159 = arith.cmpi slt, %add3A_157, %lt3A_158 : i32
      %convert_element_type3A_160 = arith.extui %lt3A_159 : i1 to i32
      %cond3A_161 = arith.constant 0 : i32
      %cond3A_162 = arith.cmpi ne, %convert_element_type3A_160, %cond3A_161 : i32
      scf.if %cond3A_162 {
        %add3A_163 = arith.constant 1 : i32
        %add3A_164 = arith.addi %mul3A_109, %add3A_163 : i32
        %add3A_165 = arith.constant 2 : i32
        %add3A_166 = arith.addi %add3A_164, %add3A_165 : i32
        %add3A_167 = vector.broadcast %add3A_166 : i32 to vector<16xi32>
        %add3A_168 = arith.addi %broadcast_in_dim3A_27, %add3A_167 : vector<16xi32>
        %gather3A_169 = tpu.vector_load_idx %arg5[%add3A_5, %add3A_168] : memref<128x200xi32, #tpu.memory_space<vmem>>[vector<16xi32>, vector<16xi32>], vector<16xi32>,
        %swap3A_170 = arith.constant 0 : index
        %swap3A_171 = tpu.vector_load %arg7[%swap3A_170] {strides = array<i32>} : memref<128xi32, #tpu.memory_space<vmem>>, vector<16xi32>,
        tpu.vector_store %arg7[%swap3A_170], %gather3A_169 {strides = array<i32>} : memref<128xi32, #tpu.memory_space<vmem>>, vector<16xi32>,
        %gather3A_172 = tpu.vector_load_idx %arg5[%add3A_8, %add3A_168] : memref<128x200xi32, #tpu.memory_space<vmem>>[vector<16xi32>, vector<16xi32>], vector<16xi32>,
        %swap3A_173 = arith.constant 16 : index
        %swap3A_174 = tpu.vector_load %arg7[%swap3A_173] {strides = array<i32>} : memref<128xi32, #tpu.memory_space<vmem>>, vector<16xi32>,
        tpu.vector_store %arg7[%swap3A_173], %gather3A_172 {strides = array<i32>} : memref<128xi32, #tpu.memory_space<vmem>>, vector<16xi32>,
        %gather3A_175 = tpu.vector_load_idx %arg5[%add3A_11, %add3A_168] : memref<128x200xi32, #tpu.memory_space<vmem>>[vector<16xi32>, vector<16xi32>], vector<16xi32>,
        %swap3A_176 = arith.constant 32 : index
        %swap3A_177 = tpu.vector_load %arg7[%swap3A_176] {strides = array<i32>} : memref<128xi32, #tpu.memory_space<vmem>>, vector<16xi32>,
        tpu.vector_store %arg7[%swap3A_176], %gather3A_175 {strides = array<i32>} : memref<128xi32, #tpu.memory_space<vmem>>, vector<16xi32>,
        %gather3A_178 = tpu.vector_load_idx %arg5[%add3A_14, %add3A_168] : memref<128x200xi32, #tpu.memory_space<vmem>>[vector<16xi32>, vector<16xi32>], vector<16xi32>,
        %swap3A_179 = arith.constant 48 : index
        %swap3A_180 = tpu.vector_load %arg7[%swap3A_179] {strides = array<i32>} : memref<128xi32, #tpu.memory_space<vmem>>, vector<16xi32>,
        tpu.vector_store %arg7[%swap3A_179], %gather3A_178 {strides = array<i32>} : memref<128xi32, #tpu.memory_space<vmem>>, vector<16xi32>,
        %gather3A_181 = tpu.vector_load_idx %arg5[%add3A_17, %add3A_168] : memref<128x200xi32, #tpu.memory_space<vmem>>[vector<16xi32>, vector<16xi32>], vector<16xi32>,
        %swap3A_182 = arith.constant 64 : index
        %swap3A_183 = tpu.vector_load %arg7[%swap3A_182] {strides = array<i32>} : memref<128xi32, #tpu.memory_space<vmem>>, vector<16xi32>,
        tpu.vector_store %arg7[%swap3A_182], %gather3A_181 {strides = array<i32>} : memref<128xi32, #tpu.memory_space<vmem>>, vector<16xi32>,
        %gather3A_184 = tpu.vector_load_idx %arg5[%add3A_20, %add3A_168] : memref<128x200xi32, #tpu.memory_space<vmem>>[vector<16xi32>, vector<16xi32>], vector<16xi32>,
        %swap3A_185 = arith.constant 80 : index
        %swap3A_186 = tpu.vector_load %arg7[%swap3A_185] {strides = array<i32>} : memref<128xi32, #tpu.memory_space<vmem>>, vector<16xi32>,
        tpu.vector_store %arg7[%swap3A_185], %gather3A_184 {strides = array<i32>} : memref<128xi32, #tpu.memory_space<vmem>>, vector<16xi32>,
        %gather3A_187 = tpu.vector_load_idx %arg5[%add3A_23, %add3A_168] : memref<128x200xi32, #tpu.memory_space<vmem>>[vector<16xi32>, vector<16xi32>], vector<16xi32>,
        %swap3A_188 = arith.constant 96 : index
        %swap3A_189 = tpu.vector_load %arg7[%swap3A_188] {strides = array<i32>} : memref<128xi32, #tpu.memory_space<vmem>>, vector<16xi32>,
        tpu.vector_store %arg7[%swap3A_188], %gather3A_187 {strides = array<i32>} : memref<128xi32, #tpu.memory_space<vmem>>, vector<16xi32>,
        %gather3A_190 = tpu.vector_load_idx %arg5[%add3A_26, %add3A_168] : memref<128x200xi32, #tpu.memory_space<vmem>>[vector<16xi32>, vector<16xi32>], vector<16xi32>,
        %swap3A_191 = arith.constant 112 : index
        %swap3A_192 = tpu.vector_load %arg7[%swap3A_191] {strides = array<i32>} : memref<128xi32, #tpu.memory_space<vmem>>, vector<16xi32>,
        tpu.vector_store %arg7[%swap3A_191], %gather3A_190 {strides = array<i32>} : memref<128xi32, #tpu.memory_space<vmem>>, vector<16xi32>,
        %dma_start3A_193 = arith.constant 0 : i32
        %dma_start3A_194 = arith.constant 0 : i32
        %dma_start3A_195 = tpu.memref_slice %arg2[%dma_start3A_193, %dma_start3A_194] : memref<1000000x128xf32, #tpu.memory_space<hbm>> -> memref<1000000x128xf32, #tpu.memory_space<hbm>>
        tpu.enqueue_indirect_dma source(%dma_start3A_195 : memref<1000000x128xf32, #tpu.memory_space<hbm>>) target(%arg9 : memref<128x128xf32, #tpu.memory_space<vmem>>) offsets(%arg7 : memref<128xi32, #tpu.memory_space<vmem>>) semaphore(%arg13 : memref<!tpu.dma_semaphore, #tpu.memory_space<semaphore_mem>>)
      } else {
      }
    }
    %scan3A_89 = arith.constant 100 : i32
    %dma_wait3A = arith.constant 0 : i32
    %dma_wait3A_90 = arith.constant 0 : i32
    %dma_wait3A_91 = arith.constant 0 : i32
    %dma_wait3A_92 = tpu.memref_slice %arg4[%dma_wait3A, %dma_wait3A_90, %dma_wait3A_91] : memref<200x64x4096xf32, #tpu.memory_space<hbm>> -> memref<1x64x128xf32, #tpu.memory_space<hbm>>
    %dma_wait3A_93 = tpu.memref_squeeze %dma_wait3A_92 : memref<1x64x128xf32, #tpu.memory_space<hbm>> -> memref<64x128xf32, #tpu.memory_space<hbm>>
    %dma_wait3A_94 = arith.constant 0 : i32
    %dma_wait3A_95 = arith.constant 0 : i32
    %dma_wait3A_96 = tpu.memref_slice %arg4[%dma_wait3A, %dma_wait3A_94, %dma_wait3A_95] : memref<200x64x4096xf32, #tpu.memory_space<hbm>> -> memref<1x64x128xf32, #tpu.memory_space<hbm>>
    %dma_wait3A_97 = tpu.memref_squeeze %dma_wait3A_96 : memref<1x64x128xf32, #tpu.memory_space<hbm>> -> memref<64x128xf32, #tpu.memory_space<hbm>>
    tpu.wait_dma2 semaphore(%arg14 : memref<!tpu.dma_semaphore, #tpu.memory_space<semaphore_mem>>) src(%arg10 : memref<64x128xf32, #tpu.memory_space<vmem>>) dst(%dma_wait3A_97 : memref<64x128xf32, #tpu.memory_space<hbm>>)
    %dma_wait3A_98 = arith.constant 0 : i32
    %dma_wait3A_99 = arith.constant 0 : i32
    %dma_wait3A_100 = arith.constant 0 : i32
    %dma_wait3A_101 = tpu.memref_slice %arg4[%dma_wait3A_98, %dma_wait3A_99, %dma_wait3A_100] : memref<200x64x4096xf32, #tpu.memory_space<hbm>> -> memref<1x64x128xf32, #tpu.memory_space<hbm>>
    %dma_wait3A_102 = tpu.memref_squeeze %dma_wait3A_101 : memref<1x64x128xf32, #tpu.memory_space<hbm>> -> memref<64x128xf32, #tpu.memory_space<hbm>>
    %dma_wait3A_103 = arith.constant 0 : i32
    %dma_wait3A_104 = arith.constant 0 : i32
    %dma_wait3A_105 = tpu.memref_slice %arg4[%dma_wait3A_98, %dma_wait3A_103, %dma_wait3A_104] : memref<200x64x4096xf32, #tpu.memory_space<hbm>> -> memref<1x64x128xf32, #tpu.memory_space<hbm>>
    %dma_wait3A_106 = tpu.memref_squeeze %dma_wait3A_105 : memref<1x64x128xf32, #tpu.memory_space<hbm>> -> memref<64x128xf32, #tpu.memory_space<hbm>>
    tpu.wait_dma2 semaphore(%arg15 : memref<!tpu.dma_semaphore, #tpu.memory_space<semaphore_mem>>) src(%arg11 : memref<64x128xf32, #tpu.memory_space<vmem>>) dst(%dma_wait3A_106 : memref<64x128xf32, #tpu.memory_space<hbm>>)
    return
  }
}

</mosaic_0001>

<sc_bundles>
// kernel: kernel.4.cloned.1.call-start
scs
__scs_entry_jumppad:
0x0: {  	(pc) =	sbr.rel $0x88, $3  }
0x1: {  	(tag) =	ssettag $0x0;
	lr =	simm.s32 $0x1  }
0x2: {  	[smem:$0x3F9F] =	sst lr;
	_ =	strace $0xD0000000  }
0x3: {  	_ = 	snop  }
0x4: {  	_ = 	snop  }
0x5: {  	_ = 	snop  }
0x6: {  	_ = 	snop  }
0x7: {  	_ = 	snop  }
__scs_overlays_trampoline_lowered:
0x8: {  	[smem:$0x3FAE] =	sst s0  }
0x9: {  	[smem:$0x3FAF] =	sst s1  }
0xa: {  	[smem:$0x3FB0] =	sst s2  }
0xb: {  	[smem:$0x3FB1] =	sst s3  }
0xc: {  	[smem:$0x3FB2] =	sst s4  }
0xd: {  	[smem:$0x3FB3] =	sst s5  }
0xe: {  	[smem:$0x3FB4] =	sst s6  }
0xf: {  	[smem:$0x3FB5] =	sst s7  }
0x10: {  	[smem:$0x3FB6] =	sst s8  }
0x11: {  	[smem:$0x3FB7] =	sst s9;
	s0 =	simm.s32 @!p0 $0x0  }
0x12: {  	s1 =	sld [smem:$0x3F9D];
	s0 =	simm.s32 @p0 $0x1  }
0x13: {  	[smem:$0x3FB8] =	sst s0;
	s0 =	simm.s32 @!p1 $0x0  }
0x14: {  	s2 =	sld [smem:$0x3F9C];
	s0 =	simm.s32 @p1 $0x1  }
0x15: {  	[smem:$0x3FB9] =	sst s0;
	s0 =	simm.s32 @!p2 $0x0  }
0x16: {  	s3 =	sld [smem:$0x3FDB];
	s0 =	simm.s32 @p2 $0x1  }
0x17: {  	s4 =	simm.s32 $0x1BF5;
	[smem:$0x3FBB] =	sst s0  }
0x18: {  	s0 =	sld [smem:$0x3F9E];
	_ =	swait.ge [sflag:s4], $0x0  }
0x19: {  	s7 =	sld [smem:$0x3F9F]  }
0x1a: {  	s8 =	sadd.s32 $0xFFFFE003, lr  }
0x1b: {  	s9 =	sadd.s32 $0xFFFFFEF7, lr;
	s5 =	simm.s32 $0xFFFFFFFF;
	p2 =	slt.u32 s8, $0xFFFFF086  }
0x1c: {  	p1 =	slt.u32 s9, $0xF7A;
	s5 =	simm.s32 @!p2 $0x0  }
0x1d: {  	s5 =	simm.s32 @p1 $0x1;
	p0 =	seq.s32 s7, s2  }
0x1e: {  	s7 =	smul.u32 @!p0 $0xF7A, s2;
	p2 =	seq.s32 @!p0 s5, $0x0  }
0x1f: {  	s9 =	smul.u32 $0xF7A, s1;
	s8 =	simm.s32 @!p0 $0x1BF5;
	p2 =	por !p2, p0  }
0x20: {  	[sflag:s8] =	ssyncset.s32 @!p0 $0xFFFFF086;
	s6 =	sadd.s32 @!p0 s3, s7;
	s7 =	simm.s32 @!p0 $0x108  }
0x21: {  	s3 =	sadd.s32 s3, s9;
	s6 =	sadd.s32 @!p0 $0x88, s6;
	s7 =	simm.s32 @p2 $0x1082  }
0x22: {  	[simem:s7], [sflag:s8] =	dma.local @!p0 [hbm:s6], $0xF7A  }
0x23: {  	s9 =	sor.u32 $0xD0000000, s2;
	s6 =	simm.s32 $0x108;
	_ =	swait.ge @!p0 [sflag:s8], $0x0  }
0x24: {  	s3 =	sadd.s32 $0x88, s3;
	s6 =	simm.s32 @!p1 $0x1082;
	[sflag:s4] =	ssyncset.s32 $0xFFFFF086  }
0x25: {  	[simem:s6], [sflag:s4] =	dma.local [hbm:s3], $0xF7A  }
0x26: {  	[smem:$0x3F9F] =	sst s1;
	(tag) =	ssettag s2;
	_ =	strace s9  }
0x27: {  	s1 =	sld [smem:$0x3FAF]  }
0x28: {  	s2 =	sld [smem:$0x3FB0]  }
0x29: {  	s4 =	sld [smem:$0x3FB2]  }
0x2a: {  	p0 =	seq.s32 s5, $0x0;
	s5 =	sld [smem:$0x3FB3]  }
0x2b: {  	s6 =	sld [smem:$0x3FB4]  }
0x2c: {  	s7 =	sld [smem:$0x3FB5]  }
0x2d: {  	s3 =	simm.s32 $0x108;
	s8 =	sld [smem:$0x3FB6]  }
0x2e: {  	s3 =	simm.s32 @!p0 $0x1082;
	s9 =	sld [smem:$0x3FB7]  }
0x2f: {  	lr =	sadd.s32 s0, s3;
	s0 =	sld [smem:$0x3FAE]  }
0x30: {  	s3 =	sld [smem:$0x3FB1]  }
0x31: {  	[smem:$0x3FBA] =	sst s10  }
0x32: {  	s10 =	sld [smem:$0x3FB8];
	_ =	sdelay $0x3  }
0x33: {  	p0 =	seq.s32 s10, $0x1;
	s10 =	sld [smem:$0x3FBA];
	_ =	sdelay $0x3  }
0x34: {  	[smem:$0x3FBA] =	sst s10  }
0x35: {  	s10 =	sld [smem:$0x3FB9];
	_ =	sdelay $0x3  }
0x36: {  	p1 =	seq.s32 s10, $0x1;
	s10 =	sld [smem:$0x3FBA];
	_ =	sdelay $0x3  }
0x37: {  	[smem:$0x3FBA] =	sst s10  }
0x38: {  	s10 =	sld [smem:$0x3FBB]  }
0x39: {  	_ = 	snop;
	(pc) =	sbr.ind lr, $3  }
0x3a: {  	_ = 	snop  }
0x3b: {  	_ = 	snop  }
0x3c: {  	p2 =	seq.s32 s10, $0x1;
	s10 =	sld [smem:$0x3FBA]  }
0x3d: {  	_ =	shalt  }
0x3e: {  	_ =	shalt  }
0x3f: {  	_ =	shalt  }
0x40: {  	_ =	shalt  }
0x41: {  	_ =	shalt  }
0x42: {  	_ =	shalt  }
0x43: {  	_ =	shalt  }
0x44: {  	_ =	shalt  }
0x45: {  	_ =	shalt  }
0x46: {  	_ =	shalt  }
0x47: {  	_ =	shalt  }
0x48: {  	_ =	shalt  }
0x49: {  	_ =	shalt  }
0x4a: {  	_ =	shalt  }
0x4b: {  	_ =	shalt  }
0x4c: {  	_ =	shalt  }
0x4d: {  	_ =	shalt  }
0x4e: {  	_ =	shalt  }
0x4f: {  	_ =	shalt  }
0x50: {  	_ =	shalt  }
0x51: {  	_ =	shalt  }
0x52: {  	_ =	shalt  }
0x53: {  	_ =	shalt  }
0x54: {  	_ =	shalt  }
0x55: {  	_ =	shalt  }
0x56: {  	_ =	shalt  }
0x57: {  	_ =	shalt  }
0x58: {  	_ =	shalt  }
0x59: {  	_ =	shalt  }
0x5a: {  	_ =	shalt  }
0x5b: {  	_ =	shalt  }
0x5c: {  	_ =	shalt  }
0x5d: {  	_ =	shalt  }
0x5e: {  	_ =	shalt  }
0x5f: {  	_ =	shalt  }
0x60: {  	_ =	shalt  }
0x61: {  	_ =	shalt  }
0x62: {  	_ =	shalt  }
0x63: {  	_ =	shalt  }
0x64: {  	_ =	shalt  }
0x65: {  	_ =	shalt  }
0x66: {  	_ =	shalt  }
0x67: {  	_ =	shalt  }
0x68: {  	_ =	shalt  }
0x69: {  	_ =	shalt  }
0x6a: {  	_ =	shalt  }
0x6b: {  	_ =	shalt  }
0x6c: {  	_ =	shalt  }
0x6d: {  	_ =	shalt  }
0x6e: {  	_ =	shalt  }
0x6f: {  	_ =	shalt  }
0x70: {  	_ =	shalt  }
0x71: {  	_ =	shalt  }
0x72: {  	_ =	shalt  }
0x73: {  	_ =	shalt  }
0x74: {  	_ =	shalt  }
0x75: {  	_ =	shalt  }
0x76: {  	_ =	shalt  }
0x77: {  	_ =	shalt  }
0x78: {  	_ =	shalt  }
0x79: {  	_ =	shalt  }
0x7a: {  	_ =	shalt  }
0x7b: {  	_ =	shalt  }
0x7c: {  	_ =	shalt  }
0x7d: {  	_ =	shalt  }
0x7e: {  	_ =	shalt  }
0x7f: {  	_ =	shalt  }
0x80: {  	_ =	shalt  }
0x81: {  	_ =	shalt  }
0x82: {  	_ =	shalt  }
0x83: {  	_ =	shalt  }
0x84: {  	_ =	shalt  }
0x85: {  	_ =	shalt  }
0x86: {  	_ =	shalt  }
0x87: {  	_ =	shalt  }
.Lfunc_end0:
.L_simem_size_0:
called_computation_lowered:
.L_overlay_start_0:
0x88: {  	s2 =	sld [smem:$0x3FD9]  }
0x89: {  	s3 =	sld [smem:$0x3FFE];
	_ =	sdelay $0x1  }
0x8a: {  	s1 =	srdreg.scid  }
0x8b: {  	s0 =	sand.u32 $0x1, s1  }
0x8c: {  	s17 =	sshll.u32 s0, $0xA;
	s2 =	sadd.s32 s3, s2  }
0x8d: {  	s2 =	sadd.s32 s2, s17  }
0x8e: {  	[smem:$0x3FC6] =	sst s2  }
0x8f: {  	_ = 	snop  }
0x90: {  	s2 =	sld [smem:$0x3FC8];
	(tm) =	ssettm $0x1  }
0x91: {  	s18 =	sld [smem:$0x3FFB];
	_ =	sdelay $0x3  }
0x92: {  	_ =	strace s18  }
0x93: {  	s3 =	sld [smem:$0x3FFC];
	_ =	sdelay $0x3  }
0x94: {  	_ =	strace s3  }
0x95: {  	s3 =	sld [smem:$0x3FFD];
	_ =	sdelay $0x3  }
0x96: {  	_ =	strace s3  }
0x97: {  	_ =	strace $0x8FFFFFFF  }
0x98: {  	s19 =	sld [smem:$0x3FDB];
	_ =	sdelay $0x1  }
0x99: {  	s4 =	simm.s32 $_scs_section_size  }
0x9a: {  	s5 =	simm.s32 $_size__tile_overlayer_lowered;
	s6 =	simm.s32 $_tile_overlayer_lowered  }
0x9b: {  	s22 =	simm.s32 $0x1BFF;
	s21 =	sshll.u32 s6, $0x1;
	s3 =	sadd.s32 s4, s19  }
0x9c: {  	s7 =	simm.s32 $0x0;
	s20 =	sshll.u32 s5, $0x1;
	s5 =	sadd.s32 s21, s3  }
0x9d: {  	[timem:s7], [sflag:s22] =	dma.local [hbm:s5], s20  }
0x9e: {  	_ =	swait.ge [sflag:s22], s20  }
0x9f: {  	s4 =	ssub.s32 $0x0, s20;
	[sflag:s22] =	ssyncset.done $0x0  }
0xa0: {  	[sflag:s22] =	ssyncadd.s32 s4;
	_ =	sdelay $0x1  }
0xa1: {  	s23 =	simm.s32 $0x1B8B  }
0xa2: {  	_ =	swait.ge [sflag:s23], $0x1  }
0xa3: {  	[sflag:s23] =	ssyncset.done $0x0  }
0xa4: {  	s25 =	simm.s32 $0x1B8E;
	s24 =	sld [smem:$0x3FFE];
	[sflag:s23] =	ssyncadd.s32 $0xFFFFFFFF  }
0xa5: {  	s26 =	simm.s32 $execute0_lowered;
	[smem:$0x3FD2] =	sst s25  }
0xa6: {  	s5 =	sshll.u32 s26, $0x1;
	_ =	strace $0x80000046;
	[dreg:$0x1] =	wrdreg $0xFFFFFFFF  }
0xa7: {  	s28 =	simm.s32 $_size_execute0_lowered;
	s3 =	sadd.s32 s3, s5;
	[dreg:$0x0] =	wrdreg $0x0  }
0xa8: {  	s5 =	sshll.u32 s28, $0x1;
	[dreg:$0x2] =	wrdreg s3  }
0xa9: {  	[dreg:$0x3] =	wrdreg s5  }
0xaa: {  	[dreg:$0x4] =	wrdreg $0xC0  }
0xab: {  	_ =	task [dreg:s7], $0x5FFFF  }
0xac: {  	[dreg:$0x1] =	wrdreg $0xFFFFFFFF  }
0xad: {  	[dreg:$0x0] =	wrdreg $0x60  }
0xae: {  	[dreg:$0x2] =	wrdreg s2  }
0xaf: {  	[dreg:$0x3] =	wrdreg s24  }
0xb0: {  	[dreg:$0x4] =	wrdreg $0x9  }
0xb1: {  	_ =	task.clear_ibuf [dreg:s7], $0x5FFFF;
	_ =	strace $0x90000046  }
0xb2: {  	s29 =	simm.s32 $0x9;
	_ =	strace $0x80000048  }
0xb3: {  	_ =	swait.ge [sflag:s29], $0x1  }
0xb4: {  	[sflag:s29] =	ssyncadd.s32 $0xFFFFFFFF  }
0xb5: {  	_ =	strace $0x90000048  }
0xb6: {  	_ =	sfence  }
0xb7: {  	s30 =	sld [smem:$0x0];
	_ =	sdelay $0x2  }
0xb8: {  	s31 =	sshll.u32 s1, $0xD;
	s1 =	sshrl.u32 s1, $0x2  }
0xb9: {  	s3 =	sand.u32 $0x4000, s31;
	s1 =	sadd.s32 s1, s30  }
0xba: {  	s0 =	sor.u32 s3, s0;
	s1 =	sshll.u32 s1, $0x11  }
0xbb: {  	s0 =	sor.u32 s1, s0  }
0xbc: {  	s0 =	sadd.s32 $0x8F2B, s0  }
0xbd: {  	[sflag:s0] =	ssyncadd.remote.s32 $0x1  }
0xbe: {  	_ =	sfence.sel $0xFFFF  }
0xbf: {  	[dreg:$0x0] =	wrdreg $0xFFFFFFFF;
	(pc) =	sbr.abs _section_cstart, $3  }
0xc0: {  	[dreg:$0x1] =	wrdreg $0xFFFFFFFF  }
0xc1: {  	_ =	task.clear_ibuf [dreg:s7], $0x2FFFF;
	_ =	strace $0x9FFFFFFF  }
0xc2: {  	(tm) =	ssettm $0x7FFFFFFF  }
0xc3: {  	_ =	shalt  }
tec
execute0_lowered:
.L_overlay_start_1:
0x0: {  	(tag) =	ssettag $0x1  }
0x1: {  	s0 =	srdreg.scid;
	s2 =	rddreg [dreg:$0x0]  }
0x2: {  	s6 =	stileid.u32;
	s12 =	rddreg [dreg:$0x1]  }
0x3: {  	s3 =	simm.s32 $0x0;
	s15 =	simm.s32 $0x400;
	s16 =	simm.s32 $0x7A1400  }
0x4: {  	s17 =	simm.s32 $0x2000;
	s18 =	simm.s32 $0x1;
	s19 =	simm.s32 $0x4000  }
0x5: {  	s20 =	simm.s32 $0x2;
	s21 =	simm.s32 $0x8000;
	s22 =	simm.s32 $0x3  }
0x6: {  	s23 =	simm.s32 $0x4;
	s24 =	simm.s32 $0xC000;
	s25 =	simm.s32 $0x5  }
0x7: {  	s26 =	simm.s32 $0xE000;
	s0 =	sand.u32 $0x1, s0;
	s1 =	sshll.u32 s6, $0x1  }
0x8: {  	s28 =	simm.s32 $0x0;
	[smem:$0x7FF] =	sst s3;
	s1 =	sor.u32 s0, s1  }
0x9: {  	p0 =	seq.s32 s6, $0x0;
	s6 =	simm.s32 $0x7B;
	s4 =	smul.u32 $0xF4, s1  }
0xa: {  	s30 =	sadd.s32 $0xF4200, s2;
	s31 =	sadd.s32 $0xF42A00, s12;
	s5 =	smul.u32 $0xF6, s1  }
0xb: {  	_ =	strace $0x80000047;
	s0 =	ssub.s32 $0x2, s0;
	s4 =	sadd.s32 $0x4, s4  }
0xc: {  	s6 =	simm.s32 @!p0 $0x7A;
	[dreg:$0x4] =	wrdreg s30;
	s4 =	smov.u32 @p0 s5  }
.Ltmp0:
0xd: {  	s8 =	sshrl.u32 s0, $0x1;
	s7 =	sshll.u32 s4, $0x7;
	(pc) =	sbr.rel .LBB2_1-.Ltmp0, $4  }
0xe: {  	v0 =	vlaneseq.u32;
	[dreg:$0x5] =	wrdreg s31;
	s0 =	ssub.s32 s0, s8;
	s7 =	sand.u32 $0x1FFFFF00, s7  }
0xf: {  	v1 =	vmul.u32 $0x80, v0;
	s14 =	smax.u32 s0, $0x1;
	s5 =	sadd.s32 $0xA00, s12;
	s7 =	sadd.s32 s2, s7  }
0x10: {  	v2 =	vor.u32 $0x10, v0;
	v4 =	vor.u32 $0x20, v0;
	v6 =	vor.u32 $0x30, v0;
	p0 =	sne.s32 s1, $0x1F;
	s9 =	sadd.s32 $0x2, s4;
	s29 =	sadd.s32 $0x80, s7  }
0x11: {  	v3 =	vor.u32 $0x800, v1;
	v5 =	vor.u32 $0x1000, v1;
	v7 =	vor.u32 $0x1800, v1;
	s10 =	sor.u32 $0x1, s4;
	s11 =	sadd.s32 $0x3, s4;
	[dreg:$0x3] =	wrdreg s29  }
.LBB2_11:
0x12: {  	s28 =	sadd.s32 $0x1, s28  }
0x13: {  	p1 =	sne.s32 s28, s14  }
.Ltmp1:
0x14: {  	_ = 	snop;
	(pc) =	sbr.rel @!p1 .LBB2_12-.Ltmp1, $1  }
0x15: {  	_ =	sdelay $0x3  }
.LBB2_1:
0x16: {  	[tilespmem:s3], [sflag:$0x1] =	stream.strided.gather [hbm4b:s7+s15], $0x2000, s16, s15, $0x38;
	[tilespmem:$0x10000] =	vst v63  }
0x17: {  	s0 =	rddreg [dreg:$0x3];
	s29 =	simm.s32 $0x0  }
0x18: {  	[tilespmem:s17], [sflag:$0x2] =	stream.strided.gather [hbm4b:s0+s15], $0x2000, s16, s15, $0x38;
	[tilespmem:$0x10000] =	vst v63  }
.LBB2_2:
0x19: {  	s13 =	simm.s32 $0x0  }
0x1a: {  	s12 =	simm.s32 $0x3;
	s1 =	simm.s32 $0x2;
	v8 =	vadd.s32 s13, v0  }
0x1b: {  	s0 =	simm.s32 $0x1;
	v9 =	vadd.s32 s12, v0;
	v11 =	vadd.s32 s1, v0;
	v13 =	vadd.s32 s13, v2  }
0x1c: {  	v14 =	vadd.s32 s0, v0;
	v18 =	vadd.s32 s12, v2;
	v19 =	vadd.s32 s13, v4  }
0x1d: {  	_ =	swait.ge [sflag:s18], $0x2000;
	v20 =	vadd.s32 s1, v2;
	v22 =	vadd.s32 s0, v2;
	v8 =	vand.u32 $0x7F, v8  }
0x1e: {  	p1 =	seq.s32 s29, $0x0;
	[sflag:s18] =	ssyncset.done $0x0;
	v26 =	vadd.s32 s12, v4;
	v9 =	vand.u32 $0x7F, v9;
	v10 =	vor.u32 v1, v8  }
0x1f: {  	s30 =	simm.s32 @!p1 $0x3;
	v27 =	vadd.s32 s13, v6;
	v11 =	vand.u32 $0x7F, v11;
	[sflag:s18] =	ssyncadd.s32 $0xFFFFE000;
	v12 =	vor.u32 v1, v9  }
0x20: {  	v61 =	vadd.s32 s12, v6;
	v14 =	vand.u32 $0x7F, v14;
	v15 =	vor.u32 v1, v11;
	_ =	swait.ge @!p1 [sflag:s30], $0x4000  }
0x21: {  	v13 =	vand.u32 $0x7F, v13;
	v18 =	vand.u32 $0x7F, v18;
	v16 =	vor.u32 v1, v14;
	[sflag:s30] =	ssyncset.done @!p1 $0x0  }
0x22: {  	v20 =	vand.u32 $0x7F, v20;
	v22 =	vand.u32 $0x7F, v22;
	v8 =	vshll.u32 v8, $0x7;
	[sflag:s30] =	ssyncadd.s32 @!p1 $0xFFFFC000  }
0x23: {  	v19 =	vand.u32 $0x7F, v19;
	v9 =	vshll.u32 v9, $0x7;
	v8 =	vor.u32 v0, v8;
	v10 =	vld.idx.msk [tilespmem:v10+s3+$0x0], $0xffff  }
0x24: {  	v17 =	vor.u32 v3, v13;
	v11 =	vshll.u32 v11, $0x7;
	v9 =	vor.u32 v0, v9;
	v12 =	vld.idx.msk [tilespmem:v12+s3+$0x0], $0xffff  }
0x25: {  	v21 =	vor.u32 v3, v18;
	v14 =	vshll.u32 v14, $0x7;
	v11 =	vor.u32 v0, v11;
	v15 =	vld.idx.msk [tilespmem:v15+s3+$0x0], $0xffff  }
0x26: {  	v26 =	vand.u32 $0x7F, v26;
	v23 =	vor.u32 v3, v20;
	v14 =	vor.u32 v0, v14;
	v16 =	vld.idx.msk [tilespmem:v16+s3+$0x0], $0xffff  }
0x27: {  	v24 =	vor.u32 v3, v22;
	v13 =	vshll.u32 v13, $0x7;
	v25 =	vor.u32 v5, v19  }
0x28: {  	v19 =	vshll.u32 v19, $0x7;
	v13 =	vor.u32 v2, v13;
	[tilespmem:v8+s19+$0x0] =	vst.idx.msk $0xffff, v10;
	v8 =	vadd.s32 s1, v4  }
0x29: {  	v10 =	vshll.u32 v18, $0x7;
	v18 =	vor.u32 v5, v26;
	[tilespmem:v9+s19+$0x0] =	vst.idx.msk $0xffff, v12;
	v9 =	vshll.u32 v20, $0x7;
	v17 =	vld.idx.msk [tilespmem:v17+s3+$0x0], $0xffff  }
0x2a: {  	[tilespmem:v11+s19+$0x0] =	vst.idx.msk $0xffff, v15;
	v11 =	vshll.u32 v22, $0x7;
	v15 =	vadd.s32 s0, v4;
	v10 =	vor.u32 v2, v10;
	v12 =	vld.idx.msk [tilespmem:v21+s3+$0x0], $0xffff  }
0x2b: {  	[tilespmem:v14+s19+$0x0] =	vst.idx.msk $0xffff, v16;
	v14 =	vand.u32 $0x7F, v27;
	v8 =	vand.u32 $0x7F, v8;
	v9 =	vor.u32 v2, v9;
	v20 =	vld.idx.msk [tilespmem:v23+s3+$0x0], $0xffff  }
0x2c: {  	s31 =	simm.s32 $0x4;
	v21 =	vor.u32 v2, v11;
	v15 =	vand.u32 $0x7F, v15;
	v23 =	vld.idx.msk [tilespmem:v24+s3+$0x0], $0xffff;
	v22 =	vor.u32 v5, v8  }
0x2d: {  	v27 =	vand.u32 $0x7F, v61;
	v11 =	vadd.s32 s31, v0;
	v16 =	vor.u32 v5, v15  }
0x2e: {  	v60 =	vor.u32 v7, v14;
	v62 =	vor.u32 v7, v27;
	v14 =	vshll.u32 v14, $0x7;
	[tilespmem:v13+s19+$0x0] =	vst.idx.msk $0xffff, v17  }
0x2f: {  	v8 =	vshll.u32 v8, $0x7;
	v13 =	vor.u32 v4, v19;
	[tilespmem:v10+s19+$0x0] =	vst.idx.msk $0xffff, v12;
	v12 =	vshll.u32 v26, $0x7;
	v25 =	vld.idx.msk [tilespmem:v25+s3+$0x0], $0xffff  }
0x30: {  	v10 =	vadd.s32 s1, v6;
	[tilespmem:v9+s19+$0x0] =	vst.idx.msk $0xffff, v20;
	v9 =	vshll.u32 v15, $0x7;
	v28 =	vld.idx.msk [tilespmem:v18+s3+$0x0], $0xffff;
	v29 =	vor.u32 v4, v12  }
0x31: {  	v15 =	vor.u32 v4, v8;
	[tilespmem:v21+s19+$0x0] =	vst.idx.msk $0xffff, v23;
	v18 =	vand.u32 $0x7F, v10;
	v30 =	vld.idx.msk [tilespmem:v22+s3+$0x0], $0xffff;
	v10 =	vadd.s32 s0, v6  }
0x32: {  	s1 =	simm.s32 $0x7;
	v17 =	vor.u32 v4, v9;
	v16 =	vld.idx.msk [tilespmem:v16+s3+$0x0], $0xffff;
	v8 =	vand.u32 $0x7F, v10;
	v9 =	vor.u32 v7, v18  }
0x33: {  	v11 =	vand.u32 $0x7F, v11;
	v12 =	vadd.s32 s1, v0;
	v10 =	vor.u32 v7, v8  }
0x34: {  	s12 =	simm.s32 $0x6;
	v20 =	vor.u32 v1, v11;
	v19 =	vand.u32 $0x7F, v12;
	v12 =	vor.u32 v6, v14;
	[tilespmem:v13+s19+$0x0] =	vst.idx.msk $0xffff, v25  }
0x35: {  	v63 =	vshll.u32 v27, $0x7;
	v14 =	vadd.s32 s12, v0;
	v21 =	vor.u32 v1, v19;
	[tilespmem:v29+s19+$0x0] =	vst.idx.msk $0xffff, v28;
	v13 =	vld.idx.msk [tilespmem:v60+s3+$0x0], $0xffff  }
0x36: {  	s13 =	simm.s32 $0x8;
	s30 =	sshll.u32 s29, $0x1;
	v23 =	vadd.s32 s31, v2;
	s0 =	simm.s32 $0x5;
	v22 =	vand.u32 $0x7F, v14;
	[tilespmem:v15+s19+$0x0] =	vst.idx.msk $0xffff, v30;
	v15 =	vor.u32 v6, v63;
	v14 =	vld.idx.msk [tilespmem:v62+s3+$0x0], $0xffff  }
.LBB2_3:
0x37: {  	p2 =	slt.u32 s13, $0x7C;
	v24 =	vadd.s32 s0, v0;
	v25 =	vor.u32 v1, v22;
	[tilespmem:v17+s19+$0x0] =	vst.idx.msk $0xffff, v16;
	v9 =	vld.idx.msk [tilespmem:v9+s3+$0x0], $0xffff;
	v16 =	vshll.u32 v18, $0x7  }
0x38: {  	v8 =	vshll.u32 v8, $0x7;
	v17 =	vand.u32 $0x7F, v24;
	v10 =	vld.idx.msk [tilespmem:v10+s3+$0x0], $0xffff;
	v16 =	vor.u32 v6, v16  }
0x39: {  	v18 =	vand.u32 $0x7F, v23;
	v8 =	vor.u32 v6, v8;
	v23 =	vor.u32 v1, v17  }
0x3a: {  	v11 =	vshll.u32 v11, $0x7;
	v26 =	vadd.s32 s1, v2;
	v24 =	vor.u32 v3, v18  }
0x3b: {  	v27 =	vadd.s32 s31, v4;
	v11 =	vor.u32 v0, v11;
	v26 =	vand.u32 $0x7F, v26;
	v20 =	vld.idx.msk [tilespmem:v20+s3+$0x0], $0xffff;
	[tilespmem:v12+s19+$0x0] =	vst.idx.msk $0xffff, v13  }
0x3c: {  	v19 =	vshll.u32 v19, $0x7;
	v12 =	vadd.s32 s12, v2;
	v13 =	vld.idx.msk [tilespmem:v21+s3+$0x0], $0xffff;
	v21 =	vor.u32 v3, v26;
	[tilespmem:v15+s19+$0x0] =	vst.idx.msk $0xffff, v14  }
0x3d: {  	v19 =	vor.u32 v0, v19;
	v15 =	vshll.u32 v22, $0x7;
	v12 =	vand.u32 $0x7F, v12;
	v14 =	vld.idx.msk [tilespmem:v25+s3+$0x0], $0xffff;
	[tilespmem:v16+s19+$0x0] =	vst.idx.msk $0xffff, v9  }
0x3e: {  	v16 =	vshll.u32 v17, $0x7;
	v17 =	vadd.s32 s0, v2;
	v15 =	vor.u32 v0, v15;
	v9 =	vld.idx.msk [tilespmem:v23+s3+$0x0], $0xffff;
	[tilespmem:v8+s19+$0x0] =	vst.idx.msk $0xffff, v10  }
0x3f: {  	v8 =	vor.u32 v0, v16;
	v10 =	vand.u32 $0x7F, v17;
	v16 =	vor.u32 v3, v12  }
0x40: {  	v17 =	vand.u32 $0x7F, v27;
	v22 =	vor.u32 v3, v10  }
0x41: {  	[tilespmem:v11+s19+$0x0] =	vst.idx.msk $0xffff, v20;
	v11 =	vshll.u32 v18, $0x7;
	v18 =	vor.u32 v5, v17;
	v20 =	vadd.s32 s1, v4  }
0x42: {  	v23 =	vld.idx.msk [tilespmem:v24+s3+$0x0], $0xffff;
	v11 =	vor.u32 v2, v11;
	v24 =	vadd.s32 s31, v6;
	[tilespmem:v19+s19+$0x0] =	vst.idx.msk $0xffff, v13;
	v13 =	vand.u32 $0x7F, v20;
	s31 =	smov.u32 s13  }
0x43: {  	v19 =	vshll.u32 v26, $0x7;
	[tilespmem:v15+s19+$0x0] =	vst.idx.msk $0xffff, v14;
	v14 =	vadd.s32 s12, v4;
	v15 =	vld.idx.msk [tilespmem:v21+s3+$0x0], $0xffff;
	v20 =	vor.u32 v5, v13  }
0x44: {  	[tilespmem:v8+s19+$0x0] =	vst.idx.msk $0xffff, v9;
	v8 =	vld.idx.msk [tilespmem:v16+s3+$0x0], $0xffff;
	v9 =	vshll.u32 v12, $0x7;
	v12 =	vand.u32 $0x7F, v14;
	v14 =	vor.u32 v2, v19  }
0x45: {  	v10 =	vshll.u32 v10, $0x7;
	v19 =	vadd.s32 s0, v4;
	v16 =	vld.idx.msk [tilespmem:v22+s3+$0x0], $0xffff;
	v9 =	vor.u32 v2, v9  }
0x46: {  	v10 =	vor.u32 v2, v10;
	v19 =	vand.u32 $0x7F, v19;
	v21 =	vor.u32 v5, v12  }
0x47: {  	v24 =	vand.u32 $0x7F, v24;
	v22 =	vadd.s32 s13, v0;
	v25 =	vor.u32 v5, v19  }
0x48: {  	v17 =	vshll.u32 v17, $0x7;
	v26 =	vadd.s32 s1, v6;
	[tilespmem:v11+s19+$0x0] =	vst.idx.msk $0xffff, v23;
	v23 =	vor.u32 v7, v24  }
0x49: {  	v27 =	vor.u32 v4, v17;
	v11 =	vand.u32 $0x7F, v22;
	v22 =	vld.idx.msk [tilespmem:v18+s3+$0x0], $0xffff;
	[tilespmem:v14+s19+$0x0] =	vst.idx.msk $0xffff, v15;
	v14 =	vand.u32 $0x7F, v26  }
0x4a: {  	[tilespmem:v9+s19+$0x0] =	vst.idx.msk $0xffff, v8;
	v8 =	vadd.s32 s12, v6;
	v15 =	vld.idx.msk [tilespmem:v20+s3+$0x0], $0xffff;
	v9 =	vshll.u32 v13, $0x7;
	v26 =	vor.u32 v7, v14  }
0x4b: {  	[tilespmem:v10+s19+$0x0] =	vst.idx.msk $0xffff, v16;
	v28 =	vld.idx.msk [tilespmem:v21+s3+$0x0], $0xffff;
	v10 =	vshll.u32 v12, $0x7;
	v18 =	vand.u32 $0x7F, v8;
	v29 =	vor.u32 v4, v9  }
0x4c: {  	v8 =	vshll.u32 v19, $0x7;
	v9 =	vadd.s32 s0, v6;
	v16 =	vld.idx.msk [tilespmem:v25+s3+$0x0], $0xffff;
	v25 =	vor.u32 v4, v10  }
.Ltmp2:
0x4d: {  	s1 =	sadd.s32 $0x3, s13;
	v17 =	vor.u32 v4, v8;
	v8 =	vand.u32 $0x7F, v9;
	v9 =	vor.u32 v7, v18;
	(pc) =	sbr.rel @p2 .LBB2_3-.Ltmp2, $4  }
0x4e: {  	v13 =	vshll.u32 v24, $0x7;
	v12 =	vadd.s32 s1, v0;
	v10 =	vor.u32 v7, v8  }
0x4f: {  	v20 =	vor.u32 v1, v11;
	s12 =	sadd.s32 $0x2, s13;
	v19 =	vand.u32 $0x7F, v12;
	v12 =	vor.u32 v6, v13;
	[tilespmem:v27+s19+$0x0] =	vst.idx.msk $0xffff, v22  }
0x50: {  	v21 =	vor.u32 v1, v19;
	v22 =	vadd.s32 s12, v0;
	v13 =	vld.idx.msk [tilespmem:v23+s3+$0x0], $0xffff;
	[tilespmem:v29+s19+$0x0] =	vst.idx.msk $0xffff, v15;
	v15 =	vshll.u32 v14, $0x7  }
0x51: {  	s13 =	sadd.s32 $0x4, s13;
	s0 =	sadd.s32 $0x1, s31;
	v23 =	vadd.s32 s31, v2;
	v22 =	vand.u32 $0x7F, v22;
	[tilespmem:v25+s19+$0x0] =	vst.idx.msk $0xffff, v28;
	v14 =	vld.idx.msk [tilespmem:v26+s3+$0x0], $0xffff;
	v15 =	vor.u32 v6, v15  }
0x52: {  	v24 =	vadd.s32 s0, v0;
	v25 =	vor.u32 v1, v22  }
0x53: {  	v18 =	vshll.u32 v18, $0x7;
	v23 =	vand.u32 $0x7F, v23;
	v11 =	vshll.u32 v11, $0x7  }
0x54: {  	v28 =	vadd.s32 s1, v2;
	v29 =	vadd.s32 s31, v4;
	v30 =	vadd.s32 s12, v2  }
0x55: {  	v19 =	vshll.u32 v19, $0x7;
	v22 =	vshll.u32 v22, $0x7;
	v24 =	vand.u32 $0x7F, v24  }
0x56: {  	v32 =	vadd.s32 s0, v2;
	v49 =	vadd.s32 s0, v4;
	v26 =	vor.u32 v1, v24  }
0x57: {  	v20 =	vld.idx.msk [tilespmem:v20+s3+$0x0], $0xffff;
	v27 =	vor.u32 v3, v23;
	v11 =	vor.u32 v0, v11;
	v28 =	vand.u32 $0x7F, v28  }
0x58: {  	v21 =	vld.idx.msk [tilespmem:v21+s3+$0x0], $0xffff;
	v30 =	vand.u32 $0x7F, v30;
	v19 =	vor.u32 v0, v19;
	v22 =	vor.u32 v0, v22  }
0x59: {  	[tilespmem:v17+s19+$0x0] =	vst.idx.msk $0xffff, v16;
	v32 =	vand.u32 $0x7F, v32;
	v16 =	vand.u32 $0x7F, v29;
	v23 =	vshll.u32 v23, $0x7;
	v25 =	vld.idx.msk [tilespmem:v25+s3+$0x0], $0xffff  }
0x5a: {  	v31 =	vor.u32 v3, v28;
	v24 =	vshll.u32 v24, $0x7;
	v33 =	vor.u32 v3, v30;
	[tilespmem:v12+s19+$0x0] =	vst.idx.msk $0xffff, v13  }
0x5b: {  	v17 =	vor.u32 v3, v32;
	v24 =	vor.u32 v0, v24;
	[tilespmem:v15+s19+$0x0] =	vst.idx.msk $0xffff, v14;
	v26 =	vld.idx.msk [tilespmem:v26+s3+$0x0], $0xffff  }
0x5c: {  	v23 =	vor.u32 v2, v23;
	v45 =	vshll.u32 v30, $0x7;
	v13 =	vand.u32 $0x7F, v49;
	[tilespmem:v11+s19+$0x0] =	vst.idx.msk $0xffff, v20  }
0x5d: {  	v43 =	vshll.u32 v28, $0x7;
	v28 =	vor.u32 v2, v45;
	v14 =	vor.u32 v5, v13;
	[tilespmem:v19+s19+$0x0] =	vst.idx.msk $0xffff, v21  }
0x5e: {  	v47 =	vshll.u32 v32, $0x7;
	v11 =	vor.u32 v5, v16;
	v20 =	vadd.s32 s1, v4;
	[tilespmem:v22+s19+$0x0] =	vst.idx.msk $0xffff, v25;
	v22 =	vld.idx.msk [tilespmem:v27+s3+$0x0], $0xffff  }
0x5f: {  	v21 =	vadd.s32 s12, v4;
	v20 =	vand.u32 $0x7F, v20;
	v46 =	vld.idx.msk [tilespmem:v31+s3+$0x0], $0xffff;
	v25 =	vor.u32 v2, v43  }
0x60: {  	v15 =	vshll.u32 v16, $0x7;
	v21 =	vand.u32 $0x7F, v21;
	v44 =	vor.u32 v5, v20;
	v48 =	vld.idx.msk [tilespmem:v33+s3+$0x0], $0xffff;
	[tilespmem:v24+s19+$0x0] =	vst.idx.msk $0xffff, v26  }
0x61: {  	v13 =	vshll.u32 v13, $0x7;
	v26 =	vor.u32 v2, v47;
	v12 =	vld.idx.msk [tilespmem:v17+s3+$0x0], $0xffff;
	v17 =	vor.u32 v5, v21  }
0x62: {  	v15 =	vor.u32 v4, v15;
	v19 =	vadd.s32 s31, v6;
	v16 =	vadd.s32 s1, v6  }
0x63: {  	v19 =	vand.u32 $0x7F, v19;
	v16 =	vand.u32 $0x7F, v16;
	v20 =	vshll.u32 v20, $0x7;
	[tilespmem:v23+s19+$0x0] =	vst.idx.msk $0xffff, v22  }
0x64: {  	v50 =	vor.u32 v7, v16;
	v20 =	vor.u32 v4, v20;
	[tilespmem:v25+s19+$0x0] =	vst.idx.msk $0xffff, v46;
	v11 =	vld.idx.msk [tilespmem:v11+s3+$0x0], $0xffff  }
0x65: {  	v21 =	vshll.u32 v21, $0x7;
	v22 =	vor.u32 v7, v19;
	v23 =	vadd.s32 s12, v6;
	[tilespmem:v28+s19+$0x0] =	vst.idx.msk $0xffff, v48;
	v25 =	vld.idx.msk [tilespmem:v44+s3+$0x0], $0xffff  }
0x66: {  	v21 =	vor.u32 v4, v21;
	v23 =	vand.u32 $0x7F, v23;
	[tilespmem:v26+s19+$0x0] =	vst.idx.msk $0xffff, v12;
	v12 =	vld.idx.msk [tilespmem:v17+s3+$0x0], $0xffff;
	v17 =	vadd.s32 s0, v6  }
0x67: {  	v13 =	vor.u32 v4, v13;
	v51 =	vor.u32 v7, v23;
	v14 =	vld.idx.msk [tilespmem:v14+s3+$0x0], $0xffff;
	v17 =	vand.u32 $0x7F, v17  }
0x68: {  	v9 =	vld.idx.msk [tilespmem:v9+s3+$0x0], $0xffff;
	v8 =	vshll.u32 v8, $0x7;
	v18 =	vor.u32 v6, v18;
	v52 =	vor.u32 v7, v17  }
0x69: {  	v10 =	vld.idx.msk [tilespmem:v10+s3+$0x0], $0xffff;
	v8 =	vor.u32 v6, v8;
	v19 =	vshll.u32 v19, $0x7;
	[tilespmem:v15+s19+$0x0] =	vst.idx.msk $0xffff, v11  }
0x6a: {  	v16 =	vshll.u32 v16, $0x7;
	v11 =	vor.u32 v6, v19;
	[tilespmem:v20+s19+$0x0] =	vst.idx.msk $0xffff, v25;
	v15 =	vld.idx.msk [tilespmem:v22+s3+$0x0], $0xffff  }
0x6b: {  	v16 =	vor.u32 v6, v16;
	v19 =	vshll.u32 v23, $0x7;
	[tilespmem:v21+s19+$0x0] =	vst.idx.msk $0xffff, v12;
	v12 =	vld.idx.msk [tilespmem:v50+s3+$0x0], $0xffff  }
0x6c: {  	[tilespmem:v13+s19+$0x0] =	vst.idx.msk $0xffff, v14;
	v13 =	vld.idx.msk [tilespmem:v51+s3+$0x0], $0xffff;
	v14 =	vshll.u32 v17, $0x7;
	v17 =	vor.u32 v6, v19  }
0x6d: {  	[tilespmem:v18+s19+$0x0] =	vst.idx.msk $0xffff, v9;
	v9 =	vld.idx.msk [tilespmem:v52+s3+$0x0], $0xffff;
	v14 =	vor.u32 v6, v14  }
0x6e: {  	[tilespmem:v8+s19+$0x0] =	vst.idx.msk $0xffff, v10  }
0x6f: {  	s13 =	sadd.s32 s4, s30;
	[tilespmem:v11+s19+$0x0] =	vst.idx.msk $0xffff, v15  }
0x70: {  	s0 =	sshll.u32 s13, $0xB;
	[tilespmem:v16+s19+$0x0] =	vst.idx.msk $0xffff, v12  }
0x71: {  	s29 =	sadd.s32 $0x1, s29;
	s0 =	sand.u32 $0x1FFFF000, s0;
	[tilespmem:v17+s19+$0x0] =	vst.idx.msk $0xffff, v13  }
0x72: {  	s8 =	simm.s32 $0x0;
	p2 =	sge.u32 s29, s6;
	s0 =	sadd.s32 s5, s0;
	[tilespmem:v14+s19+$0x0] =	vst.idx.msk $0xffff, v9  }
0x73: {  	[hbm4b:s0+s3] =	stream.linear.scatter [tilespmem:s19], [sflag:$0x3], $0x4000, $0x38;
	[tilespmem:$0x10000] =	vst v63  }
0x74: {  	v8 =	vadd.s32 s8, v0;
	s0 =	sadd.s32 @!p2 s30, s9  }
0x75: {  	s1 =	simm.s32 @!p2 $0x400;
	s31 =	simm.s32 @!p2 $0x0;
	v8 =	vand.u32 $0x7F, v8;
	s0 =	sshll.u32 @!p2 s0, $0x7  }
0x76: {  	v10 =	vor.u32 v1, v8;
	v8 =	vshll.u32 v8, $0x7;
	s12 =	simm.s32 $0x3;
	s13 =	simm.s32 @!p2 $0x7A1400;
	s0 =	sadd.s32 @!p2 s2, s0  }
0x77: {  	v56 =	vadd.s32 s8, v6;
	v8 =	vor.u32 v0, v8;
	v18 =	vadd.s32 s12, v2;
	[tilespmem:s31], [sflag:$0x1] =	stream.strided.gather @!p2 [hbm4b:s0+s1], $0x2000, s13, s1, $0x38;
	[tilespmem:$0x10000] =	vst v63  }
0x78: {  	v55 =	vadd.s32 s12, v4;
	v58 =	vadd.s32 s12, v6;
	v9 =	vadd.s32 s12, v0;
	s1 =	simm.s32 $0x2;
	_ =	swait.ge [sflag:s20], $0x2000  }
0x79: {  	v18 =	vand.u32 $0x7F, v18;
	v9 =	vand.u32 $0x7F, v9;
	s0 =	simm.s32 $0x1;
	v11 =	vadd.s32 s1, v0;
	[sflag:s20] =	ssyncset.done $0x0  }
0x7a: {  	v12 =	vor.u32 v1, v9;
	s13 =	simm.s32 @!p1 $0x4;
	v14 =	vadd.s32 s0, v0;
	v11 =	vand.u32 $0x7F, v11;
	[sflag:s20] =	ssyncadd.s32 $0xFFFFE000  }
0x7b: {  	v27 =	vand.u32 $0x7F, v58;
	v14 =	vand.u32 $0x7F, v14;
	v15 =	vor.u32 v1, v11;
	_ =	swait.ge @!p1 [sflag:s13], $0x4000  }
0x7c: {  	v59 =	vor.u32 v7, v27;
	v13 =	vadd.s32 s8, v2;
	v16 =	vor.u32 v1, v14;
	[sflag:s13] =	ssyncset.done @!p1 $0x0  }
0x7d: {  	v21 =	vor.u32 v3, v18;
	v13 =	vand.u32 $0x7F, v13;
	v9 =	vshll.u32 v9, $0x7;
	[sflag:s13] =	ssyncadd.s32 @!p1 $0xFFFFC000  }
0x7e: {  	v19 =	vadd.s32 s8, v4;
	v17 =	vor.u32 v3, v13;
	v9 =	vor.u32 v0, v9;
	v10 =	vld.idx.msk [tilespmem:v10+s17+$0x0], $0xffff  }
0x7f: {  	v20 =	vadd.s32 s1, v2;
	v22 =	vadd.s32 s0, v2;
	v11 =	vshll.u32 v11, $0x7;
	v12 =	vld.idx.msk [tilespmem:v12+s17+$0x0], $0xffff  }
0x80: {  	v20 =	vand.u32 $0x7F, v20;
	v14 =	vshll.u32 v14, $0x7;
	v11 =	vor.u32 v0, v11;
	v15 =	vld.idx.msk [tilespmem:v15+s17+$0x0], $0xffff  }
0x81: {  	v22 =	vand.u32 $0x7F, v22;
	v23 =	vor.u32 v3, v20;
	v14 =	vor.u32 v0, v14;
	v16 =	vld.idx.msk [tilespmem:v16+s17+$0x0], $0xffff  }
0x82: {  	v19 =	vand.u32 $0x7F, v19;
	v13 =	vshll.u32 v13, $0x7;
	v53 =	vor.u32 v3, v22  }
0x83: {  	v26 =	vand.u32 $0x7F, v55;
	v54 =	vor.u32 v5, v19;
	v13 =	vor.u32 v2, v13;
	[tilespmem:v8+s21+$0x0] =	vst.idx.msk $0xffff, v10  }
0x84: {  	v8 =	vadd.s32 s1, v4;
	v10 =	vshll.u32 v18, $0x7;
	v18 =	vor.u32 v5, v26;
	[tilespmem:v9+s21+$0x0] =	vst.idx.msk $0xffff, v12;
	v17 =	vld.idx.msk [tilespmem:v17+s17+$0x0], $0xffff  }
0x85: {  	v9 =	vshll.u32 v20, $0x7;
	v8 =	vand.u32 $0x7F, v8;
	v10 =	vor.u32 v2, v10;
	[tilespmem:v11+s21+$0x0] =	vst.idx.msk $0xffff, v15;
	v12 =	vld.idx.msk [tilespmem:v21+s17+$0x0], $0xffff  }
0x86: {  	v11 =	vshll.u32 v22, $0x7;
	v15 =	vadd.s32 s0, v4;
	v9 =	vor.u32 v2, v9;
	[tilespmem:v14+s21+$0x0] =	vst.idx.msk $0xffff, v16;
	v20 =	vld.idx.msk [tilespmem:v23+s17+$0x0], $0xffff  }
0x87: {  	v21 =	vor.u32 v2, v11;
	v15 =	vand.u32 $0x7F, v15;
	v22 =	vor.u32 v5, v8;
	v23 =	vld.idx.msk [tilespmem:v53+s17+$0x0], $0xffff  }
0x88: {  	v19 =	vshll.u32 v19, $0x7;
	s31 =	simm.s32 $0x4;
	v14 =	vand.u32 $0x7F, v56;
	v16 =	vor.u32 v5, v15  }
0x89: {  	v11 =	vadd.s32 s31, v0;
	v57 =	vor.u32 v7, v14;
	v8 =	vshll.u32 v8, $0x7;
	[tilespmem:v13+s21+$0x0] =	vst.idx.msk $0xffff, v17  }
0x8a: {  	v13 =	vor.u32 v4, v19;
	[tilespmem:v10+s21+$0x0] =	vst.idx.msk $0xffff, v12;
	v10 =	vadd.s32 s1, v6;
	v12 =	vshll.u32 v26, $0x7;
	v25 =	vld.idx.msk [tilespmem:v54+s17+$0x0], $0xffff  }
0x8b: {  	v14 =	vshll.u32 v14, $0x7;
	[tilespmem:v9+s21+$0x0] =	vst.idx.msk $0xffff, v20;
	v60 =	vld.idx.msk [tilespmem:v18+s17+$0x0], $0xffff;
	v18 =	vand.u32 $0x7F, v10;
	v61 =	vor.u32 v4, v12  }
0x8c: {  	v9 =	vshll.u32 v15, $0x7;
	v10 =	vadd.s32 s0, v6;
	v15 =	vor.u32 v4, v8;
	[tilespmem:v21+s21+$0x0] =	vst.idx.msk $0xffff, v23;
	v62 =	vld.idx.msk [tilespmem:v22+s17+$0x0], $0xffff  }
0x8d: {  	s1 =	simm.s32 $0x7;
	v17 =	vor.u32 v4, v9;
	v8 =	vand.u32 $0x7F, v10;
	v9 =	vor.u32 v7, v18;
	v16 =	vld.idx.msk [tilespmem:v16+s17+$0x0], $0xffff  }
0x8e: {  	v11 =	vand.u32 $0x7F, v11;
	v12 =	vadd.s32 s1, v0;
	v10 =	vor.u32 v7, v8  }
0x8f: {  	s12 =	simm.s32 $0x6;
	v20 =	vor.u32 v1, v11;
	v19 =	vand.u32 $0x7F, v12;
	v12 =	vor.u32 v6, v14;
	[tilespmem:v13+s21+$0x0] =	vst.idx.msk $0xffff, v25  }
0x90: {  	v63 =	vshll.u32 v27, $0x7;
	v14 =	vadd.s32 s12, v0;
	v21 =	vor.u32 v1, v19;
	[tilespmem:v61+s21+$0x0] =	vst.idx.msk $0xffff, v60;
	v13 =	vld.idx.msk [tilespmem:v57+s17+$0x0], $0xffff  }
0x91: {  	s13 =	simm.s32 $0x8;
	v23 =	vadd.s32 s31, v2;
	s0 =	simm.s32 $0x5;
	v22 =	vand.u32 $0x7F, v14;
	[tilespmem:v15+s21+$0x0] =	vst.idx.msk $0xffff, v62;
	v14 =	vld.idx.msk [tilespmem:v59+s17+$0x0], $0xffff;
	v15 =	vor.u32 v6, v63  }
.LBB2_5:
0x92: {  	p1 =	slt.u32 s13, $0x7C;
	v24 =	vadd.s32 s0, v0;
	v25 =	vor.u32 v1, v22;
	[tilespmem:v17+s21+$0x0] =	vst.idx.msk $0xffff, v16;
	v9 =	vld.idx.msk [tilespmem:v9+s17+$0x0], $0xffff;
	v16 =	vshll.u32 v18, $0x7  }
0x93: {  	v8 =	vshll.u32 v8, $0x7;
	v17 =	vand.u32 $0x7F, v24;
	v10 =	vld.idx.msk [tilespmem:v10+s17+$0x0], $0xffff;
	v16 =	vor.u32 v6, v16  }
0x94: {  	v18 =	vand.u32 $0x7F, v23;
	v8 =	vor.u32 v6, v8;
	v23 =	vor.u32 v1, v17  }
0x95: {  	v11 =	vshll.u32 v11, $0x7;
	v26 =	vadd.s32 s1, v2;
	v24 =	vor.u32 v3, v18  }
0x96: {  	v27 =	vadd.s32 s31, v4;
	v11 =	vor.u32 v0, v11;
	v26 =	vand.u32 $0x7F, v26;
	v20 =	vld.idx.msk [tilespmem:v20+s17+$0x0], $0xffff;
	[tilespmem:v12+s21+$0x0] =	vst.idx.msk $0xffff, v13  }
0x97: {  	v19 =	vshll.u32 v19, $0x7;
	v12 =	vadd.s32 s12, v2;
	v13 =	vld.idx.msk [tilespmem:v21+s17+$0x0], $0xffff;
	v21 =	vor.u32 v3, v26;
	[tilespmem:v15+s21+$0x0] =	vst.idx.msk $0xffff, v14  }
0x98: {  	v19 =	vor.u32 v0, v19;
	v15 =	vshll.u32 v22, $0x7;
	v12 =	vand.u32 $0x7F, v12;
	v14 =	vld.idx.msk [tilespmem:v25+s17+$0x0], $0xffff;
	[tilespmem:v16+s21+$0x0] =	vst.idx.msk $0xffff, v9  }
0x99: {  	v16 =	vshll.u32 v17, $0x7;
	v17 =	vadd.s32 s0, v2;
	v15 =	vor.u32 v0, v15;
	v9 =	vld.idx.msk [tilespmem:v23+s17+$0x0], $0xffff;
	[tilespmem:v8+s21+$0x0] =	vst.idx.msk $0xffff, v10  }
0x9a: {  	v8 =	vor.u32 v0, v16;
	v10 =	vand.u32 $0x7F, v17;
	v16 =	vor.u32 v3, v12  }
0x9b: {  	v17 =	vand.u32 $0x7F, v27;
	v22 =	vor.u32 v3, v10  }
0x9c: {  	[tilespmem:v11+s21+$0x0] =	vst.idx.msk $0xffff, v20;
	v11 =	vshll.u32 v18, $0x7;
	v18 =	vor.u32 v5, v17;
	v20 =	vadd.s32 s1, v4  }
0x9d: {  	v23 =	vld.idx.msk [tilespmem:v24+s17+$0x0], $0xffff;
	v11 =	vor.u32 v2, v11;
	v24 =	vadd.s32 s31, v6;
	[tilespmem:v19+s21+$0x0] =	vst.idx.msk $0xffff, v13;
	v13 =	vand.u32 $0x7F, v20;
	s31 =	smov.u32 s13  }
0x9e: {  	v19 =	vshll.u32 v26, $0x7;
	[tilespmem:v15+s21+$0x0] =	vst.idx.msk $0xffff, v14;
	v14 =	vadd.s32 s12, v4;
	v15 =	vld.idx.msk [tilespmem:v21+s17+$0x0], $0xffff;
	v20 =	vor.u32 v5, v13  }
0x9f: {  	[tilespmem:v8+s21+$0x0] =	vst.idx.msk $0xffff, v9;
	v8 =	vld.idx.msk [tilespmem:v16+s17+$0x0], $0xffff;
	v9 =	vshll.u32 v12, $0x7;
	v12 =	vand.u32 $0x7F, v14;
	v14 =	vor.u32 v2, v19  }
0xa0: {  	v10 =	vshll.u32 v10, $0x7;
	v19 =	vadd.s32 s0, v4;
	v16 =	vld.idx.msk [tilespmem:v22+s17+$0x0], $0xffff;
	v9 =	vor.u32 v2, v9  }
0xa1: {  	v10 =	vor.u32 v2, v10;
	v19 =	vand.u32 $0x7F, v19;
	v21 =	vor.u32 v5, v12  }
0xa2: {  	v24 =	vand.u32 $0x7F, v24;
	v22 =	vadd.s32 s13, v0;
	v25 =	vor.u32 v5, v19  }
0xa3: {  	v17 =	vshll.u32 v17, $0x7;
	v26 =	vadd.s32 s1, v6;
	[tilespmem:v11+s21+$0x0] =	vst.idx.msk $0xffff, v23;
	v23 =	vor.u32 v7, v24  }
0xa4: {  	v27 =	vor.u32 v4, v17;
	v11 =	vand.u32 $0x7F, v22;
	v22 =	vld.idx.msk [tilespmem:v18+s17+$0x0], $0xffff;
	[tilespmem:v14+s21+$0x0] =	vst.idx.msk $0xffff, v15;
	v14 =	vand.u32 $0x7F, v26  }
0xa5: {  	[tilespmem:v9+s21+$0x0] =	vst.idx.msk $0xffff, v8;
	v8 =	vadd.s32 s12, v6;
	v15 =	vld.idx.msk [tilespmem:v20+s17+$0x0], $0xffff;
	v9 =	vshll.u32 v13, $0x7;
	v26 =	vor.u32 v7, v14  }
0xa6: {  	[tilespmem:v10+s21+$0x0] =	vst.idx.msk $0xffff, v16;
	v28 =	vld.idx.msk [tilespmem:v21+s17+$0x0], $0xffff;
	v10 =	vshll.u32 v12, $0x7;
	v18 =	vand.u32 $0x7F, v8;
	v29 =	vor.u32 v4, v9  }
0xa7: {  	v8 =	vshll.u32 v19, $0x7;
	v9 =	vadd.s32 s0, v6;
	v16 =	vld.idx.msk [tilespmem:v25+s17+$0x0], $0xffff;
	v25 =	vor.u32 v4, v10  }
.Ltmp3:
0xa8: {  	s1 =	sadd.s32 $0x3, s13;
	v17 =	vor.u32 v4, v8;
	v8 =	vand.u32 $0x7F, v9;
	v9 =	vor.u32 v7, v18;
	(pc) =	sbr.rel @p1 .LBB2_5-.Ltmp3, $4  }
0xa9: {  	v13 =	vshll.u32 v24, $0x7;
	v12 =	vadd.s32 s1, v0;
	v10 =	vor.u32 v7, v8  }
0xaa: {  	v20 =	vor.u32 v1, v11;
	s12 =	sadd.s32 $0x2, s13;
	v19 =	vand.u32 $0x7F, v12;
	v12 =	vor.u32 v6, v13;
	[tilespmem:v27+s21+$0x0] =	vst.idx.msk $0xffff, v22  }
0xab: {  	v21 =	vor.u32 v1, v19;
	v22 =	vadd.s32 s12, v0;
	v13 =	vld.idx.msk [tilespmem:v23+s17+$0x0], $0xffff;
	[tilespmem:v29+s21+$0x0] =	vst.idx.msk $0xffff, v15;
	v15 =	vshll.u32 v14, $0x7  }
0xac: {  	s13 =	sadd.s32 $0x4, s13;
	s0 =	sadd.s32 $0x1, s31;
	v23 =	vadd.s32 s31, v2;
	v22 =	vand.u32 $0x7F, v22;
	[tilespmem:v25+s21+$0x0] =	vst.idx.msk $0xffff, v28;
	v14 =	vld.idx.msk [tilespmem:v26+s17+$0x0], $0xffff;
	v15 =	vor.u32 v6, v15  }
0xad: {  	v24 =	vadd.s32 s0, v0  }
0xae: {  	v25 =	vor.u32 v1, v22;
	v18 =	vshll.u32 v18, $0x7;
	v23 =	vand.u32 $0x7F, v23  }
0xaf: {  	v11 =	vshll.u32 v11, $0x7;
	v28 =	vadd.s32 s1, v2;
	v29 =	vadd.s32 s31, v4  }
0xb0: {  	v30 =	vadd.s32 s12, v2;
	v19 =	vshll.u32 v19, $0x7;
	v24 =	vand.u32 $0x7F, v24  }
0xb1: {  	v60 =	vshll.u32 v22, $0x7;
	v32 =	vadd.s32 s0, v2;
	v26 =	vor.u32 v1, v24  }
0xb2: {  	v34 =	vadd.s32 s31, v6;
	v35 =	vadd.s32 s12, v4;
	v43 =	vadd.s32 s0, v4  }
0xb3: {  	v20 =	vld.idx.msk [tilespmem:v20+s17+$0x0], $0xffff;
	v49 =	vadd.s32 s1, v6;
	v27 =	vor.u32 v3, v23;
	v11 =	vor.u32 v0, v11  }
0xb4: {  	v21 =	vld.idx.msk [tilespmem:v21+s17+$0x0], $0xffff;
	v28 =	vand.u32 $0x7F, v28;
	v30 =	vand.u32 $0x7F, v30;
	v19 =	vor.u32 v0, v19  }
0xb5: {  	v22 =	vor.u32 v0, v60;
	v31 =	vor.u32 v3, v28;
	v24 =	vshll.u32 v24, $0x7;
	v25 =	vld.idx.msk [tilespmem:v25+s17+$0x0], $0xffff  }
0xb6: {  	v32 =	vand.u32 $0x7F, v32;
	v33 =	vor.u32 v3, v30;
	v24 =	vor.u32 v0, v24;
	v26 =	vld.idx.msk [tilespmem:v26+s17+$0x0], $0xffff  }
0xb7: {  	[tilespmem:v17+s21+$0x0] =	vst.idx.msk $0xffff, v16;
	v61 =	vand.u32 $0x7F, v29;
	v23 =	vshll.u32 v23, $0x7;
	v62 =	vor.u32 v3, v32  }
0xb8: {  	v63 =	vor.u32 v5, v61;
	v23 =	vor.u32 v2, v23;
	v39 =	vshll.u32 v30, $0x7;
	[tilespmem:v11+s21+$0x0] =	vst.idx.msk $0xffff, v20  }
0xb9: {  	v29 =	vadd.s32 s1, v4;
	v37 =	vshll.u32 v28, $0x7;
	v28 =	vor.u32 v2, v39;
	[tilespmem:v19+s21+$0x0] =	vst.idx.msk $0xffff, v21;
	v36 =	vld.idx.msk [tilespmem:v27+s17+$0x0], $0xffff  }
0xba: {  	v45 =	vand.u32 $0x7F, v43;
	v20 =	vand.u32 $0x7F, v29;
	v40 =	vld.idx.msk [tilespmem:v31+s17+$0x0], $0xffff;
	[tilespmem:v22+s21+$0x0] =	vst.idx.msk $0xffff, v25;
	v25 =	vor.u32 v2, v37  }
0xbb: {  	v41 =	vshll.u32 v32, $0x7;
	v21 =	vand.u32 $0x7F, v35;
	v38 =	vor.u32 v5, v20;
	v42 =	vld.idx.msk [tilespmem:v33+s17+$0x0], $0xffff;
	[tilespmem:v24+s21+$0x0] =	vst.idx.msk $0xffff, v26  }
0xbc: {  	[tilespmem:v12+s21+$0x0] =	vst.idx.msk $0xffff, v13;
	v46 =	vor.u32 v5, v21;
	v26 =	vor.u32 v2, v41;
	v44 =	vld.idx.msk [tilespmem:v62+s17+$0x0], $0xffff  }
0xbd: {  	v16 =	vand.u32 $0x7F, v49;
	v47 =	vor.u32 v5, v45;
	v48 =	vshll.u32 v61, $0x7;
	[tilespmem:v15+s21+$0x0] =	vst.idx.msk $0xffff, v14  }
0xbe: {  	v52 =	vor.u32 v7, v16;
	v15 =	vor.u32 v4, v48;
	v19 =	vand.u32 $0x7F, v34;
	[tilespmem:v23+s21+$0x0] =	vst.idx.msk $0xffff, v36  }
0xbf: {  	v51 =	vadd.s32 s12, v6;
	v50 =	vor.u32 v7, v19;
	v20 =	vshll.u32 v20, $0x7;
	v11 =	vld.idx.msk [tilespmem:v63+s17+$0x0], $0xffff;
	[tilespmem:v25+s21+$0x0] =	vst.idx.msk $0xffff, v40  }
0xc0: {  	v54 =	vadd.s32 s0, v6;
	v21 =	vshll.u32 v21, $0x7;
	v20 =	vor.u32 v4, v20;
	[tilespmem:v28+s21+$0x0] =	vst.idx.msk $0xffff, v42;
	v25 =	vld.idx.msk [tilespmem:v38+s17+$0x0], $0xffff  }
0xc1: {  	v13 =	vshll.u32 v45, $0x7;
	v21 =	vor.u32 v4, v21;
	v23 =	vand.u32 $0x7F, v51;
	v53 =	vld.idx.msk [tilespmem:v46+s17+$0x0], $0xffff;
	[tilespmem:v26+s21+$0x0] =	vst.idx.msk $0xffff, v44  }
0xc2: {  	v17 =	vand.u32 $0x7F, v54;
	v13 =	vor.u32 v4, v13;
	v55 =	vor.u32 v7, v23;
	v14 =	vld.idx.msk [tilespmem:v47+s17+$0x0], $0xffff  }
0xc3: {  	v9 =	vld.idx.msk [tilespmem:v9+s17+$0x0], $0xffff;
	v8 =	vshll.u32 v8, $0x7;
	v18 =	vor.u32 v6, v18;
	v56 =	vor.u32 v7, v17  }
0xc4: {  	v10 =	vld.idx.msk [tilespmem:v10+s17+$0x0], $0xffff;
	v8 =	vor.u32 v6, v8;
	v19 =	vshll.u32 v19, $0x7;
	[tilespmem:v15+s21+$0x0] =	vst.idx.msk $0xffff, v11  }
0xc5: {  	v16 =	vshll.u32 v16, $0x7;
	v57 =	vor.u32 v6, v19;
	v15 =	vld.idx.msk [tilespmem:v50+s17+$0x0], $0xffff;
	[tilespmem:v20+s21+$0x0] =	vst.idx.msk $0xffff, v25  }
0xc6: {  	v16 =	vor.u32 v6, v16;
	v59 =	vshll.u32 v23, $0x7;
	[tilespmem:v21+s21+$0x0] =	vst.idx.msk $0xffff, v53;
	v58 =	vld.idx.msk [tilespmem:v52+s17+$0x0], $0xffff  }
0xc7: {  	v61 =	vshll.u32 v17, $0x7;
	v62 =	vor.u32 v6, v59;
	v60 =	vld.idx.msk [tilespmem:v55+s17+$0x0], $0xffff;
	[tilespmem:v13+s21+$0x0] =	vst.idx.msk $0xffff, v14  }
0xc8: {  	[tilespmem:v18+s21+$0x0] =	vst.idx.msk $0xffff, v9;
	v14 =	vor.u32 v6, v61;
	v63 =	vld.idx.msk [tilespmem:v56+s17+$0x0], $0xffff  }
0xc9: {  	[tilespmem:v8+s21+$0x0] =	vst.idx.msk $0xffff, v10  }
0xca: {  	[tilespmem:v57+s21+$0x0] =	vst.idx.msk $0xffff, v15  }
0xcb: {  	s31 =	sadd.s32 s30, s10;
	[tilespmem:v16+s21+$0x0] =	vst.idx.msk $0xffff, v58  }
0xcc: {  	s0 =	sshll.u32 s31, $0xB;
	[tilespmem:v62+s21+$0x0] =	vst.idx.msk $0xffff, v60  }
0xcd: {  	p1 =	sne.s32 s29, s6;
	s0 =	sadd.s32 s5, s0;
	[tilespmem:v14+s21+$0x0] =	vst.idx.msk $0xffff, v63  }
0xce: {  	[hbm4b:s0+s3] =	stream.linear.scatter [tilespmem:s21], [sflag:$0x4], $0x4000, $0x38;
	[tilespmem:$0x10000] =	vst v63  }
.Ltmp4:
0xcf: {  	_ = 	snop;
	(pc) =	sbr.rel @p1 .LBB2_2-.Ltmp4, $4  }
0xd0: {  	s0 =	sadd.s32 @!p2 s30, s11  }
0xd1: {  	s8 =	simm.s32 @!p2 $0x7A1400;
	s0 =	sshll.u32 @!p2 s0, $0x7  }
0xd2: {  	s12 =	simm.s32 @!p2 $0x2000;
	s1 =	simm.s32 @!p2 $0x400;
	s0 =	sadd.s32 @!p2 s2, s0  }
0xd3: {  	[tilespmem:s12], [sflag:$0x2] =	stream.strided.gather @!p2 [hbm4b:s0+s1], $0x2000, s8, s1, $0x38;
	[tilespmem:$0x10000] =	vst v63  }
0xd4: {  	_ =	swait.ge [sflag:s22], $0x4000  }
.Ltmp5:
0xd5: {  	[sflag:s22] =	ssyncset.done $0x0;
	(pc) =	sbr.rel @p0 .LBB2_11-.Ltmp5, $4  }
0xd6: {  	[sflag:s22] =	ssyncadd.s32 $0xFFFFC000  }
0xd7: {  	_ =	swait.ge [sflag:s23], $0x4000  }
0xd8: {  	[sflag:s23] =	ssyncset.done $0x0  }
0xd9: {  	[sflag:s23] =	ssyncadd.s32 $0xFFFFC000  }
0xda: {  	s8 =	simm.s32 $0x0  }
0xdb: {  	s12 =	simm.s32 $0x3;
	s1 =	simm.s32 $0x2;
	v8 =	vadd.s32 s8, v0  }
0xdc: {  	s0 =	simm.s32 $0x1;
	v9 =	vadd.s32 s12, v0;
	v11 =	vadd.s32 s1, v0;
	v13 =	vadd.s32 s8, v2  }
0xdd: {  	v14 =	vadd.s32 s0, v0;
	v18 =	vadd.s32 s12, v2;
	v19 =	vadd.s32 s8, v4  }
0xde: {  	v20 =	vadd.s32 s1, v2;
	v22 =	vadd.s32 s0, v2;
	v8 =	vand.u32 $0x3F, v8  }
0xdf: {  	s13 =	rddreg [dreg:$0x4];
	v26 =	vadd.s32 s12, v4;
	v9 =	vand.u32 $0x3F, v9;
	v10 =	vor.u32 v1, v8  }
0xe0: {  	[tilespmem:s24], [sflag:$0x5] =	stream.strided.gather [hbm4b:s13+s15], $0x2000, s16, s15, $0x38;
	v27 =	vadd.s32 s8, v6;
	v11 =	vand.u32 $0x3F, v11;
	v12 =	vor.u32 v1, v9;
	[tilespmem:$0x10000] =	vst v63  }
0xe1: {  	v61 =	vadd.s32 s12, v6;
	v14 =	vand.u32 $0x3F, v14;
	_ =	swait.ge [sflag:s25], $0x2000;
	v15 =	vor.u32 v1, v11  }
0xe2: {  	v13 =	vand.u32 $0x3F, v13;
	v18 =	vand.u32 $0x3F, v18;
	v16 =	vor.u32 v1, v14;
	[sflag:s25] =	ssyncset.done $0x0  }
0xe3: {  	v20 =	vand.u32 $0x3F, v20;
	v22 =	vand.u32 $0x3F, v22;
	v8 =	vshll.u32 v8, $0x7;
	[sflag:s25] =	ssyncadd.s32 $0xFFFFE000  }
0xe4: {  	v19 =	vand.u32 $0x3F, v19;
	v9 =	vshll.u32 v9, $0x7;
	v8 =	vor.u32 v0, v8;
	v10 =	vld.idx.msk [tilespmem:v10+s24+$0x0], $0xffff  }
0xe5: {  	v17 =	vor.u32 v3, v13;
	v11 =	vshll.u32 v11, $0x7;
	v9 =	vor.u32 v0, v9;
	v12 =	vld.idx.msk [tilespmem:v12+s24+$0x0], $0xffff  }
0xe6: {  	v21 =	vor.u32 v3, v18;
	v14 =	vshll.u32 v14, $0x7;
	v11 =	vor.u32 v0, v11;
	v15 =	vld.idx.msk [tilespmem:v15+s24+$0x0], $0xffff  }
0xe7: {  	v26 =	vand.u32 $0x3F, v26;
	v23 =	vor.u32 v3, v20;
	v14 =	vor.u32 v0, v14;
	v16 =	vld.idx.msk [tilespmem:v16+s24+$0x0], $0xffff  }
0xe8: {  	v24 =	vor.u32 v3, v22;
	v13 =	vshll.u32 v13, $0x7;
	v25 =	vor.u32 v5, v19  }
0xe9: {  	v19 =	vshll.u32 v19, $0x7;
	v13 =	vor.u32 v2, v13;
	[tilespmem:v8+s26+$0x0] =	vst.idx.msk $0xffff, v10;
	v8 =	vadd.s32 s1, v4  }
0xea: {  	v10 =	vshll.u32 v18, $0x7;
	v18 =	vor.u32 v5, v26;
	[tilespmem:v9+s26+$0x0] =	vst.idx.msk $0xffff, v12;
	v9 =	vshll.u32 v20, $0x7;
	v17 =	vld.idx.msk [tilespmem:v17+s24+$0x0], $0xffff  }
0xeb: {  	[tilespmem:v11+s26+$0x0] =	vst.idx.msk $0xffff, v15;
	v11 =	vshll.u32 v22, $0x7;
	v15 =	vadd.s32 s0, v4;
	v10 =	vor.u32 v2, v10;
	v12 =	vld.idx.msk [tilespmem:v21+s24+$0x0], $0xffff  }
0xec: {  	[tilespmem:v14+s26+$0x0] =	vst.idx.msk $0xffff, v16;
	v14 =	vand.u32 $0x3F, v27;
	v8 =	vand.u32 $0x3F, v8;
	v9 =	vor.u32 v2, v9;
	v20 =	vld.idx.msk [tilespmem:v23+s24+$0x0], $0xffff  }
0xed: {  	s29 =	simm.s32 $0x4;
	v21 =	vor.u32 v2, v11;
	v15 =	vand.u32 $0x3F, v15;
	v23 =	vld.idx.msk [tilespmem:v24+s24+$0x0], $0xffff;
	v22 =	vor.u32 v5, v8  }
0xee: {  	v27 =	vand.u32 $0x3F, v61;
	v11 =	vadd.s32 s29, v0;
	v16 =	vor.u32 v5, v15  }
0xef: {  	v60 =	vor.u32 v7, v14;
	v62 =	vor.u32 v7, v27;
	v14 =	vshll.u32 v14, $0x7;
	[tilespmem:v13+s26+$0x0] =	vst.idx.msk $0xffff, v17  }
0xf0: {  	v8 =	vshll.u32 v8, $0x7;
	v13 =	vor.u32 v4, v19;
	[tilespmem:v10+s26+$0x0] =	vst.idx.msk $0xffff, v12;
	v12 =	vshll.u32 v26, $0x7;
	v25 =	vld.idx.msk [tilespmem:v25+s24+$0x0], $0xffff  }
0xf1: {  	v10 =	vadd.s32 s1, v6;
	[tilespmem:v9+s26+$0x0] =	vst.idx.msk $0xffff, v20;
	v9 =	vshll.u32 v15, $0x7;
	v28 =	vld.idx.msk [tilespmem:v18+s24+$0x0], $0xffff;
	v29 =	vor.u32 v4, v12  }
0xf2: {  	v15 =	vor.u32 v4, v8;
	[tilespmem:v21+s26+$0x0] =	vst.idx.msk $0xffff, v23;
	v18 =	vand.u32 $0x3F, v10;
	v30 =	vld.idx.msk [tilespmem:v22+s24+$0x0], $0xffff;
	v10 =	vadd.s32 s0, v6  }
0xf3: {  	s1 =	simm.s32 $0x7;
	v17 =	vor.u32 v4, v9;
	v16 =	vld.idx.msk [tilespmem:v16+s24+$0x0], $0xffff;
	v8 =	vand.u32 $0x3F, v10;
	v9 =	vor.u32 v7, v18  }
0xf4: {  	v11 =	vand.u32 $0x3F, v11;
	v12 =	vadd.s32 s1, v0;
	v10 =	vor.u32 v7, v8  }
0xf5: {  	s12 =	simm.s32 $0x6;
	v20 =	vor.u32 v1, v11;
	v19 =	vand.u32 $0x3F, v12;
	v12 =	vor.u32 v6, v14;
	[tilespmem:v13+s26+$0x0] =	vst.idx.msk $0xffff, v25  }
0xf6: {  	v63 =	vshll.u32 v27, $0x7;
	v14 =	vadd.s32 s12, v0;
	v21 =	vor.u32 v1, v19;
	[tilespmem:v29+s26+$0x0] =	vst.idx.msk $0xffff, v28;
	v13 =	vld.idx.msk [tilespmem:v60+s24+$0x0], $0xffff  }
0xf7: {  	s13 =	simm.s32 $0x8;
	v23 =	vadd.s32 s29, v2;
	s0 =	simm.s32 $0x5;
	v22 =	vand.u32 $0x3F, v14;
	[tilespmem:v15+s26+$0x0] =	vst.idx.msk $0xffff, v30;
	v15 =	vor.u32 v6, v63;
	v14 =	vld.idx.msk [tilespmem:v62+s24+$0x0], $0xffff  }
.LBB2_9:
0xf8: {  	p1 =	slt.u32 s13, $0x3C;
	v24 =	vadd.s32 s0, v0;
	v25 =	vor.u32 v1, v22;
	[tilespmem:v17+s26+$0x0] =	vst.idx.msk $0xffff, v16;
	v9 =	vld.idx.msk [tilespmem:v9+s24+$0x0], $0xffff;
	v16 =	vshll.u32 v18, $0x7  }
0xf9: {  	v8 =	vshll.u32 v8, $0x7;
	v17 =	vand.u32 $0x3F, v24;
	v10 =	vld.idx.msk [tilespmem:v10+s24+$0x0], $0xffff;
	v16 =	vor.u32 v6, v16  }
0xfa: {  	v18 =	vand.u32 $0x3F, v23;
	v8 =	vor.u32 v6, v8;
	v23 =	vor.u32 v1, v17  }
0xfb: {  	v11 =	vshll.u32 v11, $0x7;
	v26 =	vadd.s32 s1, v2;
	v24 =	vor.u32 v3, v18  }
0xfc: {  	v27 =	vadd.s32 s29, v4;
	v11 =	vor.u32 v0, v11;
	v26 =	vand.u32 $0x3F, v26;
	v20 =	vld.idx.msk [tilespmem:v20+s24+$0x0], $0xffff;
	[tilespmem:v12+s26+$0x0] =	vst.idx.msk $0xffff, v13  }
0xfd: {  	v19 =	vshll.u32 v19, $0x7;
	v12 =	vadd.s32 s12, v2;
	v13 =	vld.idx.msk [tilespmem:v21+s24+$0x0], $0xffff;
	v21 =	vor.u32 v3, v26;
	[tilespmem:v15+s26+$0x0] =	vst.idx.msk $0xffff, v14  }
0xfe: {  	v19 =	vor.u32 v0, v19;
	v15 =	vshll.u32 v22, $0x7;
	v12 =	vand.u32 $0x3F, v12;
	v14 =	vld.idx.msk [tilespmem:v25+s24+$0x0], $0xffff;
	[tilespmem:v16+s26+$0x0] =	vst.idx.msk $0xffff, v9  }
0xff: {  	v16 =	vshll.u32 v17, $0x7;
	v17 =	vadd.s32 s0, v2;
	v15 =	vor.u32 v0, v15;
	v9 =	vld.idx.msk [tilespmem:v23+s24+$0x0], $0xffff;
	[tilespmem:v8+s26+$0x0] =	vst.idx.msk $0xffff, v10  }
0x100: {  	v8 =	vor.u32 v0, v16;
	v10 =	vand.u32 $0x3F, v17;
	v16 =	vor.u32 v3, v12  }
0x101: {  	v17 =	vand.u32 $0x3F, v27;
	v22 =	vor.u32 v3, v10  }
0x102: {  	[tilespmem:v11+s26+$0x0] =	vst.idx.msk $0xffff, v20;
	v11 =	vshll.u32 v18, $0x7;
	v18 =	vor.u32 v5, v17;
	v20 =	vadd.s32 s1, v4  }
0x103: {  	v23 =	vld.idx.msk [tilespmem:v24+s24+$0x0], $0xffff;
	v11 =	vor.u32 v2, v11;
	v24 =	vadd.s32 s29, v6;
	[tilespmem:v19+s26+$0x0] =	vst.idx.msk $0xffff, v13;
	v13 =	vand.u32 $0x3F, v20;
	s29 =	smov.u32 s13  }
0x104: {  	v19 =	vshll.u32 v26, $0x7;
	[tilespmem:v15+s26+$0x0] =	vst.idx.msk $0xffff, v14;
	v14 =	vadd.s32 s12, v4;
	v15 =	vld.idx.msk [tilespmem:v21+s24+$0x0], $0xffff;
	v20 =	vor.u32 v5, v13  }
0x105: {  	[tilespmem:v8+s26+$0x0] =	vst.idx.msk $0xffff, v9;
	v8 =	vld.idx.msk [tilespmem:v16+s24+$0x0], $0xffff;
	v9 =	vshll.u32 v12, $0x7;
	v12 =	vand.u32 $0x3F, v14;
	v14 =	vor.u32 v2, v19  }
0x106: {  	v10 =	vshll.u32 v10, $0x7;
	v19 =	vadd.s32 s0, v4;
	v16 =	vld.idx.msk [tilespmem:v22+s24+$0x0], $0xffff;
	v9 =	vor.u32 v2, v9  }
0x107: {  	v10 =	vor.u32 v2, v10;
	v19 =	vand.u32 $0x3F, v19;
	v21 =	vor.u32 v5, v12  }
0x108: {  	v24 =	vand.u32 $0x3F, v24;
	v22 =	vadd.s32 s13, v0;
	v25 =	vor.u32 v5, v19  }
0x109: {  	v17 =	vshll.u32 v17, $0x7;
	v26 =	vadd.s32 s1, v6;
	[tilespmem:v11+s26+$0x0] =	vst.idx.msk $0xffff, v23;
	v23 =	vor.u32 v7, v24  }
0x10a: {  	v27 =	vor.u32 v4, v17;
	v11 =	vand.u32 $0x3F, v22;
	v22 =	vld.idx.msk [tilespmem:v18+s24+$0x0], $0xffff;
	[tilespmem:v14+s26+$0x0] =	vst.idx.msk $0xffff, v15;
	v14 =	vand.u32 $0x3F, v26  }
0x10b: {  	[tilespmem:v9+s26+$0x0] =	vst.idx.msk $0xffff, v8;
	v8 =	vadd.s32 s12, v6;
	v15 =	vld.idx.msk [tilespmem:v20+s24+$0x0], $0xffff;
	v9 =	vshll.u32 v13, $0x7;
	v26 =	vor.u32 v7, v14  }
0x10c: {  	[tilespmem:v10+s26+$0x0] =	vst.idx.msk $0xffff, v16;
	v28 =	vld.idx.msk [tilespmem:v21+s24+$0x0], $0xffff;
	v10 =	vshll.u32 v12, $0x7;
	v18 =	vand.u32 $0x3F, v8;
	v29 =	vor.u32 v4, v9  }
0x10d: {  	v8 =	vshll.u32 v19, $0x7;
	v9 =	vadd.s32 s0, v6;
	v16 =	vld.idx.msk [tilespmem:v25+s24+$0x0], $0xffff;
	v25 =	vor.u32 v4, v10  }
.Ltmp6:
0x10e: {  	s1 =	sadd.s32 $0x3, s13;
	v17 =	vor.u32 v4, v8;
	v8 =	vand.u32 $0x3F, v9;
	v9 =	vor.u32 v7, v18;
	(pc) =	sbr.rel @p1 .LBB2_9-.Ltmp6, $4  }
0x10f: {  	v13 =	vshll.u32 v24, $0x7;
	v12 =	vadd.s32 s1, v0;
	v10 =	vor.u32 v7, v8  }
0x110: {  	v20 =	vor.u32 v1, v11;
	s12 =	sadd.s32 $0x2, s13;
	v19 =	vand.u32 $0x3F, v12;
	v12 =	vor.u32 v6, v13;
	[tilespmem:v27+s26+$0x0] =	vst.idx.msk $0xffff, v22  }
0x111: {  	v21 =	vor.u32 v1, v19;
	v22 =	vadd.s32 s12, v0;
	v13 =	vld.idx.msk [tilespmem:v23+s24+$0x0], $0xffff;
	[tilespmem:v29+s26+$0x0] =	vst.idx.msk $0xffff, v15;
	v15 =	vshll.u32 v14, $0x7  }
0x112: {  	s13 =	sadd.s32 $0x4, s13;
	s0 =	sadd.s32 $0x1, s29;
	v23 =	vadd.s32 s29, v2;
	v22 =	vand.u32 $0x3F, v22;
	[tilespmem:v25+s26+$0x0] =	vst.idx.msk $0xffff, v28;
	v14 =	vld.idx.msk [tilespmem:v26+s24+$0x0], $0xffff;
	v15 =	vor.u32 v6, v15  }
0x113: {  	v24 =	vadd.s32 s0, v0  }
0x114: {  	v25 =	vor.u32 v1, v22;
	v18 =	vshll.u32 v18, $0x7;
	v23 =	vand.u32 $0x3F, v23  }
0x115: {  	v11 =	vshll.u32 v11, $0x7;
	v28 =	vadd.s32 s1, v2;
	v29 =	vadd.s32 s29, v4  }
0x116: {  	v30 =	vadd.s32 s12, v2;
	v19 =	vshll.u32 v19, $0x7;
	v24 =	vand.u32 $0x3F, v24  }
0x117: {  	v60 =	vshll.u32 v22, $0x7;
	v32 =	vadd.s32 s0, v2;
	v26 =	vor.u32 v1, v24  }
0x118: {  	v34 =	vadd.s32 s29, v6;
	v35 =	vadd.s32 s12, v4;
	v43 =	vadd.s32 s0, v4  }
0x119: {  	v20 =	vld.idx.msk [tilespmem:v20+s24+$0x0], $0xffff;
	v49 =	vadd.s32 s1, v6;
	v27 =	vor.u32 v3, v23;
	v11 =	vor.u32 v0, v11  }
0x11a: {  	v21 =	vld.idx.msk [tilespmem:v21+s24+$0x0], $0xffff;
	v28 =	vand.u32 $0x3F, v28;
	v30 =	vand.u32 $0x3F, v30;
	v19 =	vor.u32 v0, v19  }
0x11b: {  	v22 =	vor.u32 v0, v60;
	v31 =	vor.u32 v3, v28;
	v24 =	vshll.u32 v24, $0x7;
	v25 =	vld.idx.msk [tilespmem:v25+s24+$0x0], $0xffff  }
0x11c: {  	v32 =	vand.u32 $0x3F, v32;
	v33 =	vor.u32 v3, v30;
	v24 =	vor.u32 v0, v24;
	v26 =	vld.idx.msk [tilespmem:v26+s24+$0x0], $0xffff  }
0x11d: {  	[tilespmem:v17+s26+$0x0] =	vst.idx.msk $0xffff, v16;
	v61 =	vand.u32 $0x3F, v29;
	v23 =	vshll.u32 v23, $0x7;
	v62 =	vor.u32 v3, v32  }
0x11e: {  	v63 =	vor.u32 v5, v61;
	v23 =	vor.u32 v2, v23;
	v39 =	vshll.u32 v30, $0x7;
	[tilespmem:v11+s26+$0x0] =	vst.idx.msk $0xffff, v20  }
0x11f: {  	v29 =	vadd.s32 s1, v4;
	v37 =	vshll.u32 v28, $0x7;
	v28 =	vor.u32 v2, v39;
	[tilespmem:v19+s26+$0x0] =	vst.idx.msk $0xffff, v21;
	v36 =	vld.idx.msk [tilespmem:v27+s24+$0x0], $0xffff  }
0x120: {  	v45 =	vand.u32 $0x3F, v43;
	v20 =	vand.u32 $0x3F, v29;
	v40 =	vld.idx.msk [tilespmem:v31+s24+$0x0], $0xffff;
	[tilespmem:v22+s26+$0x0] =	vst.idx.msk $0xffff, v25;
	v25 =	vor.u32 v2, v37  }
0x121: {  	v41 =	vshll.u32 v32, $0x7;
	v21 =	vand.u32 $0x3F, v35;
	v38 =	vor.u32 v5, v20;
	v42 =	vld.idx.msk [tilespmem:v33+s24+$0x0], $0xffff;
	[tilespmem:v24+s26+$0x0] =	vst.idx.msk $0xffff, v26  }
0x122: {  	[tilespmem:v12+s26+$0x0] =	vst.idx.msk $0xffff, v13;
	v46 =	vor.u32 v5, v21;
	v26 =	vor.u32 v2, v41;
	v44 =	vld.idx.msk [tilespmem:v62+s24+$0x0], $0xffff  }
0x123: {  	v16 =	vand.u32 $0x3F, v49;
	v47 =	vor.u32 v5, v45;
	v48 =	vshll.u32 v61, $0x7;
	[tilespmem:v15+s26+$0x0] =	vst.idx.msk $0xffff, v14  }
0x124: {  	v52 =	vor.u32 v7, v16;
	v15 =	vor.u32 v4, v48;
	v19 =	vand.u32 $0x3F, v34;
	[tilespmem:v23+s26+$0x0] =	vst.idx.msk $0xffff, v36  }
0x125: {  	v51 =	vadd.s32 s12, v6;
	v50 =	vor.u32 v7, v19;
	v20 =	vshll.u32 v20, $0x7;
	v11 =	vld.idx.msk [tilespmem:v63+s24+$0x0], $0xffff;
	[tilespmem:v25+s26+$0x0] =	vst.idx.msk $0xffff, v40  }
0x126: {  	v54 =	vadd.s32 s0, v6;
	v21 =	vshll.u32 v21, $0x7;
	v20 =	vor.u32 v4, v20;
	[tilespmem:v28+s26+$0x0] =	vst.idx.msk $0xffff, v42;
	v25 =	vld.idx.msk [tilespmem:v38+s24+$0x0], $0xffff  }
0x127: {  	v13 =	vshll.u32 v45, $0x7;
	v21 =	vor.u32 v4, v21;
	v23 =	vand.u32 $0x3F, v51;
	v53 =	vld.idx.msk [tilespmem:v46+s24+$0x0], $0xffff;
	[tilespmem:v26+s26+$0x0] =	vst.idx.msk $0xffff, v44  }
0x128: {  	v17 =	vand.u32 $0x3F, v54;
	v13 =	vor.u32 v4, v13;
	v55 =	vor.u32 v7, v23;
	v14 =	vld.idx.msk [tilespmem:v47+s24+$0x0], $0xffff  }
0x129: {  	v9 =	vld.idx.msk [tilespmem:v9+s24+$0x0], $0xffff;
	v8 =	vshll.u32 v8, $0x7;
	v18 =	vor.u32 v6, v18;
	v56 =	vor.u32 v7, v17  }
0x12a: {  	v10 =	vld.idx.msk [tilespmem:v10+s24+$0x0], $0xffff;
	v8 =	vor.u32 v6, v8;
	v19 =	vshll.u32 v19, $0x7;
	[tilespmem:v15+s26+$0x0] =	vst.idx.msk $0xffff, v11  }
0x12b: {  	v16 =	vshll.u32 v16, $0x7;
	v57 =	vor.u32 v6, v19;
	v15 =	vld.idx.msk [tilespmem:v50+s24+$0x0], $0xffff;
	[tilespmem:v20+s26+$0x0] =	vst.idx.msk $0xffff, v25  }
0x12c: {  	v16 =	vor.u32 v6, v16;
	v59 =	vshll.u32 v23, $0x7;
	[tilespmem:v21+s26+$0x0] =	vst.idx.msk $0xffff, v53;
	v58 =	vld.idx.msk [tilespmem:v52+s24+$0x0], $0xffff  }
0x12d: {  	v61 =	vshll.u32 v17, $0x7;
	v62 =	vor.u32 v6, v59;
	v60 =	vld.idx.msk [tilespmem:v55+s24+$0x0], $0xffff;
	[tilespmem:v13+s26+$0x0] =	vst.idx.msk $0xffff, v14  }
0x12e: {  	[tilespmem:v18+s26+$0x0] =	vst.idx.msk $0xffff, v9;
	v14 =	vor.u32 v6, v61;
	v63 =	vld.idx.msk [tilespmem:v56+s24+$0x0], $0xffff  }
0x12f: {  	[tilespmem:v8+s26+$0x0] =	vst.idx.msk $0xffff, v10  }
0x130: {  	[tilespmem:v57+s26+$0x0] =	vst.idx.msk $0xffff, v15  }
0x131: {  	[tilespmem:v16+s26+$0x0] =	vst.idx.msk $0xffff, v58  }
0x132: {  	[tilespmem:v62+s26+$0x0] =	vst.idx.msk $0xffff, v60  }
0x133: {  	[tilespmem:v14+s26+$0x0] =	vst.idx.msk $0xffff, v63  }
.Ltmp7:
0x134: {  	s31 =	rddreg [dreg:$0x5];
	(pc) =	sbr.rel .LBB2_11-.Ltmp7, $4  }
0x135: {  	[hbm4b:s31+s3] =	stream.linear.scatter [tilespmem:s26], [sflag:$0x5], $0x2000, $0x38;
	[tilespmem:$0x10000] =	vst v63  }
0x136: {  	_ =	swait.ge [sflag:s25], $0x2000  }
0x137: {  	[sflag:s25] =	ssyncset.done $0x0  }
0x138: {  	[sflag:s25] =	ssyncadd.s32 $0xFFFFE000  }
.LBB2_12:
0x139: {  	_ =	sfence.sel $0x180000  }
0x13a: {  	[bflag:$0x0] =	sbarrier.arrive $0xFFFF  }
0x13b: {  	_ =	strace $0x90000047  }
0x13c: {  	s0 =	stileid.u32;
	[bflag:$0x2] =	sbarrier.arrive $0xFFFF  }
0x13d: {  	p0 =	sne.s32 s0, $0x0;
	s0 =	rddreg [dreg:$0x2]  }
0x13e: {  	s0 =	sadd.s32 @!p0 $0x100000, s0  }
0x13f: {  	[sflag:s0] =	ssyncadd.tile.s32 @!p0 $0x1;
	_ =	shalt  }
.Lfunc_end2:
_tile_overlayer_lowered:
.L_overlay_start_2:
0x140: {  	(tag) =	ssettag $0x2  }
0x141: {  	s0 =	rddreg [dreg:$0x0];
	s2 =	stileid.u32  }
0x142: {  	s1 =	rddreg [dreg:$0x1];
	p0 =	sne.s32 s2, $0x0  }
0x143: {  	s3 =	rddreg [dreg:$0x2];
	[bflag:$0x3] =	sbarrier.arrive $0xFFFF;
	s2 =	simm.s32 @!p0 $0x1C05  }
0x144: {  	[timem:s3], [sflag:s2] =	dma.local @!p0 [hbm:s0], s1  }
0x145: {  	s0 =	simm.s32 @!p0 $0x5  }
0x146: {  	_ =	swait.ge @!p0 [sflag:s0], s1  }
0x147: {  	s1 =	ssub.s32 @!p0 $0x0, s1;
	[sflag:s0] =	ssyncset.done @!p0 $0x0  }
0x148: {  	[sflag:s0] =	ssyncadd.s32 @!p0 s1  }
0x149: {  	[bflag:$0x3] =	sbarrier.arrive $0xFFFF  }
0x14a: {  	_ =	shalt  }

// kernel: kernel.7.cloned.1.call-start
scs
__scs_entry_jumppad:
0x0: {  	(pc) =	sbr.rel $0x88, $3  }
0x1: {  	(tag) =	ssettag $0x0;
	lr =	simm.s32 $0x1  }
0x2: {  	[smem:$0x3F9F] =	sst lr;
	_ =	strace $0xD0000000  }
0x3: {  	_ = 	snop  }
0x4: {  	_ = 	snop  }
0x5: {  	_ = 	snop  }
0x6: {  	_ = 	snop  }
0x7: {  	_ = 	snop  }
__scs_overlays_trampoline_lowered:
0x8: {  	[smem:$0x3FAE] =	sst s0  }
0x9: {  	[smem:$0x3FAF] =	sst s1  }
0xa: {  	[smem:$0x3FB0] =	sst s2  }
0xb: {  	[smem:$0x3FB1] =	sst s3  }
0xc: {  	[smem:$0x3FB2] =	sst s4  }
0xd: {  	[smem:$0x3FB3] =	sst s5  }
0xe: {  	[smem:$0x3FB4] =	sst s6  }
0xf: {  	[smem:$0x3FB5] =	sst s7  }
0x10: {  	[smem:$0x3FB6] =	sst s8  }
0x11: {  	[smem:$0x3FB7] =	sst s9;
	s0 =	simm.s32 @!p0 $0x0  }
0x12: {  	s1 =	sld [smem:$0x3F9D];
	s0 =	simm.s32 @p0 $0x1  }
0x13: {  	[smem:$0x3FB8] =	sst s0;
	s0 =	simm.s32 @!p1 $0x0  }
0x14: {  	s2 =	sld [smem:$0x3F9C];
	s0 =	simm.s32 @p1 $0x1  }
0x15: {  	[smem:$0x3FB9] =	sst s0;
	s0 =	simm.s32 @!p2 $0x0  }
0x16: {  	s3 =	sld [smem:$0x3FDB];
	s0 =	simm.s32 @p2 $0x1  }
0x17: {  	s4 =	simm.s32 $0x1BF5;
	[smem:$0x3FBB] =	sst s0  }
0x18: {  	s0 =	sld [smem:$0x3F9E];
	_ =	swait.ge [sflag:s4], $0x0  }
0x19: {  	s7 =	sld [smem:$0x3F9F]  }
0x1a: {  	s8 =	sadd.s32 $0xFFFFE003, lr  }
0x1b: {  	s9 =	sadd.s32 $0xFFFFFEF7, lr;
	s5 =	simm.s32 $0xFFFFFFFF;
	p2 =	slt.u32 s8, $0xFFFFF086  }
0x1c: {  	p1 =	slt.u32 s9, $0xF7A;
	s5 =	simm.s32 @!p2 $0x0  }
0x1d: {  	s5 =	simm.s32 @p1 $0x1;
	p0 =	seq.s32 s7, s2  }
0x1e: {  	s7 =	smul.u32 @!p0 $0xF7A, s2;
	p2 =	seq.s32 @!p0 s5, $0x0  }
0x1f: {  	s9 =	smul.u32 $0xF7A, s1;
	s8 =	simm.s32 @!p0 $0x1BF5;
	p2 =	por !p2, p0  }
0x20: {  	[sflag:s8] =	ssyncset.s32 @!p0 $0xFFFFF086;
	s6 =	sadd.s32 @!p0 s3, s7;
	s7 =	simm.s32 @!p0 $0x108  }
0x21: {  	s3 =	sadd.s32 s3, s9;
	s6 =	sadd.s32 @!p0 $0x88, s6;
	s7 =	simm.s32 @p2 $0x1082  }
0x22: {  	[simem:s7], [sflag:s8] =	dma.local @!p0 [hbm:s6], $0xF7A  }
0x23: {  	s9 =	sor.u32 $0xD0000000, s2;
	s6 =	simm.s32 $0x108;
	_ =	swait.ge @!p0 [sflag:s8], $0x0  }
0x24: {  	s3 =	sadd.s32 $0x88, s3;
	s6 =	simm.s32 @!p1 $0x1082;
	[sflag:s4] =	ssyncset.s32 $0xFFFFF086  }
0x25: {  	[simem:s6], [sflag:s4] =	dma.local [hbm:s3], $0xF7A  }
0x26: {  	[smem:$0x3F9F] =	sst s1;
	(tag) =	ssettag s2;
	_ =	strace s9  }
0x27: {  	s1 =	sld [smem:$0x3FAF]  }
0x28: {  	s2 =	sld [smem:$0x3FB0]  }
0x29: {  	s4 =	sld [smem:$0x3FB2]  }
0x2a: {  	p0 =	seq.s32 s5, $0x0;
	s5 =	sld [smem:$0x3FB3]  }
0x2b: {  	s6 =	sld [smem:$0x3FB4]  }
0x2c: {  	s7 =	sld [smem:$0x3FB5]  }
0x2d: {  	s3 =	simm.s32 $0x108;
	s8 =	sld [smem:$0x3FB6]  }
0x2e: {  	s3 =	simm.s32 @!p0 $0x1082;
	s9 =	sld [smem:$0x3FB7]  }
0x2f: {  	lr =	sadd.s32 s0, s3;
	s0 =	sld [smem:$0x3FAE]  }
0x30: {  	s3 =	sld [smem:$0x3FB1]  }
0x31: {  	[smem:$0x3FBA] =	sst s10  }
0x32: {  	s10 =	sld [smem:$0x3FB8];
	_ =	sdelay $0x3  }
0x33: {  	p0 =	seq.s32 s10, $0x1;
	s10 =	sld [smem:$0x3FBA];
	_ =	sdelay $0x3  }
0x34: {  	[smem:$0x3FBA] =	sst s10  }
0x35: {  	s10 =	sld [smem:$0x3FB9];
	_ =	sdelay $0x3  }
0x36: {  	p1 =	seq.s32 s10, $0x1;
	s10 =	sld [smem:$0x3FBA];
	_ =	sdelay $0x3  }
0x37: {  	[smem:$0x3FBA] =	sst s10  }
0x38: {  	s10 =	sld [smem:$0x3FBB]  }
0x39: {  	_ = 	snop;
	(pc) =	sbr.ind lr, $3  }
0x3a: {  	_ = 	snop  }
0x3b: {  	_ = 	snop  }
0x3c: {  	p2 =	seq.s32 s10, $0x1;
	s10 =	sld [smem:$0x3FBA]  }
0x3d: {  	_ =	shalt  }
0x3e: {  	_ =	shalt  }
0x3f: {  	_ =	shalt  }
0x40: {  	_ =	shalt  }
0x41: {  	_ =	shalt  }
0x42: {  	_ =	shalt  }
0x43: {  	_ =	shalt  }
0x44: {  	_ =	shalt  }
0x45: {  	_ =	shalt  }
0x46: {  	_ =	shalt  }
0x47: {  	_ =	shalt  }
0x48: {  	_ =	shalt  }
0x49: {  	_ =	shalt  }
0x4a: {  	_ =	shalt  }
0x4b: {  	_ =	shalt  }
0x4c: {  	_ =	shalt  }
0x4d: {  	_ =	shalt  }
0x4e: {  	_ =	shalt  }
0x4f: {  	_ =	shalt  }
0x50: {  	_ =	shalt  }
0x51: {  	_ =	shalt  }
0x52: {  	_ =	shalt  }
0x53: {  	_ =	shalt  }
0x54: {  	_ =	shalt  }
0x55: {  	_ =	shalt  }
0x56: {  	_ =	shalt  }
0x57: {  	_ =	shalt  }
0x58: {  	_ =	shalt  }
0x59: {  	_ =	shalt  }
0x5a: {  	_ =	shalt  }
0x5b: {  	_ =	shalt  }
0x5c: {  	_ =	shalt  }
0x5d: {  	_ =	shalt  }
0x5e: {  	_ =	shalt  }
0x5f: {  	_ =	shalt  }
0x60: {  	_ =	shalt  }
0x61: {  	_ =	shalt  }
0x62: {  	_ =	shalt  }
0x63: {  	_ =	shalt  }
0x64: {  	_ =	shalt  }
0x65: {  	_ =	shalt  }
0x66: {  	_ =	shalt  }
0x67: {  	_ =	shalt  }
0x68: {  	_ =	shalt  }
0x69: {  	_ =	shalt  }
0x6a: {  	_ =	shalt  }
0x6b: {  	_ =	shalt  }
0x6c: {  	_ =	shalt  }
0x6d: {  	_ =	shalt  }
0x6e: {  	_ =	shalt  }
0x6f: {  	_ =	shalt  }
0x70: {  	_ =	shalt  }
0x71: {  	_ =	shalt  }
0x72: {  	_ =	shalt  }
0x73: {  	_ =	shalt  }
0x74: {  	_ =	shalt  }
0x75: {  	_ =	shalt  }
0x76: {  	_ =	shalt  }
0x77: {  	_ =	shalt  }
0x78: {  	_ =	shalt  }
0x79: {  	_ =	shalt  }
0x7a: {  	_ =	shalt  }
0x7b: {  	_ =	shalt  }
0x7c: {  	_ =	shalt  }
0x7d: {  	_ =	shalt  }
0x7e: {  	_ =	shalt  }
0x7f: {  	_ =	shalt  }
0x80: {  	_ =	shalt  }
0x81: {  	_ =	shalt  }
0x82: {  	_ =	shalt  }
0x83: {  	_ =	shalt  }
0x84: {  	_ =	shalt  }
0x85: {  	_ =	shalt  }
0x86: {  	_ =	shalt  }
0x87: {  	_ =	shalt  }
.Lfunc_end0:
.L_simem_size_0:
called_computation.1_lowered:
.L_overlay_start_0:
0x88: {  	s2 =	sld [smem:$0x3FD9]  }
0x89: {  	s3 =	sld [smem:$0x3FFE];
	_ =	sdelay $0x1  }
0x8a: {  	s1 =	srdreg.scid  }
0x8b: {  	s0 =	sand.u32 $0x1, s1  }
0x8c: {  	s17 =	sshll.u32 s0, $0xA;
	s2 =	sadd.s32 s3, s2  }
0x8d: {  	s2 =	sadd.s32 s2, s17  }
0x8e: {  	[smem:$0x3FC6] =	sst s2  }
0x8f: {  	_ = 	snop  }
0x90: {  	s2 =	sld [smem:$0x3FD0];
	(tm) =	ssettm $0x1  }
0x91: {  	s18 =	sld [smem:$0x3FFB];
	_ =	sdelay $0x3  }
0x92: {  	_ =	strace s18  }
0x93: {  	s3 =	sld [smem:$0x3FFC];
	_ =	sdelay $0x3  }
0x94: {  	_ =	strace s3  }
0x95: {  	s3 =	sld [smem:$0x3FFD];
	_ =	sdelay $0x3  }
0x96: {  	_ =	strace s3  }
0x97: {  	_ =	strace $0x8FFFFFFF  }
0x98: {  	s19 =	sld [smem:$0x3FDB];
	_ =	sdelay $0x1  }
0x99: {  	s4 =	simm.s32 $_scs_section_size  }
0x9a: {  	s5 =	simm.s32 $_size__tile_overlayer_lowered;
	s6 =	simm.s32 $_tile_overlayer_lowered  }
0x9b: {  	s22 =	simm.s32 $0x1BFF;
	s21 =	sshll.u32 s6, $0x1;
	s3 =	sadd.s32 s4, s19  }
0x9c: {  	s7 =	simm.s32 $0x0;
	s20 =	sshll.u32 s5, $0x1;
	s5 =	sadd.s32 s21, s3  }
0x9d: {  	[timem:s7], [sflag:s22] =	dma.local [hbm:s5], s20  }
0x9e: {  	_ =	swait.ge [sflag:s22], s20  }
0x9f: {  	s4 =	ssub.s32 $0x0, s20;
	[sflag:s22] =	ssyncset.done $0x0  }
0xa0: {  	[sflag:s22] =	ssyncadd.s32 s4;
	_ =	sdelay $0x1  }
0xa1: {  	s23 =	simm.s32 $0x1B8B  }
0xa2: {  	_ =	swait.ge [sflag:s23], $0x1  }
0xa3: {  	[sflag:s23] =	ssyncset.done $0x0  }
0xa4: {  	s25 =	simm.s32 $0x1B8E;
	s24 =	sld [smem:$0x3FFE];
	[sflag:s23] =	ssyncadd.s32 $0xFFFFFFFF  }
0xa5: {  	s26 =	simm.s32 $execute0_lowered;
	[smem:$0x3FD2] =	sst s25  }
0xa6: {  	s5 =	sshll.u32 s26, $0x1;
	_ =	strace $0x80000049;
	[dreg:$0x1] =	wrdreg $0xFFFFFFFF  }
0xa7: {  	s28 =	simm.s32 $_size_execute0_lowered;
	s3 =	sadd.s32 s3, s5;
	[dreg:$0x0] =	wrdreg $0x0  }
0xa8: {  	s5 =	sshll.u32 s28, $0x1;
	[dreg:$0x2] =	wrdreg s3  }
0xa9: {  	[dreg:$0x3] =	wrdreg s5  }
0xaa: {  	[dreg:$0x4] =	wrdreg $0xC0  }
0xab: {  	_ =	task [dreg:s7], $0x5FFFF  }
0xac: {  	[dreg:$0x1] =	wrdreg $0xFFFFFFFF  }
0xad: {  	[dreg:$0x0] =	wrdreg $0x60  }
0xae: {  	[dreg:$0x2] =	wrdreg s24  }
0xaf: {  	[dreg:$0x3] =	wrdreg s2  }
0xb0: {  	[dreg:$0x4] =	wrdreg $0x9  }
0xb1: {  	_ =	task.clear_ibuf [dreg:s7], $0x5FFFF;
	_ =	strace $0x90000049  }
0xb2: {  	s29 =	simm.s32 $0x9;
	_ =	strace $0x8000004B  }
0xb3: {  	_ =	swait.ge [sflag:s29], $0x1  }
0xb4: {  	[sflag:s29] =	ssyncadd.s32 $0xFFFFFFFF  }
0xb5: {  	_ =	strace $0x9000004B  }
0xb6: {  	_ =	sfence  }
0xb7: {  	s30 =	sld [smem:$0x0];
	_ =	sdelay $0x2  }
0xb8: {  	s31 =	sshll.u32 s1, $0xD;
	s1 =	sshrl.u32 s1, $0x2  }
0xb9: {  	s3 =	sand.u32 $0x4000, s31;
	s1 =	sadd.s32 s1, s30  }
0xba: {  	s0 =	sor.u32 s3, s0;
	s1 =	sshll.u32 s1, $0x11  }
0xbb: {  	s0 =	sor.u32 s1, s0  }
0xbc: {  	s0 =	sadd.s32 $0x8F2B, s0  }
0xbd: {  	[sflag:s0] =	ssyncadd.remote.s32 $0x1  }
0xbe: {  	_ =	sfence.sel $0xFFFF  }
0xbf: {  	[dreg:$0x0] =	wrdreg $0xFFFFFFFF;
	(pc) =	sbr.abs _section_cstart, $3  }
0xc0: {  	[dreg:$0x1] =	wrdreg $0xFFFFFFFF  }
0xc1: {  	_ =	task.clear_ibuf [dreg:s7], $0x2FFFF;
	_ =	strace $0x9FFFFFFF  }
0xc2: {  	(tm) =	ssettm $0x7FFFFFFF  }
0xc3: {  	_ =	shalt  }
tec
execute0_lowered:
.L_overlay_start_1:
0x0: {  	(tag) =	ssettag $0x1  }
0x1: {  	v0 =	vimm.s32 $0xB80;
	vm14 =	vcmask $0x300;
	vm13 =	vcmask $0x704  }
0x2: {  	vm12 =	vcmask $0xB08;
	vm11 =	vcmask $0xF0C;
	vm10 =	vcmask $0x1310  }
0x3: {  	vm9 =	vcmask $0x1714;
	vm8 =	vcmask $0x1B18;
	vm7 =	vcmask $0x1F1C  }
0x4: {  	vm6 =	vcmask $0x2320;
	vm5 =	vcmask $0x2724;
	vm4 =	vcmask $0x2B28  }
0x5: {  	vm3 =	vcmask $0x2F2C;
	vm2 =	vcmask $0x3330;
	vm1 =	vcmask $0x3734  }
0x6: {  	vm0 =	vcmask $0x3B38;
	v1 =	vimm.s32 $0x1B80;
	v2 =	vimm.s32 $0x2B80  }
0x7: {  	v3 =	vimm.s32 $0x3B80;
	v4 =	vimm.s32 $0x4B80;
	v5 =	vimm.s32 $0x5B80  }
0x8: {  	v6 =	vimm.s32 $0x6B80;
	v7 =	vimm.s32 $0x7B80;
	v8 =	vimm.s32 $0xB81  }
0x9: {  	v9 =	vimm.s32 $0x1B81;
	v10 =	vimm.s32 $0x2B81;
	v11 =	vimm.s32 $0x3B81  }
0xa: {  	v12 =	vimm.s32 $0x4B81;
	v13 =	vimm.s32 $0x5B81;
	v14 =	vimm.s32 $0x6B81  }
0xb: {  	v15 =	vimm.s32 $0x7B81;
	v0 =	vsel vm14, $0x0, v0;
	v1 =	vsel vm14, $0x1000, v1  }
0xc: {  	v2 =	vsel vm14, $0x2000, v2;
	v3 =	vsel vm14, $0x3000, v3;
	v4 =	vsel vm14, $0x4000, v4  }
0xd: {  	v5 =	vsel vm14, $0x5000, v5;
	v6 =	vsel vm14, $0x6000, v6;
	v7 =	vsel vm14, $0x7000, v7  }
0xe: {  	v8 =	vsel vm14, $0x1, v8;
	v9 =	vsel vm14, $0x1001, v9;
	v10 =	vsel vm14, $0x2001, v10  }
0xf: {  	v11 =	vsel vm14, $0x3001, v11;
	v12 =	vsel vm14, $0x4001, v12;
	v13 =	vsel vm14, $0x5001, v13  }
0x10: {  	v14 =	vsel vm14, $0x6001, v14;
	v15 =	vsel vm14, $0x7001, v15;
	v0 =	vsel vm13, $0x80, v0  }
0x11: {  	v1 =	vsel vm13, $0x1080, v1;
	v2 =	vsel vm13, $0x2080, v2;
	v3 =	vsel vm13, $0x3080, v3  }
0x12: {  	v4 =	vsel vm13, $0x4080, v4;
	v5 =	vsel vm13, $0x5080, v5;
	v6 =	vsel vm13, $0x6080, v6  }
0x13: {  	v7 =	vsel vm13, $0x7080, v7;
	v8 =	vsel vm13, $0x81, v8;
	v9 =	vsel vm13, $0x1081, v9  }
0x14: {  	v10 =	vsel vm13, $0x2081, v10;
	v11 =	vsel vm13, $0x3081, v11;
	v12 =	vsel vm13, $0x4081, v12  }
0x15: {  	v13 =	vsel vm13, $0x5081, v13;
	v14 =	vsel vm13, $0x6081, v14;
	v15 =	vsel vm13, $0x7081, v15  }
0x16: {  	v0 =	vsel vm12, $0x100, v0;
	v1 =	vsel vm12, $0x1100, v1;
	v2 =	vsel vm12, $0x2100, v2  }
0x17: {  	v3 =	vsel vm12, $0x3100, v3;
	v4 =	vsel vm12, $0x4100, v4;
	v5 =	vsel vm12, $0x5100, v5  }
0x18: {  	v6 =	vsel vm12, $0x6100, v6;
	v7 =	vsel vm12, $0x7100, v7;
	v8 =	vsel vm12, $0x101, v8  }
0x19: {  	v9 =	vsel vm12, $0x1101, v9;
	v10 =	vsel vm12, $0x2101, v10;
	v11 =	vsel vm12, $0x3101, v11  }
0x1a: {  	v12 =	vsel vm12, $0x4101, v12;
	v13 =	vsel vm12, $0x5101, v13;
	v14 =	vsel vm12, $0x6101, v14  }
0x1b: {  	v15 =	vsel vm12, $0x7101, v15;
	v0 =	vsel vm11, $0x180, v0;
	v1 =	vsel vm11, $0x1180, v1  }
0x1c: {  	v2 =	vsel vm11, $0x2180, v2;
	v3 =	vsel vm11, $0x3180, v3;
	v4 =	vsel vm11, $0x4180, v4  }
0x1d: {  	v5 =	vsel vm11, $0x5180, v5;
	v6 =	vsel vm11, $0x6180, v6;
	v7 =	vsel vm11, $0x7180, v7  }
0x1e: {  	v8 =	vsel vm11, $0x181, v8;
	v9 =	vsel vm11, $0x1181, v9;
	v10 =	vsel vm11, $0x2181, v10  }
0x1f: {  	v11 =	vsel vm11, $0x3181, v11;
	v12 =	vsel vm11, $0x4181, v12;
	v13 =	vsel vm11, $0x5181, v13  }
0x20: {  	v14 =	vsel vm11, $0x6181, v14;
	v15 =	vsel vm11, $0x7181, v15;
	v0 =	vsel vm10, $0x200, v0  }
0x21: {  	v1 =	vsel vm10, $0x1200, v1;
	v2 =	vsel vm10, $0x2200, v2;
	v3 =	vsel vm10, $0x3200, v3  }
0x22: {  	v4 =	vsel vm10, $0x4200, v4;
	v5 =	vsel vm10, $0x5200, v5;
	v6 =	vsel vm10, $0x6200, v6  }
0x23: {  	v7 =	vsel vm10, $0x7200, v7;
	v8 =	vsel vm10, $0x201, v8;
	v9 =	vsel vm10, $0x1201, v9  }
0x24: {  	v10 =	vsel vm10, $0x2201, v10;
	v11 =	vsel vm10, $0x3201, v11;
	v12 =	vsel vm10, $0x4201, v12  }
0x25: {  	v13 =	vsel vm10, $0x5201, v13;
	v14 =	vsel vm10, $0x6201, v14;
	v15 =	vsel vm10, $0x7201, v15  }
0x26: {  	v0 =	vsel vm9, $0x280, v0;
	v1 =	vsel vm9, $0x1280, v1;
	v2 =	vsel vm9, $0x2280, v2  }
0x27: {  	v3 =	vsel vm9, $0x3280, v3;
	v4 =	vsel vm9, $0x4280, v4;
	v5 =	vsel vm9, $0x5280, v5  }
0x28: {  	v6 =	vsel vm9, $0x6280, v6;
	v7 =	vsel vm9, $0x7280, v7;
	v8 =	vsel vm9, $0x281, v8  }
0x29: {  	v9 =	vsel vm9, $0x1281, v9;
	v10 =	vsel vm9, $0x2281, v10;
	v11 =	vsel vm9, $0x3281, v11  }
0x2a: {  	v12 =	vsel vm9, $0x4281, v12;
	v13 =	vsel vm9, $0x5281, v13;
	v14 =	vsel vm9, $0x6281, v14  }
0x2b: {  	v15 =	vsel vm9, $0x7281, v15;
	v0 =	vsel vm8, $0x300, v0;
	v1 =	vsel vm8, $0x1300, v1  }
0x2c: {  	v2 =	vsel vm8, $0x2300, v2;
	v3 =	vsel vm8, $0x3300, v3;
	v4 =	vsel vm8, $0x4300, v4  }
0x2d: {  	v5 =	vsel vm8, $0x5300, v5;
	v6 =	vsel vm8, $0x6300, v6;
	v7 =	vsel vm8, $0x7300, v7  }
0x2e: {  	v8 =	vsel vm8, $0x301, v8;
	v9 =	vsel vm8, $0x1301, v9;
	v10 =	vsel vm8, $0x2301, v10  }
0x2f: {  	v11 =	vsel vm8, $0x3301, v11;
	v12 =	vsel vm8, $0x4301, v12;
	v13 =	vsel vm8, $0x5301, v13  }
0x30: {  	v14 =	vsel vm8, $0x6301, v14;
	v15 =	vsel vm8, $0x7301, v15;
	v0 =	vsel vm7, $0x380, v0  }
0x31: {  	v1 =	vsel vm7, $0x1380, v1;
	v2 =	vsel vm7, $0x2380, v2;
	v3 =	vsel vm7, $0x3380, v3  }
0x32: {  	v4 =	vsel vm7, $0x4380, v4;
	v5 =	vsel vm7, $0x5380, v5;
	v6 =	vsel vm7, $0x6380, v6  }
0x33: {  	v7 =	vsel vm7, $0x7380, v7;
	v8 =	vsel vm7, $0x381, v8;
	v9 =	vsel vm7, $0x1381, v9  }
0x34: {  	v10 =	vsel vm7, $0x2381, v10;
	v11 =	vsel vm7, $0x3381, v11;
	v12 =	vsel vm7, $0x4381, v12  }
0x35: {  	v13 =	vsel vm7, $0x5381, v13;
	v14 =	vsel vm7, $0x6381, v14;
	v15 =	vsel vm7, $0x7381, v15  }
0x36: {  	v0 =	vsel vm6, $0x800, v0;
	v1 =	vsel vm6, $0x1800, v1;
	v2 =	vsel vm6, $0x2800, v2  }
0x37: {  	v3 =	vsel vm6, $0x3800, v3;
	v4 =	vsel vm6, $0x4800, v4;
	v5 =	vsel vm6, $0x5800, v5  }
0x38: {  	v6 =	vsel vm6, $0x6800, v6;
	v7 =	vsel vm6, $0x7800, v7;
	v8 =	vsel vm6, $0x801, v8  }
0x39: {  	v9 =	vsel vm6, $0x1801, v9;
	v10 =	vsel vm6, $0x2801, v10;
	v11 =	vsel vm6, $0x3801, v11  }
0x3a: {  	v12 =	vsel vm6, $0x4801, v12;
	v13 =	vsel vm6, $0x5801, v13;
	v14 =	vsel vm6, $0x6801, v14  }
0x3b: {  	v15 =	vsel vm6, $0x7801, v15;
	v0 =	vsel vm5, $0x880, v0;
	v1 =	vsel vm5, $0x1880, v1  }
0x3c: {  	v2 =	vsel vm5, $0x2880, v2;
	v3 =	vsel vm5, $0x3880, v3;
	v4 =	vsel vm5, $0x4880, v4  }
0x3d: {  	v5 =	vsel vm5, $0x5880, v5;
	v6 =	vsel vm5, $0x6880, v6;
	v7 =	vsel vm5, $0x7880, v7  }
0x3e: {  	v8 =	vsel vm5, $0x881, v8;
	v9 =	vsel vm5, $0x1881, v9;
	v10 =	vsel vm5, $0x2881, v10  }
0x3f: {  	v11 =	vsel vm5, $0x3881, v11;
	v12 =	vsel vm5, $0x4881, v12;
	v13 =	vsel vm5, $0x5881, v13  }
0x40: {  	v14 =	vsel vm5, $0x6881, v14;
	v15 =	vsel vm5, $0x7881, v15;
	v0 =	vsel vm4, $0x900, v0  }
0x41: {  	v1 =	vsel vm4, $0x1900, v1;
	v2 =	vsel vm4, $0x2900, v2;
	v3 =	vsel vm4, $0x3900, v3  }
0x42: {  	v4 =	vsel vm4, $0x4900, v4;
	v5 =	vsel vm4, $0x5900, v5;
	v6 =	vsel vm4, $0x6900, v6  }
0x43: {  	v7 =	vsel vm4, $0x7900, v7;
	v8 =	vsel vm4, $0x901, v8;
	v9 =	vsel vm4, $0x1901, v9  }
0x44: {  	v10 =	vsel vm4, $0x2901, v10;
	v11 =	vsel vm4, $0x3901, v11;
	v12 =	vsel vm4, $0x4901, v12  }
0x45: {  	v13 =	vsel vm4, $0x5901, v13;
	v14 =	vsel vm4, $0x6901, v14;
	v15 =	vsel vm4, $0x7901, v15  }
0x46: {  	v0 =	vsel vm3, $0x980, v0;
	v1 =	vsel vm3, $0x1980, v1;
	v2 =	vsel vm3, $0x2980, v2  }
0x47: {  	v3 =	vsel vm3, $0x3980, v3;
	v4 =	vsel vm3, $0x4980, v4;
	v5 =	vsel vm3, $0x5980, v5  }
0x48: {  	v6 =	vsel vm3, $0x6980, v6;
	v7 =	vsel vm3, $0x7980, v7;
	v8 =	vsel vm3, $0x981, v8  }
0x49: {  	v9 =	vsel vm3, $0x1981, v9;
	v10 =	vsel vm3, $0x2981, v10;
	v11 =	vsel vm3, $0x3981, v11  }
0x4a: {  	v12 =	vsel vm3, $0x4981, v12;
	v13 =	vsel vm3, $0x5981, v13;
	v0 =	vsel vm2, $0xA00, v0  }
0x4b: {  	v1 =	vsel vm2, $0x1A00, v1;
	v2 =	vsel vm2, $0x2A00, v2;
	v3 =	vsel vm2, $0x3A00, v3  }
0x4c: {  	v4 =	vsel vm2, $0x4A00, v4;
	v5 =	vsel vm2, $0x5A00, v5;
	v6 =	vsel vm2, $0x6A00, v6  }
0x4d: {  	v7 =	vsel vm2, $0x7A00, v7;
	v8 =	vsel vm2, $0xA01, v8;
	v9 =	vsel vm2, $0x1A01, v9  }
0x4e: {  	v10 =	vsel vm2, $0x2A01, v10;
	v11 =	vsel vm2, $0x3A01, v11;
	v12 =	vsel vm2, $0x4A01, v12  }
0x4f: {  	v13 =	vsel vm2, $0x5A01, v13;
	v0 =	vsel vm1, $0xA80, v0;
	v1 =	vsel vm1, $0x1A80, v1  }
0x50: {  	v2 =	vsel vm1, $0x2A80, v2;
	v3 =	vsel vm1, $0x3A80, v3;
	v4 =	vsel vm1, $0x4A80, v4  }
0x51: {  	s0 =	rddreg [dreg:$0x0];
	v5 =	vsel vm1, $0x5A80, v5;
	v6 =	vsel vm1, $0x6A80, v6;
	v7 =	vsel vm1, $0x7A80, v7  }
0x52: {  	s1 =	rddreg [dreg:$0x1];
	v8 =	vsel vm1, $0xA81, v8;
	v9 =	vsel vm1, $0x1A81, v9;
	v10 =	vsel vm1, $0x2A81, v10  }
0x53: {  	s3 =	srdreg.scid;
	s2 =	stileid.u32;
	v11 =	vsel vm1, $0x3A81, v11;
	v12 =	vsel vm1, $0x4A81, v12;
	v16 =	vsel vm1, $0x5A81, v13  }
0x54: {  	s9 =	simm.s32 $0x5;
	s10 =	simm.s32 $0x80;
	s11 =	simm.s32 $0x8000;
	v13 =	vsel vm3, $0x6981, v14;
	v14 =	vsel vm3, $0x7981, v15;
	v0 =	vsel vm0, $0xB00, v0  }
0x55: {  	s12 =	simm.s32 $0x8100;
	s13 =	simm.s32 $0x8080;
	s14 =	simm.s32 $0xC100;
	v1 =	vsel vm0, $0x1B00, v1;
	v2 =	vsel vm0, $0x2B00, v2;
	v3 =	vsel vm0, $0x3B00, v3  }
0x56: {  	s15 =	simm.s32 $0x1;
	s16 =	simm.s32 $0x10100;
	s17 =	simm.s32 $0x400;
	v4 =	vsel vm0, $0x4B00, v4;
	v5 =	vsel vm0, $0x5B00, v5;
	v6 =	vsel vm0, $0x6B00, v6  }
0x57: {  	s18 =	simm.s32 $0x2;
	s19 =	simm.s32 $0x4;
	s5 =	sand.u32 $0x1, s3;
	v7 =	vsel vm0, $0x7B00, v7;
	v8 =	vsel vm0, $0xB01, v8;
	v10 =	vsel vm0, $0x2B01, v10  }
0x58: {  	s20 =	simm.s32 $0x12100;
	s4 =	sshll.u32 s2, $0x8;
	s6 =	sshll.u32 s5, $0x7;
	v11 =	vsel vm0, $0x3B01, v11;
	v12 =	vsel vm0, $0x4B01, v12;
	v15 =	vsel vm2, $0x6A01, v13  }
0x59: {  	s21 =	simm.s32 $0x3;
	s3 =	simm.s32 $0x0;
	s4 =	sor.u32 s6, s4;
	v14 =	vsel vm2, $0x7A01, v14;
	v13 =	vlaneseq.u32;
	[tilespmem:$0x1FFE0] =	vst v8;
	v8 =	vsel vm0, $0x1B01, v9  }
0x5a: {  	[smem:$0x7FF] =	sst s3;
	s7 =	ssub.s32 $0x2, s5;
	s6 =	sshll.u32 s4, $0x5;
	v17 =	vsel vm1, $0x6A81, v15;
	v18 =	vsel vm1, $0x7A81, v14;
	v14 =	vmul.u32 $0x80, v13  }
0x5b: {  	s5 =	sadd.s32 $0xA00, s0;
	s31 =	sshrl.u32 s7, $0x1;
	s0 =	sadd.s32 s6, s0;
	v15 =	vsel vm0, $0x5B01, v16;
	v20 =	vor.u32 $0x20, v13;
	v22 =	vor.u32 $0x30, v13  }
0x5c: {  	s22 =	simm.s32 $0x0;
	s8 =	ssub.s32 s7, s31;
	s6 =	sadd.s32 $0xF42E00, s0;
	[tilespmem:$0x1FFF0] =	vst v8;
	v16 =	vsel vm0, $0x6B01, v17;
	v17 =	vsel vm0, $0x7B01, v18;
	v18 =	vor.u32 $0x10, v13  }
0x5d: {  	s7 =	sadd.s32 $0x8000, s1;
	s8 =	smax.u32 s8, $0x1;
	_ =	strace $0x8000004A;
	v19 =	vor.u32 $0x800, v14;
	v21 =	vor.u32 $0x1000, v14;
	v23 =	vor.u32 $0x1800, v14  }
.LBB2_1:
0x5e: {  	[tilespmem:s3], [sflag:$0x5] =	stream.linear.gather [hbm4b:s6+s3], $0x8000, $0x38;
	[tilespmem:$0x14100] =	vst v63  }
0x5f: {  	_ =	swait.ge [sflag:s9], $0x8000  }
0x60: {  	[sflag:s9] =	ssyncset.done $0x0  }
0x61: {  	[sflag:s9] =	ssyncadd.s32 $0xFFFF8000  }
0x62: {  	v24 =	vld.idx.msk [tilespmem:v0+s3+$0x0], $0xffff;
	_ =	sdelay $0x4  }
0x63: {  	[tilespmem:$0x8000] =	vst v24  }
0x64: {  	v24 =	vld.idx.msk [tilespmem:v1+s3+$0x0], $0xffff;
	_ =	sdelay $0x4  }
0x65: {  	[tilespmem:$0x8010] =	vst v24  }
0x66: {  	v24 =	vld.idx.msk [tilespmem:v2+s3+$0x0], $0xffff;
	_ =	sdelay $0x4  }
0x67: {  	[tilespmem:$0x8020] =	vst v24  }
0x68: {  	v24 =	vld.idx.msk [tilespmem:v3+s3+$0x0], $0xffff;
	_ =	sdelay $0x4  }
0x69: {  	[tilespmem:$0x8030] =	vst v24  }
0x6a: {  	v24 =	vld.idx.msk [tilespmem:v4+s3+$0x0], $0xffff;
	_ =	sdelay $0x4  }
0x6b: {  	[tilespmem:$0x8040] =	vst v24  }
0x6c: {  	v24 =	vld.idx.msk [tilespmem:v5+s3+$0x0], $0xffff;
	_ =	sdelay $0x4  }
0x6d: {  	[tilespmem:$0x8050] =	vst v24  }
0x6e: {  	v24 =	vld.idx.msk [tilespmem:v6+s3+$0x0], $0xffff;
	_ =	sdelay $0x4  }
0x6f: {  	v8 =	vld [tilespmem:$0x1FFE0];
	[tilespmem:$0x8060] =	vst v24  }
0x70: {  	v24 =	vld.idx.msk [tilespmem:v7+s3+$0x0], $0xffff;
	_ =	sdelay $0x4  }
0x71: {  	[tilespmem:$0x8070] =	vst v24  }
0x72: {  	[tilespmem:s12], [sflag:$0x1] =	stream.indirect.gather [hbm4b:s5+s10], $0x80, s11, s10, $0xb8;
	[tilespmem:$0x14100] =	vst v63  }
0x73: {  	v24 =	vld.idx.msk [tilespmem:v8+s3+$0x0], $0xffff  }
0x74: {  	v8 =	vld [tilespmem:$0x1FFF0];
	_ =	sdelay $0x6  }
0x75: {  	[tilespmem:$0x8080] =	vst v24  }
0x76: {  	v24 =	vld.idx.msk [tilespmem:v8+s3+$0x0], $0xffff;
	_ =	sdelay $0x4  }
0x77: {  	[tilespmem:$0x8090] =	vst v24  }
0x78: {  	v24 =	vld.idx.msk [tilespmem:v10+s3+$0x0], $0xffff;
	_ =	sdelay $0x4  }
0x79: {  	[tilespmem:$0x80A0] =	vst v24  }
0x7a: {  	v24 =	vld.idx.msk [tilespmem:v11+s3+$0x0], $0xffff;
	_ =	sdelay $0x4  }
0x7b: {  	[tilespmem:$0x80B0] =	vst v24  }
0x7c: {  	v24 =	vld.idx.msk [tilespmem:v12+s3+$0x0], $0xffff;
	_ =	sdelay $0x4  }
0x7d: {  	[tilespmem:$0x80C0] =	vst v24  }
0x7e: {  	v24 =	vld.idx.msk [tilespmem:v15+s3+$0x0], $0xffff;
	_ =	sdelay $0x4  }
0x7f: {  	[tilespmem:$0x80D0] =	vst v24  }
0x80: {  	v24 =	vld.idx.msk [tilespmem:v16+s3+$0x0], $0xffff;
	_ =	sdelay $0x4  }
0x81: {  	[tilespmem:$0x80E0] =	vst v24  }
0x82: {  	v24 =	vld.idx.msk [tilespmem:v17+s3+$0x0], $0xffff;
	_ =	sdelay $0x4  }
0x83: {  	s23 =	simm.s32 $0x0;
	[tilespmem:$0x80F0] =	vst v24  }
0x84: {  	[tilespmem:s14], [sflag:$0x2] =	stream.indirect.gather [hbm4b:s5+s10], $0x80, s13, s10, $0xb8;
	[tilespmem:$0x14100] =	vst v63  }
.LBB2_2:
0x85: {  	s25 =	simm.s32 $0x0  }
0x86: {  	s26 =	simm.s32 $0x3;
	s24 =	simm.s32 $0x2;
	s0 =	simm.s32 $0x1;
	v24 =	vadd.s32 s25, v13;
	v26 =	vadd.s32 s25, v18  }
0x87: {  	v27 =	vadd.s32 s26, v13;
	v28 =	vadd.s32 s24, v13;
	v29 =	vadd.s32 s0, v13  }
0x88: {  	v34 =	vadd.s32 s26, v18;
	v35 =	vadd.s32 s25, v20;
	v36 =	vadd.s32 s24, v18  }
0x89: {  	v38 =	vadd.s32 s0, v18;
	v42 =	vadd.s32 s26, v20;
	v24 =	vand.u32 $0x7F, v24  }
0x8a: {  	_ =	swait.ge [sflag:s15], $0x4000;
	v63 =	vadd.s32 s26, v22;
	v27 =	vand.u32 $0x7F, v27;
	v25 =	vshll.u32 v24, $0x7  }
0x8b: {  	p0 =	seq.s32 s23, $0x0;
	[sflag:s15] =	ssyncset.done $0x0;
	v28 =	vand.u32 $0x7F, v28;
	v30 =	vshll.u32 v27, $0x7;
	v25 =	vor.u32 v13, v25  }
0x8c: {  	s28 =	simm.s32 @!p0 $0x3;
	v29 =	vand.u32 $0x7F, v29;
	[sflag:s15] =	ssyncadd.s32 $0xFFFFC000;
	v31 =	vshll.u32 v28, $0x7;
	v30 =	vor.u32 v13, v30  }
0x8d: {  	v26 =	vand.u32 $0x7F, v26;
	v32 =	vshll.u32 v29, $0x7;
	_ =	swait.ge @!p0 [sflag:s28], $0x2000;
	v31 =	vor.u32 v13, v31  }
0x8e: {  	v34 =	vand.u32 $0x7F, v34;
	v36 =	vand.u32 $0x7F, v36;
	v32 =	vor.u32 v13, v32;
	[sflag:s28] =	ssyncset.done @!p0 $0x0  }
0x8f: {  	v38 =	vand.u32 $0x7F, v38;
	v35 =	vand.u32 $0x7F, v35;
	v57 =	vand.u32 $0x7F, v42;
	[sflag:s28] =	ssyncadd.s32 @!p0 $0xFFFFE000  }
0x90: {  	v45 =	vand.u32 $0x7F, v63;
	v24 =	vor.u32 v14, v24;
	v33 =	vshll.u32 v26, $0x7;
	v25 =	vld.idx.msk [tilespmem:v25+s12+$0x0], $0xffff  }
0x91: {  	v27 =	vor.u32 v14, v27;
	v37 =	vshll.u32 v34, $0x7;
	v33 =	vor.u32 v18, v33;
	v30 =	vld.idx.msk [tilespmem:v30+s12+$0x0], $0xffff  }
0x92: {  	v28 =	vor.u32 v14, v28;
	v39 =	vshll.u32 v36, $0x7;
	v37 =	vor.u32 v18, v37;
	v31 =	vld.idx.msk [tilespmem:v31+s12+$0x0], $0xffff  }
0x93: {  	v29 =	vor.u32 v14, v29;
	v40 =	vshll.u32 v38, $0x7;
	v39 =	vor.u32 v18, v39;
	v32 =	vld.idx.msk [tilespmem:v32+s12+$0x0], $0xffff  }
0x94: {  	v26 =	vor.u32 v19, v26;
	v34 =	vor.u32 v19, v34;
	v40 =	vor.u32 v18, v40  }
0x95: {  	v41 =	vshll.u32 v35, $0x7;
	v59 =	vor.u32 v19, v38;
	v43 =	vor.u32 v21, v35;
	[tilespmem:v24+s16+$0x0] =	vst.idx.msk $0xffff, v25  }
0x96: {  	v24 =	vor.u32 v20, v41;
	[tilespmem:v27+s16+$0x0] =	vst.idx.msk $0xffff, v30;
	v27 =	vadd.s32 s24, v20;
	v30 =	vshll.u32 v57, $0x7;
	v33 =	vld.idx.msk [tilespmem:v33+s12+$0x0], $0xffff  }
0x97: {  	[tilespmem:v28+s16+$0x0] =	vst.idx.msk $0xffff, v31;
	v28 =	vadd.s32 s0, v20;
	v27 =	vand.u32 $0x7F, v27;
	v31 =	vor.u32 v20, v30;
	v37 =	vld.idx.msk [tilespmem:v37+s12+$0x0], $0xffff  }
0x98: {  	[tilespmem:v29+s16+$0x0] =	vst.idx.msk $0xffff, v32;
	v29 =	vand.u32 $0x7F, v28;
	v28 =	vor.u32 v19, v36;
	v58 =	vld.idx.msk [tilespmem:v39+s12+$0x0], $0xffff;
	v30 =	vshll.u32 v27, $0x7  }
0x99: {  	v25 =	vadd.s32 s25, v22;
	v40 =	vld.idx.msk [tilespmem:v40+s12+$0x0], $0xffff;
	v60 =	vshll.u32 v29, $0x7;
	v61 =	vor.u32 v20, v30  }
0x9a: {  	s25 =	simm.s32 $0x4;
	v41 =	vor.u32 v21, v57;
	v62 =	vand.u32 $0x7F, v25;
	v38 =	vor.u32 v20, v60  }
0x9b: {  	v25 =	vshll.u32 v62, $0x7;
	v36 =	vor.u32 v21, v27;
	v30 =	vadd.s32 s25, v13;
	[tilespmem:v26+s16+$0x0] =	vst.idx.msk $0xffff, v33  }
0x9c: {  	v44 =	vor.u32 v22, v25;
	v25 =	vshll.u32 v45, $0x7;
	[tilespmem:v34+s16+$0x0] =	vst.idx.msk $0xffff, v37;
	v46 =	vld.idx.msk [tilespmem:v24+s12+$0x0], $0xffff;
	v24 =	vadd.s32 s24, v22  }
0x9d: {  	v30 =	vand.u32 $0x7F, v30;
	[tilespmem:v28+s16+$0x0] =	vst.idx.msk $0xffff, v58;
	v26 =	vadd.s32 s0, v22;
	v47 =	vld.idx.msk [tilespmem:v31+s12+$0x0], $0xffff;
	v24 =	vand.u32 $0x7F, v24  }
0x9e: {  	v28 =	vor.u32 v22, v25;
	[tilespmem:v59+s16+$0x0] =	vst.idx.msk $0xffff, v40;
	v25 =	vand.u32 $0x7F, v26;
	v35 =	vld.idx.msk [tilespmem:v61+s12+$0x0], $0xffff;
	v26 =	vshll.u32 v24, $0x7  }
0x9f: {  	v34 =	vor.u32 v21, v29;
	v27 =	vshll.u32 v25, $0x7;
	v33 =	vld.idx.msk [tilespmem:v38+s12+$0x0], $0xffff;
	v26 =	vor.u32 v22, v26  }
0xa0: {  	s29 =	simm.s32 $0x7;
	v39 =	vadd.s32 s25, v18;
	v29 =	vshll.u32 v30, $0x7;
	v27 =	vor.u32 v22, v27  }
0xa1: {  	s28 =	simm.s32 $0x6;
	v37 =	vor.u32 v13, v29;
	v29 =	vadd.s32 s29, v13;
	v31 =	vor.u32 v23, v62;
	[tilespmem:v43+s16+$0x0] =	vst.idx.msk $0xffff, v46  }
0xa2: {  	s30 =	simm.s32 $0x8;
	s26 =	simm.s32 $0x5;
	v40 =	vadd.s32 s28, v13;
	s24 =	sshll.u32 s23, $0x1;
	v38 =	vand.u32 $0x7F, v29;
	v29 =	vor.u32 v23, v45;
	[tilespmem:v41+s16+$0x0] =	vst.idx.msk $0xffff, v47;
	v32 =	vld.idx.msk [tilespmem:v44+s12+$0x0], $0xffff  }
.LBB2_3:
0xa3: {  	p1 =	slt.u32 s30, $0x7C;
	v41 =	vadd.s32 s26, v13;
	v40 =	vand.u32 $0x7F, v40;
	v42 =	vshll.u32 v38, $0x7;
	[tilespmem:v36+s16+$0x0] =	vst.idx.msk $0xffff, v35;
	v28 =	vld.idx.msk [tilespmem:v28+s12+$0x0], $0xffff  }
0xa4: {  	v35 =	vand.u32 $0x7F, v41;
	v36 =	vshll.u32 v40, $0x7;
	v41 =	vor.u32 v13, v42;
	[tilespmem:v34+s16+$0x0] =	vst.idx.msk $0xffff, v33;
	v26 =	vld.idx.msk [tilespmem:v26+s12+$0x0], $0xffff  }
0xa5: {  	v24 =	vor.u32 v23, v24;
	v33 =	vshll.u32 v35, $0x7;
	v34 =	vor.u32 v13, v36;
	v27 =	vld.idx.msk [tilespmem:v27+s12+$0x0], $0xffff  }
0xa6: {  	v25 =	vor.u32 v23, v25;
	v36 =	vand.u32 $0x7F, v39;
	v33 =	vor.u32 v13, v33  }
0xa7: {  	v30 =	vor.u32 v14, v30;
	v42 =	vadd.s32 s29, v18;
	v39 =	vshll.u32 v36, $0x7  }
0xa8: {  	v43 =	vadd.s32 s25, v20;
	v42 =	vand.u32 $0x7F, v42;
	v39 =	vor.u32 v18, v39;
	v37 =	vld.idx.msk [tilespmem:v37+s12+$0x0], $0xffff;
	[tilespmem:v31+s16+$0x0] =	vst.idx.msk $0xffff, v32  }
0xa9: {  	v38 =	vor.u32 v14, v38;
	v31 =	vadd.s32 s28, v18;
	v32 =	vld.idx.msk [tilespmem:v41+s12+$0x0], $0xffff;
	v41 =	vshll.u32 v42, $0x7;
	[tilespmem:v29+s16+$0x0] =	vst.idx.msk $0xffff, v28  }
0xaa: {  	v28 =	vadd.s32 s26, v18;
	v31 =	vand.u32 $0x7F, v31;
	v29 =	vld.idx.msk [tilespmem:v34+s12+$0x0], $0xffff;
	v34 =	vor.u32 v18, v41;
	[tilespmem:v24+s16+$0x0] =	vst.idx.msk $0xffff, v26  }
0xab: {  	v26 =	vand.u32 $0x7F, v28;
	v28 =	vor.u32 v14, v40;
	v24 =	vld.idx.msk [tilespmem:v33+s12+$0x0], $0xffff;
	v33 =	vshll.u32 v31, $0x7;
	[tilespmem:v25+s16+$0x0] =	vst.idx.msk $0xffff, v27  }
0xac: {  	v25 =	vor.u32 v14, v35;
	v27 =	vshll.u32 v26, $0x7;
	v33 =	vor.u32 v18, v33  }
0xad: {  	v35 =	vand.u32 $0x7F, v43;
	v27 =	vor.u32 v18, v27  }
0xae: {  	[tilespmem:v30+s16+$0x0] =	vst.idx.msk $0xffff, v37;
	v30 =	vor.u32 v19, v36;
	v36 =	vshll.u32 v35, $0x7;
	v37 =	vadd.s32 s29, v20  }
0xaf: {  	v40 =	vadd.s32 s25, v22;
	s25 =	smov.u32 s30;
	v39 =	vld.idx.msk [tilespmem:v39+s12+$0x0], $0xffff;
	v36 =	vor.u32 v20, v36;
	[tilespmem:v38+s16+$0x0] =	vst.idx.msk $0xffff, v32;
	v32 =	vand.u32 $0x7F, v37  }
0xb0: {  	[tilespmem:v28+s16+$0x0] =	vst.idx.msk $0xffff, v29;
	v28 =	vadd.s32 s28, v20;
	v29 =	vld.idx.msk [tilespmem:v34+s12+$0x0], $0xffff;
	v34 =	vor.u32 v19, v42;
	v37 =	vshll.u32 v32, $0x7  }
0xb1: {  	[tilespmem:v25+s16+$0x0] =	vst.idx.msk $0xffff, v24;
	v24 =	vadd.s32 s26, v20;
	v25 =	vld.idx.msk [tilespmem:v33+s12+$0x0], $0xffff;
	v38 =	vand.u32 $0x7F, v28;
	v28 =	vor.u32 v20, v37  }
0xb2: {  	v27 =	vld.idx.msk [tilespmem:v27+s12+$0x0], $0xffff;
	v37 =	vand.u32 $0x7F, v24;
	v24 =	vor.u32 v19, v31;
	v31 =	vshll.u32 v38, $0x7  }
0xb3: {  	v26 =	vor.u32 v19, v26;
	v33 =	vshll.u32 v37, $0x7;
	v31 =	vor.u32 v20, v31  }
0xb4: {  	v41 =	vadd.s32 s30, v13;
	v40 =	vand.u32 $0x7F, v40;
	v33 =	vor.u32 v20, v33  }
0xb5: {  	v42 =	vor.u32 v21, v35;
	v35 =	vshll.u32 v40, $0x7;
	[tilespmem:v30+s16+$0x0] =	vst.idx.msk $0xffff, v39;
	v39 =	vadd.s32 s29, v22  }
0xb6: {  	v43 =	vor.u32 v22, v35;
	v30 =	vand.u32 $0x7F, v41;
	v41 =	vld.idx.msk [tilespmem:v36+s12+$0x0], $0xffff;
	[tilespmem:v34+s16+$0x0] =	vst.idx.msk $0xffff, v29;
	v29 =	vand.u32 $0x7F, v39  }
0xb7: {  	v45 =	vor.u32 v21, v32;
	[tilespmem:v24+s16+$0x0] =	vst.idx.msk $0xffff, v25;
	v24 =	vadd.s32 s28, v22;
	v44 =	vld.idx.msk [tilespmem:v28+s12+$0x0], $0xffff;
	v25 =	vshll.u32 v29, $0x7  }
0xb8: {  	[tilespmem:v26+s16+$0x0] =	vst.idx.msk $0xffff, v27;
	v26 =	vadd.s32 s26, v22;
	v35 =	vld.idx.msk [tilespmem:v31+s12+$0x0], $0xffff;
	v24 =	vand.u32 $0x7F, v24;
	v28 =	vor.u32 v22, v25  }
.Ltmp0:
0xb9: {  	v36 =	vor.u32 v21, v38;
	v33 =	vld.idx.msk [tilespmem:v33+s12+$0x0], $0xffff;
	v25 =	vand.u32 $0x7F, v26;
	v26 =	vshll.u32 v24, $0x7;
	(pc) =	sbr.rel @p1 .LBB2_3-.Ltmp0, $4  }
0xba: {  	v34 =	vor.u32 v21, v37;
	v27 =	vshll.u32 v25, $0x7;
	v26 =	vor.u32 v22, v26  }
0xbb: {  	s29 =	sadd.s32 $0x3, s30;
	v39 =	vadd.s32 s30, v18;
	v31 =	vshll.u32 v30, $0x7;
	v27 =	vor.u32 v22, v27  }
0xbc: {  	v32 =	vadd.s32 s29, v13;
	s28 =	sadd.s32 $0x2, s30;
	v37 =	vor.u32 v13, v31;
	v31 =	vor.u32 v23, v40;
	[tilespmem:v42+s16+$0x0] =	vst.idx.msk $0xffff, v41  }
0xbd: {  	v38 =	vand.u32 $0x7F, v32;
	s30 =	sadd.s32 $0x4, s30;
	v29 =	vor.u32 v23, v29;
	s26 =	sadd.s32 $0x1, s25;
	v40 =	vadd.s32 s28, v13;
	v32 =	vld.idx.msk [tilespmem:v43+s12+$0x0], $0xffff;
	[tilespmem:v45+s16+$0x0] =	vst.idx.msk $0xffff, v44  }
0xbe: {  	v41 =	vadd.s32 s26, v13;
	v40 =	vand.u32 $0x7F, v40  }
0xbf: {  	v42 =	vshll.u32 v38, $0x7;
	v39 =	vand.u32 $0x7F, v39;
	v30 =	vor.u32 v14, v30  }
0xc0: {  	v46 =	vadd.s32 s29, v18;
	v47 =	vadd.s32 s25, v20;
	v48 =	vadd.s32 s28, v18  }
0xc1: {  	v41 =	vand.u32 $0x7F, v41;
	v43 =	vshll.u32 v40, $0x7;
	v42 =	vor.u32 v13, v42  }
0xc2: {  	v55 =	vor.u32 v14, v38;
	v44 =	vshll.u32 v41, $0x7;
	v43 =	vor.u32 v13, v43  }
0xc3: {  	v50 =	vadd.s32 s26, v18;
	v62 =	vadd.s32 s29, v20;
	v44 =	vor.u32 v13, v44  }
0xc4: {  	v38 =	vadd.s32 s25, v22;
	v63 =	vadd.s32 s28, v20;
	v53 =	vadd.s32 s26, v20  }
0xc5: {  	v37 =	vld.idx.msk [tilespmem:v37+s12+$0x0], $0xffff;
	v45 =	vshll.u32 v39, $0x7;
	v46 =	vand.u32 $0x7F, v46;
	v48 =	vand.u32 $0x7F, v48  }
0xc6: {  	[tilespmem:v36+s16+$0x0] =	vst.idx.msk $0xffff, v35;
	v50 =	vand.u32 $0x7F, v50;
	v45 =	vor.u32 v18, v45;
	v49 =	vshll.u32 v46, $0x7;
	v42 =	vld.idx.msk [tilespmem:v42+s12+$0x0], $0xffff  }
0xc7: {  	v40 =	vor.u32 v14, v40;
	v51 =	vshll.u32 v48, $0x7;
	v49 =	vor.u32 v18, v49;
	v43 =	vld.idx.msk [tilespmem:v43+s12+$0x0], $0xffff  }
0xc8: {  	v57 =	vor.u32 v14, v41;
	v58 =	vshll.u32 v50, $0x7;
	v59 =	vor.u32 v18, v51;
	v56 =	vld.idx.msk [tilespmem:v44+s12+$0x0], $0xffff  }
0xc9: {  	[tilespmem:v34+s16+$0x0] =	vst.idx.msk $0xffff, v33;
	v36 =	vand.u32 $0x7F, v63;
	v38 =	vand.u32 $0x7F, v38;
	v60 =	vor.u32 v18, v58  }
0xca: {  	v28 =	vld.idx.msk [tilespmem:v28+s12+$0x0], $0xffff;
	v51 =	vor.u32 v19, v46;
	[tilespmem:v30+s16+$0x0] =	vst.idx.msk $0xffff, v37;
	v37 =	vand.u32 $0x7F, v62;
	v44 =	vand.u32 $0x7F, v47  }
0xcb: {  	v30 =	vor.u32 v19, v39;
	v52 =	vshll.u32 v37, $0x7;
	v41 =	vld.idx.msk [tilespmem:v45+s12+$0x0], $0xffff;
	v61 =	vshll.u32 v44, $0x7;
	[tilespmem:v55+s16+$0x0] =	vst.idx.msk $0xffff, v42  }
0xcc: {  	v39 =	vor.u32 v20, v61;
	v55 =	vor.u32 v20, v52;
	[tilespmem:v40+s16+$0x0] =	vst.idx.msk $0xffff, v43;
	v54 =	vld.idx.msk [tilespmem:v49+s12+$0x0], $0xffff  }
0xcd: {  	v58 =	vshll.u32 v36, $0x7;
	[tilespmem:v57+s16+$0x0] =	vst.idx.msk $0xffff, v56;
	v56 =	vand.u32 $0x7F, v53;
	v33 =	vld.idx.msk [tilespmem:v59+s12+$0x0], $0xffff;
	v57 =	vor.u32 v19, v48  }
0xce: {  	v62 =	vor.u32 v20, v58;
	v59 =	vor.u32 v19, v50;
	v60 =	vld.idx.msk [tilespmem:v60+s12+$0x0], $0xffff;
	v61 =	vshll.u32 v56, $0x7  }
0xcf: {  	v63 =	vshll.u32 v38, $0x7;
	v36 =	vor.u32 v21, v36;
	[tilespmem:v31+s16+$0x0] =	vst.idx.msk $0xffff, v32;
	v32 =	vor.u32 v20, v61  }
0xd0: {  	v37 =	vor.u32 v21, v37;
	v44 =	vor.u32 v21, v44;
	[tilespmem:v30+s16+$0x0] =	vst.idx.msk $0xffff, v41;
	v48 =	vadd.s32 s29, v22  }
0xd1: {  	v52 =	vadd.s32 s26, v22;
	v49 =	vadd.s32 s28, v22;
	v41 =	vand.u32 $0x7F, v48;
	v39 =	vld.idx.msk [tilespmem:v39+s12+$0x0], $0xffff;
	[tilespmem:v51+s16+$0x0] =	vst.idx.msk $0xffff, v54  }
0xd2: {  	v30 =	vor.u32 v22, v63;
	v35 =	vand.u32 $0x7F, v49;
	v50 =	vshll.u32 v41, $0x7;
	[tilespmem:v57+s16+$0x0] =	vst.idx.msk $0xffff, v33;
	v51 =	vld.idx.msk [tilespmem:v55+s12+$0x0], $0xffff  }
0xd3: {  	v40 =	vor.u32 v22, v50;
	v54 =	vand.u32 $0x7F, v52;
	v55 =	vshll.u32 v35, $0x7;
	[tilespmem:v59+s16+$0x0] =	vst.idx.msk $0xffff, v60;
	v53 =	vld.idx.msk [tilespmem:v62+s12+$0x0], $0xffff  }
0xd4: {  	v43 =	vor.u32 v21, v56;
	v56 =	vshll.u32 v54, $0x7;
	v42 =	vor.u32 v22, v55;
	v32 =	vld.idx.msk [tilespmem:v32+s12+$0x0], $0xffff  }
0xd5: {  	v24 =	vor.u32 v23, v24;
	v26 =	vld.idx.msk [tilespmem:v26+s12+$0x0], $0xffff;
	[tilespmem:v29+s16+$0x0] =	vst.idx.msk $0xffff, v28;
	v57 =	vor.u32 v22, v56  }
0xd6: {  	v25 =	vor.u32 v23, v25;
	v27 =	vld.idx.msk [tilespmem:v27+s12+$0x0], $0xffff;
	[tilespmem:v44+s16+$0x0] =	vst.idx.msk $0xffff, v39  }
0xd7: {  	v58 =	vor.u32 v23, v38;
	v30 =	vld.idx.msk [tilespmem:v30+s12+$0x0], $0xffff;
	[tilespmem:v37+s16+$0x0] =	vst.idx.msk $0xffff, v51  }
0xd8: {  	v59 =	vor.u32 v23, v41;
	[tilespmem:v36+s16+$0x0] =	vst.idx.msk $0xffff, v53;
	v60 =	vld.idx.msk [tilespmem:v40+s12+$0x0], $0xffff  }
0xd9: {  	v35 =	vor.u32 v23, v35;
	[tilespmem:v43+s16+$0x0] =	vst.idx.msk $0xffff, v32;
	v61 =	vld.idx.msk [tilespmem:v42+s12+$0x0], $0xffff  }
0xda: {  	[tilespmem:v24+s16+$0x0] =	vst.idx.msk $0xffff, v26;
	v63 =	vor.u32 v23, v54;
	v62 =	vld.idx.msk [tilespmem:v57+s12+$0x0], $0xffff  }
0xdb: {  	p1 =	sne.s32 s23, $0x63;
	[tilespmem:v25+s16+$0x0] =	vst.idx.msk $0xffff, v27  }
.Ltmp1:
0xdc: {  	[tilespmem:v58+s16+$0x0] =	vst.idx.msk $0xffff, v30;
	(pc) =	sbr.rel @p1 .LBB2_6-.Ltmp1, $4  }
0xdd: {  	s0 =	sshll.u32 s23, $0x10;
	[tilespmem:v59+s16+$0x0] =	vst.idx.msk $0xffff, v60  }
0xde: {  	s25 =	sor.u32 s4, s0;
	[tilespmem:v35+s16+$0x0] =	vst.idx.msk $0xffff, v61  }
0xdf: {  	s0 =	sadd.s32 s1, s25;
	[tilespmem:v63+s16+$0x0] =	vst.idx.msk $0xffff, v62  }
0xe0: {  	[hbm4b:s0+s17] =	stream.strided.scatter [tilespmem:s16], [sflag:$0x3], $0x2000, s11, s17, $0x38;
	[tilespmem:$0x14100] =	vst v63  }
.Ltmp2:
0xe1: {  	(pc) =	sbr.rel .LBB2_7-.Ltmp2, $4  }
0xe2: {  	_ = 	snop  }
0xe3: {  	_ =	swait.ge [sflag:s18], $0x4000  }
0xe4: {  	[sflag:s18] =	ssyncset.done $0x0  }
0xe5: {  	[sflag:s18] =	ssyncadd.s32 $0xFFFFC000  }
.LBB2_6:
0xe6: {  	s0 =	sadd.s32 $0x2, s24  }
0xe7: {  	v24 =	vmov s0  }
0xe8: {  	v25 =	vshll.u32 v24, $0x3  }
0xe9: {  	v24 =	vand.u32 $0x7E, v24;
	v25 =	vand.u32 $0xC00, v25  }
0xea: {  	v24 =	vor.u32 v24, v25  }
0xeb: {  	v25 =	vadd.s32 v0, v24;
	_ =	sdelay $0x4  }
0xec: {  	v25 =	vld.idx.msk [tilespmem:v25+s3+$0x0], $0xffff  }
0xed: {  	v26 =	vadd.s32 v1, v24;
	_ =	sdelay $0x3  }
0xee: {  	[tilespmem:$0x8000] =	vst v25  }
0xef: {  	v25 =	vld.idx.msk [tilespmem:v26+s3+$0x0], $0xffff  }
0xf0: {  	v59 =	vadd.s32 v2, v24;
	_ =	sdelay $0x3  }
0xf1: {  	[tilespmem:$0x8010] =	vst v25  }
0xf2: {  	v25 =	vld.idx.msk [tilespmem:v59+s3+$0x0], $0xffff  }
0xf3: {  	v60 =	vadd.s32 v3, v24;
	_ =	sdelay $0x3  }
0xf4: {  	[tilespmem:$0x8020] =	vst v25  }
0xf5: {  	v25 =	vld.idx.msk [tilespmem:v60+s3+$0x0], $0xffff  }
0xf6: {  	v61 =	vadd.s32 v4, v24;
	_ =	sdelay $0x3  }
0xf7: {  	[tilespmem:$0x8030] =	vst v25  }
0xf8: {  	v25 =	vld.idx.msk [tilespmem:v61+s3+$0x0], $0xffff  }
0xf9: {  	v62 =	vadd.s32 v5, v24;
	_ =	sdelay $0x3  }
0xfa: {  	[tilespmem:$0x8040] =	vst v25  }
0xfb: {  	v25 =	vld.idx.msk [tilespmem:v62+s3+$0x0], $0xffff  }
0xfc: {  	v63 =	vadd.s32 v6, v24;
	_ =	sdelay $0x3  }
0xfd: {  	[tilespmem:$0x8050] =	vst v25  }
0xfe: {  	v25 =	vld.idx.msk [tilespmem:v63+s3+$0x0], $0xffff  }
0xff: {  	v24 =	vadd.s32 v7, v24;
	_ =	sdelay $0x3  }
0x100: {  	[tilespmem:$0x8060] =	vst v25  }
0x101: {  	v24 =	vld.idx.msk [tilespmem:v24+s3+$0x0], $0xffff;
	_ =	sdelay $0x4  }
.Ltmp3:
0x102: {  	[tilespmem:$0x8070] =	vst v24;
	(pc) =	sbr.rel @p0 .LBB2_8-.Ltmp3, $4  }
0x103: {  	[tilespmem:s12], [sflag:$0x1] =	stream.indirect.gather [hbm4b:s5+s10], $0x80, s11, s10, $0xb8;
	[tilespmem:$0x14100] =	vst v63  }
0x104: {  	_ =	swait.ge [sflag:s18], $0x4000  }
0x105: {  	[sflag:s18] =	ssyncset.done $0x0  }
0x106: {  	[sflag:s18] =	ssyncadd.s32 $0xFFFFC000  }
.LBB2_7:
0x107: {  	_ =	swait.ge [sflag:s19], $0x2000  }
0x108: {  	[sflag:s19] =	ssyncset.done $0x0  }
0x109: {  	[sflag:s19] =	ssyncadd.s32 $0xFFFFE000  }
.LBB2_8:
0x10a: {  	s28 =	simm.s32 $0x0  }
0x10b: {  	s29 =	simm.s32 $0x3;
	s26 =	simm.s32 $0x2;
	s0 =	simm.s32 $0x1;
	v24 =	vadd.s32 s28, v13;
	v26 =	vadd.s32 s28, v18  }
0x10c: {  	v27 =	vadd.s32 s29, v13;
	v28 =	vadd.s32 s26, v13;
	v29 =	vadd.s32 s0, v13  }
0x10d: {  	v34 =	vadd.s32 s29, v18;
	v35 =	vadd.s32 s28, v20;
	v36 =	vadd.s32 s26, v18  }
0x10e: {  	v38 =	vadd.s32 s0, v18;
	v42 =	vadd.s32 s29, v20;
	v24 =	vand.u32 $0x7F, v24  }
0x10f: {  	v44 =	vadd.s32 s29, v22;
	v27 =	vand.u32 $0x7F, v27;
	v25 =	vshll.u32 v24, $0x7  }
0x110: {  	v28 =	vand.u32 $0x7F, v28;
	v30 =	vshll.u32 v27, $0x7;
	v25 =	vor.u32 v13, v25  }
0x111: {  	v29 =	vand.u32 $0x7F, v29;
	v31 =	vshll.u32 v28, $0x7;
	v30 =	vor.u32 v13, v30  }
0x112: {  	v26 =	vand.u32 $0x7F, v26;
	v32 =	vshll.u32 v29, $0x7;
	v31 =	vor.u32 v13, v31  }
0x113: {  	v34 =	vand.u32 $0x7F, v34;
	v36 =	vand.u32 $0x7F, v36;
	v32 =	vor.u32 v13, v32  }
0x114: {  	v38 =	vand.u32 $0x7F, v38;
	v35 =	vand.u32 $0x7F, v35;
	v55 =	vand.u32 $0x7F, v42  }
0x115: {  	v24 =	vor.u32 v14, v24;
	v33 =	vshll.u32 v26, $0x7;
	v27 =	vor.u32 v14, v27;
	v25 =	vld.idx.msk [tilespmem:v25+s14+$0x0], $0xffff  }
0x116: {  	v37 =	vshll.u32 v34, $0x7;
	v28 =	vor.u32 v14, v28;
	v33 =	vor.u32 v18, v33;
	v30 =	vld.idx.msk [tilespmem:v30+s14+$0x0], $0xffff  }
0x117: {  	v39 =	vshll.u32 v36, $0x7;
	v29 =	vor.u32 v14, v29;
	v37 =	vor.u32 v18, v37;
	v31 =	vld.idx.msk [tilespmem:v31+s14+$0x0], $0xffff  }
0x118: {  	v40 =	vshll.u32 v38, $0x7;
	v26 =	vor.u32 v19, v26;
	v39 =	vor.u32 v18, v39;
	v32 =	vld.idx.msk [tilespmem:v32+s14+$0x0], $0xffff  }
0x119: {  	v41 =	vshll.u32 v35, $0x7;
	v38 =	vor.u32 v19, v38;
	v40 =	vor.u32 v18, v40  }
0x11a: {  	v44 =	vand.u32 $0x7F, v44;
	v35 =	vor.u32 v21, v35;
	[tilespmem:v24+s20+$0x0] =	vst.idx.msk $0xffff, v25;
	v24 =	vor.u32 v20, v41  }
0x11b: {  	v56 =	vshll.u32 v55, $0x7;
	[tilespmem:v27+s20+$0x0] =	vst.idx.msk $0xffff, v30;
	v27 =	vadd.s32 s26, v20;
	v30 =	vor.u32 v19, v34;
	v33 =	vld.idx.msk [tilespmem:v33+s14+$0x0], $0xffff  }
0x11c: {  	[tilespmem:v28+s20+$0x0] =	vst.idx.msk $0xffff, v31;
	v28 =	vadd.s32 s0, v20;
	v31 =	vor.u32 v20, v56;
	v27 =	vand.u32 $0x7F, v27;
	v57 =	vld.idx.msk [tilespmem:v37+s14+$0x0], $0xffff  }
0x11d: {  	[tilespmem:v29+s20+$0x0] =	vst.idx.msk $0xffff, v32;
	v29 =	vand.u32 $0x7F, v28;
	v28 =	vor.u32 v19, v36;
	v59 =	vld.idx.msk [tilespmem:v39+s14+$0x0], $0xffff;
	v58 =	vshll.u32 v27, $0x7  }
0x11e: {  	v25 =	vadd.s32 s28, v22;
	s28 =	simm.s32 $0x4;
	v61 =	vld.idx.msk [tilespmem:v40+s14+$0x0], $0xffff;
	v60 =	vshll.u32 v29, $0x7;
	v32 =	vor.u32 v20, v58  }
0x11f: {  	v62 =	vadd.s32 s28, v13;
	v63 =	vand.u32 $0x7F, v25;
	v25 =	vor.u32 v20, v60  }
0x120: {  	v41 =	vor.u32 v21, v55;
	v43 =	vshll.u32 v63, $0x7;
	v36 =	vand.u32 $0x7F, v62;
	[tilespmem:v26+s20+$0x0] =	vst.idx.msk $0xffff, v33  }
0x121: {  	v43 =	vor.u32 v22, v43;
	[tilespmem:v30+s20+$0x0] =	vst.idx.msk $0xffff, v57;
	v30 =	vshll.u32 v44, $0x7;
	v26 =	vld.idx.msk [tilespmem:v24+s14+$0x0], $0xffff;
	v24 =	vadd.s32 s26, v22  }
0x122: {  	[tilespmem:v28+s20+$0x0] =	vst.idx.msk $0xffff, v59;
	v33 =	vor.u32 v21, v27;
	v45 =	vld.idx.msk [tilespmem:v31+s14+$0x0], $0xffff;
	v31 =	vadd.s32 s0, v22;
	v34 =	vand.u32 $0x7F, v24  }
0x123: {  	[tilespmem:v38+s20+$0x0] =	vst.idx.msk $0xffff, v61;
	v28 =	vor.u32 v22, v30;
	v38 =	vand.u32 $0x7F, v31;
	v32 =	vld.idx.msk [tilespmem:v32+s14+$0x0], $0xffff;
	v24 =	vshll.u32 v34, $0x7  }
0x124: {  	s31 =	simm.s32 $0x7;
	v31 =	vor.u32 v21, v29;
	v30 =	vld.idx.msk [tilespmem:v25+s14+$0x0], $0xffff;
	v27 =	vshll.u32 v38, $0x7;
	v24 =	vor.u32 v22, v24  }
0x125: {  	v29 =	vshll.u32 v36, $0x7;
	v25 =	vor.u32 v22, v27;
	v27 =	vadd.s32 s31, v13  }
0x126: {  	s30 =	simm.s32 $0x6;
	v37 =	vor.u32 v13, v29;
	v39 =	vand.u32 $0x7F, v27;
	v27 =	vor.u32 v23, v44;
	[tilespmem:v35+s20+$0x0] =	vst.idx.msk $0xffff, v26  }
0x127: {  	s29 =	simm.s32 $0x5;
	v40 =	vadd.s32 s28, v18;
	s26 =	sadd.s32 $0x1, s23;
	s0 =	simm.s32 $0x8;
	v26 =	vor.u32 v23, v63;
	v35 =	vadd.s32 s30, v13;
	[tilespmem:v41+s20+$0x0] =	vst.idx.msk $0xffff, v45;
	v29 =	vld.idx.msk [tilespmem:v43+s14+$0x0], $0xffff  }
.LBB2_9:
0x128: {  	p0 =	slt.u32 s0, $0x7C;
	v41 =	vadd.s32 s29, v13;
	v35 =	vand.u32 $0x7F, v35;
	v42 =	vshll.u32 v39, $0x7;
	[tilespmem:v33+s20+$0x0] =	vst.idx.msk $0xffff, v32;
	v28 =	vld.idx.msk [tilespmem:v28+s14+$0x0], $0xffff  }
0x129: {  	v32 =	vand.u32 $0x7F, v41;
	v33 =	vshll.u32 v35, $0x7;
	v41 =	vor.u32 v13, v42;
	[tilespmem:v31+s20+$0x0] =	vst.idx.msk $0xffff, v30;
	v24 =	vld.idx.msk [tilespmem:v24+s14+$0x0], $0xffff  }
0x12a: {  	v30 =	vshll.u32 v32, $0x7;
	v31 =	vor.u32 v13, v33;
	v25 =	vld.idx.msk [tilespmem:v25+s14+$0x0], $0xffff;
	v33 =	vor.u32 v23, v34  }
0x12b: {  	v38 =	vor.u32 v23, v38;
	v34 =	vand.u32 $0x7F, v40;
	v30 =	vor.u32 v13, v30  }
0x12c: {  	v36 =	vor.u32 v14, v36;
	v42 =	vadd.s32 s31, v18;
	v40 =	vshll.u32 v34, $0x7  }
0x12d: {  	v43 =	vadd.s32 s28, v20;
	v42 =	vand.u32 $0x7F, v42;
	v40 =	vor.u32 v18, v40;
	v37 =	vld.idx.msk [tilespmem:v37+s14+$0x0], $0xffff;
	[tilespmem:v26+s20+$0x0] =	vst.idx.msk $0xffff, v29  }
0x12e: {  	v39 =	vor.u32 v14, v39;
	v26 =	vadd.s32 s30, v18;
	v29 =	vld.idx.msk [tilespmem:v41+s14+$0x0], $0xffff;
	v41 =	vshll.u32 v42, $0x7;
	[tilespmem:v27+s20+$0x0] =	vst.idx.msk $0xffff, v28  }
0x12f: {  	v27 =	vadd.s32 s29, v18;
	v26 =	vand.u32 $0x7F, v26;
	v28 =	vld.idx.msk [tilespmem:v31+s14+$0x0], $0xffff;
	v31 =	vor.u32 v18, v41;
	[tilespmem:v33+s20+$0x0] =	vst.idx.msk $0xffff, v24  }
0x130: {  	v27 =	vand.u32 $0x7F, v27;
	v33 =	vshll.u32 v26, $0x7;
	v24 =	vld.idx.msk [tilespmem:v30+s14+$0x0], $0xffff;
	v30 =	vor.u32 v14, v35;
	[tilespmem:v38+s20+$0x0] =	vst.idx.msk $0xffff, v25  }
0x131: {  	v25 =	vor.u32 v14, v32;
	v32 =	vshll.u32 v27, $0x7;
	v33 =	vor.u32 v18, v33  }
0x132: {  	v35 =	vand.u32 $0x7F, v43;
	v32 =	vor.u32 v18, v32  }
0x133: {  	v34 =	vor.u32 v19, v34;
	[tilespmem:v36+s20+$0x0] =	vst.idx.msk $0xffff, v37;
	v36 =	vshll.u32 v35, $0x7;
	v37 =	vadd.s32 s31, v20  }
0x134: {  	v38 =	vld.idx.msk [tilespmem:v40+s14+$0x0], $0xffff;
	v40 =	vor.u32 v20, v36;
	v36 =	vadd.s32 s28, v22;
	[tilespmem:v39+s20+$0x0] =	vst.idx.msk $0xffff, v29;
	v29 =	vand.u32 $0x7F, v37;
	s28 =	smov.u32 s0  }
0x135: {  	[tilespmem:v30+s20+$0x0] =	vst.idx.msk $0xffff, v28;
	v28 =	vadd.s32 s30, v20;
	v30 =	vld.idx.msk [tilespmem:v31+s14+$0x0], $0xffff;
	v31 =	vor.u32 v19, v42;
	v37 =	vshll.u32 v29, $0x7  }
0x136: {  	[tilespmem:v25+s20+$0x0] =	vst.idx.msk $0xffff, v24;
	v24 =	vadd.s32 s29, v20;
	v25 =	vld.idx.msk [tilespmem:v33+s14+$0x0], $0xffff;
	v33 =	vand.u32 $0x7F, v28;
	v28 =	vor.u32 v20, v37  }
0x137: {  	v26 =	vor.u32 v19, v26;
	v32 =	vld.idx.msk [tilespmem:v32+s14+$0x0], $0xffff;
	v24 =	vand.u32 $0x7F, v24;
	v37 =	vshll.u32 v33, $0x7  }
0x138: {  	v27 =	vor.u32 v19, v27;
	v39 =	vshll.u32 v24, $0x7;
	v37 =	vor.u32 v20, v37  }
0x139: {  	v41 =	vadd.s32 s0, v13;
	v42 =	vand.u32 $0x7F, v36;
	v39 =	vor.u32 v20, v39  }
0x13a: {  	v35 =	vor.u32 v21, v35;
	[tilespmem:v34+s20+$0x0] =	vst.idx.msk $0xffff, v38;
	v34 =	vshll.u32 v42, $0x7;
	v38 =	vadd.s32 s31, v22  }
0x13b: {  	v36 =	vand.u32 $0x7F, v41;
	v41 =	vld.idx.msk [tilespmem:v40+s14+$0x0], $0xffff;
	v43 =	vor.u32 v22, v34;
	[tilespmem:v31+s20+$0x0] =	vst.idx.msk $0xffff, v30;
	v44 =	vand.u32 $0x7F, v38  }
0x13c: {  	v46 =	vor.u32 v21, v29;
	[tilespmem:v26+s20+$0x0] =	vst.idx.msk $0xffff, v25;
	v25 =	vadd.s32 s30, v22;
	v45 =	vld.idx.msk [tilespmem:v28+s14+$0x0], $0xffff;
	v26 =	vshll.u32 v44, $0x7  }
0x13d: {  	[tilespmem:v27+s20+$0x0] =	vst.idx.msk $0xffff, v32;
	v27 =	vadd.s32 s29, v22;
	v32 =	vld.idx.msk [tilespmem:v37+s14+$0x0], $0xffff;
	v34 =	vand.u32 $0x7F, v25;
	v28 =	vor.u32 v22, v26  }
.Ltmp4:
0x13e: {  	v33 =	vor.u32 v21, v33;
	v30 =	vld.idx.msk [tilespmem:v39+s14+$0x0], $0xffff;
	v38 =	vand.u32 $0x7F, v27;
	v25 =	vshll.u32 v34, $0x7;
	(pc) =	sbr.rel @p0 .LBB2_9-.Ltmp4, $4  }
0x13f: {  	v31 =	vor.u32 v21, v24;
	v26 =	vshll.u32 v38, $0x7;
	v24 =	vor.u32 v22, v25  }
0x140: {  	s31 =	sadd.s32 $0x3, s0;
	v40 =	vadd.s32 s0, v18;
	v27 =	vshll.u32 v36, $0x7;
	v25 =	vor.u32 v22, v26  }
0x141: {  	s30 =	sadd.s32 $0x2, s0;
	v37 =	vor.u32 v13, v27;
	v27 =	vadd.s32 s31, v13;
	v26 =	vor.u32 v23, v42;
	[tilespmem:v35+s20+$0x0] =	vst.idx.msk $0xffff, v41  }
0x142: {  	s0 =	sadd.s32 $0x4, s0;
	s29 =	sadd.s32 $0x1, s28;
	v39 =	vand.u32 $0x7F, v27;
	v27 =	vor.u32 v23, v44;
	v35 =	vadd.s32 s30, v13;
	v29 =	vld.idx.msk [tilespmem:v43+s14+$0x0], $0xffff;
	[tilespmem:v46+s20+$0x0] =	vst.idx.msk $0xffff, v45  }
0x143: {  	v41 =	vadd.s32 s29, v13  }
0x144: {  	v42 =	vand.u32 $0x7F, v35;
	v53 =	vshll.u32 v39, $0x7;
	v35 =	vor.u32 v23, v34  }
0x145: {  	v40 =	vand.u32 $0x7F, v40;
	v34 =	vor.u32 v23, v38;
	v36 =	vor.u32 v14, v36  }
0x146: {  	v46 =	vadd.s32 s31, v18;
	v47 =	vadd.s32 s28, v20;
	v48 =	vadd.s32 s30, v18  }
0x147: {  	v39 =	vor.u32 v14, v39;
	v50 =	vadd.s32 s29, v18;
	v55 =	vadd.s32 s28, v22  }
0x148: {  	v56 =	vadd.s32 s30, v20;
	v58 =	vadd.s32 s29, v20;
	v62 =	vadd.s32 s31, v22  }
0x149: {  	v63 =	vadd.s32 s30, v22;
	v9 =	vadd.s32 s29, v22;
	v41 =	vand.u32 $0x7F, v41  }
0x14a: {  	v43 =	vshll.u32 v42, $0x7;
	v44 =	vor.u32 v13, v53;
	v54 =	vshll.u32 v40, $0x7  }
0x14b: {  	v46 =	vand.u32 $0x7F, v46;
	v48 =	vand.u32 $0x7F, v48;
	v50 =	vand.u32 $0x7F, v50  }
0x14c: {  	v42 =	vor.u32 v14, v42;
	v47 =	vand.u32 $0x7F, v47;
	v40 =	vor.u32 v19, v40  }
0x14d: {  	v56 =	vand.u32 $0x7F, v56;
	v58 =	vand.u32 $0x7F, v58;
	v55 =	vand.u32 $0x7F, v55  }
0x14e: {  	p0 =	seq.s32 s23, $0x63;
	v62 =	vand.u32 $0x7F, v62;
	v63 =	vand.u32 $0x7F, v63;
	v9 =	vand.u32 $0x7F, v9  }
0x14f: {  	vm1 =	vcmask @!p0 $0x300;
	vm0 =	vcmask @!p0 $0x704;
	vm2 =	vcmask @!p0 $0xB08  }
0x150: {  	vm3 =	vcmask @!p0 $0xF0C;
	vm4 =	vcmask @!p0 $0x1310;
	vm5 =	vcmask @!p0 $0x1714  }
0x151: {  	vm6 =	vcmask @!p0 $0x1B18;
	vm7 =	vcmask @!p0 $0x1F1C;
	vm8 =	vcmask @!p0 $0x2320  }
0x152: {  	vm9 =	vcmask @!p0 $0x2724;
	v45 =	vshll.u32 v41, $0x7;
	v43 =	vor.u32 v13, v43  }
0x153: {  	vm10 =	vcmask @!p0 $0x2B28;
	vm11 =	vcmask @!p0 $0x2F2C;
	v45 =	vor.u32 v13, v45  }
0x154: {  	vm12 =	vcmask @!p0 $0x3330;
	vm13 =	vcmask @!p0 $0x3734;
	vm14 =	vcmask @!p0 $0x3B38  }
0x155: {  	v37 =	vld.idx.msk [tilespmem:v37+s14+$0x0], $0xffff;
	v38 =	vor.u32 v18, v54;
	v49 =	vshll.u32 v46, $0x7;
	v51 =	vshll.u32 v48, $0x7  }
0x156: {  	v41 =	vor.u32 v14, v41;
	v52 =	vshll.u32 v50, $0x7;
	v53 =	vshll.u32 v47, $0x7;
	v44 =	vld.idx.msk [tilespmem:v44+s14+$0x0], $0xffff  }
0x157: {  	v54 =	vadd.s32 s31, v20;
	v46 =	vor.u32 v19, v46;
	v49 =	vor.u32 v18, v49;
	v43 =	vld.idx.msk [tilespmem:v43+s14+$0x0], $0xffff  }
0x158: {  	v48 =	vor.u32 v19, v48;
	v59 =	vshll.u32 v56, $0x7;
	v51 =	vor.u32 v18, v51;
	v45 =	vld.idx.msk [tilespmem:v45+s14+$0x0], $0xffff  }
0x159: {  	[tilespmem:v33+s20+$0x0] =	vst.idx.msk $0xffff, v32;
	v50 =	vor.u32 v19, v50;
	v60 =	vshll.u32 v58, $0x7;
	v52 =	vor.u32 v18, v52  }
0x15a: {  	v47 =	vor.u32 v21, v47;
	v61 =	vshll.u32 v55, $0x7;
	v58 =	vor.u32 v21, v58;
	[tilespmem:v36+s20+$0x0] =	vst.idx.msk $0xffff, v37  }
0x15b: {  	v53 =	vor.u32 v20, v53;
	v54 =	vand.u32 $0x7F, v54;
	v38 =	vld.idx.msk [tilespmem:v38+s14+$0x0], $0xffff;
	[tilespmem:v39+s20+$0x0] =	vst.idx.msk $0xffff, v44;
	v44 =	vimm.s32 @!p0 $0xB80  }
0x15c: {  	v57 =	vshll.u32 v54, $0x7;
	v39 =	vor.u32 v23, v55;
	[tilespmem:v42+s20+$0x0] =	vst.idx.msk $0xffff, v43;
	v55 =	vld.idx.msk [tilespmem:v49+s14+$0x0], $0xffff;
	v44 =	vsel @!p0 vm1, $0x0, v44  }
0x15d: {  	s0 =	sadd.s32 @!p0 $0x3, s24;
	v8 =	vshll.u32 v62, $0x7;
	v57 =	vor.u32 v20, v57;
	[tilespmem:v41+s20+$0x0] =	vst.idx.msk $0xffff, v45;
	v49 =	vld.idx.msk [tilespmem:v51+s14+$0x0], $0xffff;
	v44 =	vsel @!p0 vm0, $0x80, v44  }
0x15e: {  	[tilespmem:v31+s20+$0x0] =	vst.idx.msk $0xffff, v30;
	v30 =	vmov @!p0 s0;
	v59 =	vor.u32 v20, v59;
	v52 =	vld.idx.msk [tilespmem:v52+s14+$0x0], $0xffff;
	v33 =	vsel @!p0 vm2, $0x100, v44  }
0x15f: {  	v28 =	vld.idx.msk [tilespmem:v28+s14+$0x0], $0xffff;
	v60 =	vor.u32 v20, v60;
	v61 =	vor.u32 v22, v61;
	v31 =	vsel @!p0 vm3, $0x180, v33  }
0x160: {  	v8 =	vor.u32 v22, v8;
	v54 =	vor.u32 v21, v54;
	[tilespmem:v40+s20+$0x0] =	vst.idx.msk $0xffff, v38;
	v31 =	vsel @!p0 vm4, $0x200, v31  }
0x161: {  	v36 =	vor.u32 v21, v56;
	v37 =	vshll.u32 v63, $0x7;
	v38 =	vld.idx.msk [tilespmem:v53+s14+$0x0], $0xffff;
	[tilespmem:v46+s20+$0x0] =	vst.idx.msk $0xffff, v55;
	v31 =	vsel @!p0 vm5, $0x280, v31  }
0x162: {  	v56 =	vshll.u32 v9, $0x7;
	v9 =	vor.u32 v23, v9;
	[tilespmem:v48+s20+$0x0] =	vst.idx.msk $0xffff, v49;
	v55 =	vld.idx.msk [tilespmem:v57+s14+$0x0], $0xffff;
	v31 =	vsel @!p0 vm6, $0x300, v31  }
0x163: {  	v37 =	vor.u32 v22, v37;
	v41 =	vimm.s32 @!p0 $0x1B80;
	[tilespmem:v50+s20+$0x0] =	vst.idx.msk $0xffff, v52;
	v57 =	vld.idx.msk [tilespmem:v59+s14+$0x0], $0xffff;
	v31 =	vsel @!p0 vm7, $0x380, v31  }
0x164: {  	[tilespmem:v26+s20+$0x0] =	vst.idx.msk $0xffff, v29;
	v56 =	vor.u32 v22, v56;
	v59 =	vld.idx.msk [tilespmem:v60+s14+$0x0], $0xffff;
	v29 =	vsel @!p0 vm8, $0x800, v31;
	v31 =	vsel @!p0 vm1, $0x1000, v41  }
0x165: {  	[tilespmem:v27+s20+$0x0] =	vst.idx.msk $0xffff, v28;
	v43 =	vor.u32 v23, v62;
	v60 =	vld.idx.msk [tilespmem:v24+s14+$0x0], $0xffff;
	v24 =	vsel @!p0 vm9, $0x880, v29;
	v28 =	vsel @!p0 vm0, $0x1080, v31  }
0x166: {  	v25 =	vld.idx.msk [tilespmem:v25+s14+$0x0], $0xffff;
	v33 =	vand.u32 @!p0 $0x7F, v30;
	[tilespmem:v47+s20+$0x0] =	vst.idx.msk $0xffff, v38;
	v24 =	vsel @!p0 vm10, $0x900, v24;
	v28 =	vsel @!p0 vm2, $0x1100, v28  }
0x167: {  	v30 =	vshll.u32 @!p0 v30, $0x3;
	v61 =	vld.idx.msk [tilespmem:v61+s14+$0x0], $0xffff;
	[tilespmem:v54+s20+$0x0] =	vst.idx.msk $0xffff, v55;
	v24 =	vsel @!p0 vm11, $0x980, v24;
	v28 =	vsel @!p0 vm3, $0x1180, v28  }
0x168: {  	v30 =	vand.u32 @!p0 $0xC00, v30;
	v8 =	vld.idx.msk [tilespmem:v8+s14+$0x0], $0xffff;
	v31 =	vsel @!p0 vm12, $0xA00, v24;
	v28 =	vsel @!p0 vm4, $0x1200, v28  }
0x169: {  	v24 =	vor.u32 @!p0 v33, v30;
	v30 =	vimm.s32 @!p0 $0x2B80;
	[tilespmem:v58+s20+$0x0] =	vst.idx.msk $0xffff, v59;
	v28 =	vsel @!p0 vm5, $0x1280, v28  }
0x16a: {  	v51 =	vor.u32 v23, v63;
	[tilespmem:v36+s20+$0x0] =	vst.idx.msk $0xffff, v57;
	v30 =	vsel @!p0 vm1, $0x2000, v30;
	v63 =	vld.idx.msk [tilespmem:v56+s14+$0x0], $0xffff;
	v28 =	vsel @!p0 vm6, $0x1300, v28  }
0x16b: {  	[tilespmem:v34+s20+$0x0] =	vst.idx.msk $0xffff, v25;
	v62 =	vld.idx.msk [tilespmem:v37+s14+$0x0], $0xffff;
	v31 =	vsel @!p0 vm13, $0xA80, v31;
	v25 =	vsel @!p0 vm7, $0x1380, v28;
	v28 =	vsel @!p0 vm0, $0x2080, v30  }
0x16c: {  	[tilespmem:v39+s20+$0x0] =	vst.idx.msk $0xffff, v61;
	v29 =	vsel @!p0 vm14, $0xB00, v31;
	v25 =	vsel @!p0 vm8, $0x1800, v25;
	v28 =	vsel @!p0 vm2, $0x2100, v28  }
0x16d: {  	[tilespmem:v43+s20+$0x0] =	vst.idx.msk $0xffff, v8;
	v8 =	vadd.s32 @!p0 v29, v24;
	v25 =	vsel @!p0 vm9, $0x1880, v25;
	v28 =	vsel @!p0 vm3, $0x2180, v28  }
0x16e: {  	[tilespmem:v35+s20+$0x0] =	vst.idx.msk $0xffff, v60;
	v25 =	vsel @!p0 vm10, $0x1900, v25;
	v26 =	vsel @!p0 vm4, $0x2200, v28  }
0x16f: {  	[tilespmem:v9+s20+$0x0] =	vst.idx.msk $0xffff, v63;
	v9 =	vsel @!p0 vm11, $0x1980, v25;
	v25 =	vsel @!p0 vm5, $0x2280, v26;
	v26 =	vimm.s32 @!p0 $0x3B80  }
0x170: {  	s31 =	sadd.s32 s25, s7;
	s0 =	simm.s32 @!p0 $0x0;
	[tilespmem:v51+s20+$0x0] =	vst.idx.msk $0xffff, v62;
	v9 =	vsel @!p0 vm12, $0x1A00, v9;
	v25 =	vsel @!p0 vm6, $0x2300, v25;
	v26 =	vsel @!p0 vm1, $0x3000, v26  }
0x171: {  	[hbm4b:s31+s17] =	stream.strided.scatter [tilespmem:s20], [sflag:$0x4], $0x2000, s11, s17, $0x38;
	v9 =	vsel @!p0 vm13, $0x1A80, v9;
	v25 =	vsel @!p0 vm7, $0x2380, v25;
	v26 =	vsel @!p0 vm0, $0x3080, v26;
	[tilespmem:$0x14100] =	vst v63  }
0x172: {  	v8 =	vld.idx.msk @!p0 [tilespmem:v8+s0+$0x0], $0xffff;
	v9 =	vsel @!p0 vm14, $0x1B00, v9;
	v25 =	vsel @!p0 vm8, $0x2800, v25;
	v26 =	vsel @!p0 vm2, $0x3100, v26  }
0x173: {  	v9 =	vadd.s32 @!p0 v9, v24;
	v25 =	vsel @!p0 vm9, $0x2880, v25;
	v26 =	vsel @!p0 vm3, $0x3180, v26  }
0x174: {  	v25 =	vsel @!p0 vm10, $0x2900, v25;
	v26 =	vsel @!p0 vm4, $0x3200, v26  }
0x175: {  	v27 =	vimm.s32 @!p0 $0x4B80;
	v25 =	vsel @!p0 vm11, $0x2980, v25;
	v26 =	vsel @!p0 vm5, $0x3280, v26  }
0x176: {  	v27 =	vsel @!p0 vm1, $0x4000, v27;
	v25 =	vsel @!p0 vm12, $0x2A00, v25;
	v26 =	vsel @!p0 vm6, $0x3300, v26  }
0x177: {  	[tilespmem:$0x8080] =	vst @!p0 v8;
	v8 =	vsel @!p0 vm13, $0x2A80, v25;
	v25 =	vsel @!p0 vm7, $0x3380, v26;
	v26 =	vsel @!p0 vm0, $0x4080, v27  }
0x178: {  	v9 =	vld.idx.msk @!p0 [tilespmem:v9+s0+$0x0], $0xffff;
	v8 =	vsel @!p0 vm14, $0x2B00, v8;
	v25 =	vsel @!p0 vm8, $0x3800, v25;
	v26 =	vsel @!p0 vm2, $0x4100, v26  }
0x179: {  	v8 =	vadd.s32 @!p0 v8, v24;
	v25 =	vsel @!p0 vm9, $0x3880, v25;
	v26 =	vsel @!p0 vm3, $0x4180, v26  }
0x17a: {  	v25 =	vsel @!p0 vm10, $0x3900, v25;
	v26 =	vsel @!p0 vm4, $0x4200, v26  }
0x17b: {  	v27 =	vimm.s32 @!p0 $0x5B80;
	v25 =	vsel @!p0 vm11, $0x3980, v25;
	v26 =	vsel @!p0 vm5, $0x4280, v26  }
0x17c: {  	v27 =	vsel @!p0 vm1, $0x5000, v27;
	v25 =	vsel @!p0 vm12, $0x3A00, v25;
	v26 =	vsel @!p0 vm6, $0x4300, v26  }
0x17d: {  	[tilespmem:$0x8090] =	vst @!p0 v9;
	v9 =	vsel @!p0 vm13, $0x3A80, v25;
	v25 =	vsel @!p0 vm7, $0x4380, v26;
	v26 =	vsel @!p0 vm0, $0x5080, v27  }
0x17e: {  	v8 =	vld.idx.msk @!p0 [tilespmem:v8+s0+$0x0], $0xffff;
	v9 =	vsel @!p0 vm14, $0x3B00, v9;
	v25 =	vsel @!p0 vm8, $0x4800, v25;
	v26 =	vsel @!p0 vm2, $0x5100, v26  }
0x17f: {  	v9 =	vadd.s32 @!p0 v9, v24;
	v25 =	vsel @!p0 vm9, $0x4880, v25;
	v26 =	vsel @!p0 vm3, $0x5180, v26  }
0x180: {  	v25 =	vsel @!p0 vm10, $0x4900, v25;
	v26 =	vsel @!p0 vm4, $0x5200, v26  }
0x181: {  	v27 =	vimm.s32 @!p0 $0x6B80;
	v25 =	vsel @!p0 vm11, $0x4980, v25;
	v26 =	vsel @!p0 vm5, $0x5280, v26  }
0x182: {  	v27 =	vsel @!p0 vm1, $0x6000, v27;
	v25 =	vsel @!p0 vm12, $0x4A00, v25;
	v26 =	vsel @!p0 vm6, $0x5300, v26  }
0x183: {  	[tilespmem:$0x80A0] =	vst @!p0 v8;
	v8 =	vsel @!p0 vm13, $0x4A80, v25;
	v25 =	vsel @!p0 vm7, $0x5380, v26;
	v26 =	vsel @!p0 vm0, $0x6080, v27  }
0x184: {  	v9 =	vld.idx.msk @!p0 [tilespmem:v9+s0+$0x0], $0xffff;
	v8 =	vsel @!p0 vm14, $0x4B00, v8;
	v25 =	vsel @!p0 vm8, $0x5800, v25;
	v26 =	vsel @!p0 vm2, $0x6100, v26  }
0x185: {  	v8 =	vadd.s32 @!p0 v8, v24;
	v25 =	vsel @!p0 vm9, $0x5880, v25;
	v26 =	vsel @!p0 vm3, $0x6180, v26  }
0x186: {  	v25 =	vsel @!p0 vm10, $0x5900, v25;
	v26 =	vsel @!p0 vm4, $0x6200, v26  }
0x187: {  	v27 =	vimm.s32 @!p0 $0x7B80;
	v25 =	vsel @!p0 vm11, $0x5980, v25;
	v26 =	vsel @!p0 vm5, $0x6280, v26  }
0x188: {  	v27 =	vsel @!p0 vm1, $0x7000, v27;
	v25 =	vsel @!p0 vm12, $0x5A00, v25;
	v26 =	vsel @!p0 vm6, $0x6300, v26  }
0x189: {  	[tilespmem:$0x80B0] =	vst @!p0 v9;
	v9 =	vsel @!p0 vm13, $0x5A80, v25;
	v25 =	vsel @!p0 vm7, $0x6380, v26;
	v26 =	vsel @!p0 vm0, $0x7080, v27  }
0x18a: {  	v8 =	vld.idx.msk @!p0 [tilespmem:v8+s0+$0x0], $0xffff;
	v9 =	vsel @!p0 vm14, $0x5B00, v9;
	v25 =	vsel @!p0 vm8, $0x6800, v25;
	v26 =	vsel @!p0 vm2, $0x7100, v26  }
0x18b: {  	v9 =	vadd.s32 @!p0 v9, v24;
	v25 =	vsel @!p0 vm9, $0x6880, v25;
	v26 =	vsel @!p0 vm3, $0x7180, v26  }
0x18c: {  	v25 =	vsel @!p0 vm10, $0x6900, v25;
	v26 =	vsel @!p0 vm4, $0x7200, v26  }
0x18d: {  	v25 =	vsel @!p0 vm11, $0x6980, v25;
	v26 =	vsel @!p0 vm5, $0x7280, v26  }
0x18e: {  	v25 =	vsel @!p0 vm12, $0x6A00, v25;
	v26 =	vsel @!p0 vm6, $0x7300, v26  }
0x18f: {  	[tilespmem:$0x80C0] =	vst @!p0 v8;
	v8 =	vsel @!p0 vm13, $0x6A80, v25;
	v25 =	vsel @!p0 vm7, $0x7380, v26  }
0x190: {  	v9 =	vld.idx.msk @!p0 [tilespmem:v9+s0+$0x0], $0xffff;
	v8 =	vsel @!p0 vm14, $0x6B00, v8;
	v25 =	vsel @!p0 vm8, $0x7800, v25  }
0x191: {  	v8 =	vadd.s32 @!p0 v8, v24;
	v25 =	vsel @!p0 vm9, $0x7880, v25  }
0x192: {  	v25 =	vsel @!p0 vm10, $0x7900, v25  }
0x193: {  	v25 =	vsel @!p0 vm11, $0x7980, v25  }
0x194: {  	v25 =	vsel @!p0 vm12, $0x7A00, v25  }
0x195: {  	[tilespmem:$0x80D0] =	vst @!p0 v9;
	v9 =	vsel @!p0 vm13, $0x7A80, v25  }
0x196: {  	v8 =	vld.idx.msk @!p0 [tilespmem:v8+s0+$0x0], $0xffff;
	v9 =	vsel @!p0 vm14, $0x7B00, v9  }
0x197: {  	v9 =	vadd.s32 @!p0 v9, v24;
	_ =	sdelay $0x3  }
0x198: {  	[tilespmem:$0x80E0] =	vst @!p0 v8  }
0x199: {  	v8 =	vld.idx.msk @!p0 [tilespmem:v9+s0+$0x0], $0xffff;
	_ =	sdelay $0x3  }
0x19a: {  	s23 =	simm.s32 @!p0 $0x8080  }
0x19b: {  	s24 =	simm.s32 @!p0 $0xC100;
	p1 =	sne.s32 @!p0 s26, $0x64;
	s0 =	simm.s32 @!p0 $0x80;
	[tilespmem:$0x80F0] =	vst @!p0 v8  }
0x19c: {  	[tilespmem:s24], [sflag:$0x2] =	stream.indirect.gather @!p0 [hbm4b:s5+s0], $0x80, s23, s0, $0xb8;
	[tilespmem:$0x14100] =	vst v63  }
0x19d: {  	p0 =	por p0, !p1  }
.Ltmp5:
0x19e: {  	_ = 	snop;
	(pc) =	sbr.rel @!p0 .LBB2_2-.Ltmp5, $2  }
0x19f: {  	_ =	sdelay $0x2  }
0x1a0: {  	s23 =	smov.u32 s26  }
0x1a1: {  	s22 =	sadd.s32 $0x1, s22  }
0x1a2: {  	_ =	swait.ge [sflag:s21], $0x2000;
	p0 =	sne.s32 s22, s8  }
.Ltmp6:
0x1a3: {  	[sflag:s21] =	ssyncset.done $0x0;
	(pc) =	sbr.rel @p0 .LBB2_1-.Ltmp6, $4  }
0x1a4: {  	[sflag:s21] =	ssyncadd.s32 $0xFFFFE000  }
0x1a5: {  	_ =	swait.ge [sflag:s19], $0x2000  }
0x1a6: {  	[sflag:s19] =	ssyncset.done $0x0  }
0x1a7: {  	[sflag:s19] =	ssyncadd.s32 $0xFFFFE000  }
0x1a8: {  	_ =	sfence.sel $0x180000  }
0x1a9: {  	[bflag:$0x0] =	sbarrier.arrive $0xFFFF  }
0x1aa: {  	_ =	strace $0x9000004A  }
0x1ab: {  	[bflag:$0x2] =	sbarrier.arrive $0xFFFF  }
0x1ac: {  	p0 =	sne.s32 s2, $0x0;
	s0 =	rddreg [dreg:$0x2]  }
0x1ad: {  	s0 =	sadd.s32 @!p0 $0x100000, s0  }
0x1ae: {  	[sflag:s0] =	ssyncadd.tile.s32 @!p0 $0x1;
	_ =	shalt  }
.Lfunc_end2:
_tile_overlayer_lowered:
.L_overlay_start_2:
0x1af: {  	(tag) =	ssettag $0x2  }
0x1b0: {  	s0 =	rddreg [dreg:$0x0];
	s2 =	stileid.u32  }
0x1b1: {  	s1 =	rddreg [dreg:$0x1];
	p0 =	sne.s32 s2, $0x0  }
0x1b2: {  	s3 =	rddreg [dreg:$0x2];
	[bflag:$0x3] =	sbarrier.arrive $0xFFFF;
	s2 =	simm.s32 @!p0 $0x1C05  }
0x1b3: {  	[timem:s3], [sflag:s2] =	dma.local @!p0 [hbm:s0], s1  }
0x1b4: {  	s0 =	simm.s32 @!p0 $0x5  }
0x1b5: {  	_ =	swait.ge @!p0 [sflag:s0], s1  }
0x1b6: {  	s1 =	ssub.s32 @!p0 $0x0, s1;
	[sflag:s0] =	ssyncset.done @!p0 $0x0  }
0x1b7: {  	[sflag:s0] =	ssyncadd.s32 @!p0 s1  }
0x1b8: {  	[bflag:$0x3] =	sbarrier.arrive $0xFFFF  }
0x1b9: {  	_ =	shalt  }

</sc_bundles>
